<compile_context>
chip_gen: v7x
topology: tpu7x:2x2x1
jax: 0.10.2.dev20260603
libtpu: 0.0.44.dev20260713+nightly
codegen_flags: <defaults>
</compile_context>

<pallas_src>
import functools

import jax
import jax.numpy as jnp
from jax import lax
from jax.experimental import pallas as pl
from jax.experimental.pallas import tpu as pltpu
from jax.experimental.pallas import tpu_sc as plsc

_K = 100
_J = 17
_H = 128
_W = 128
_HW = _H * _W
_NMAPS = 1 + _J
_C = 38
_THRESH = 0.1
_BIG = 1 << 30


def _nms_kernel(hm_ref, hmhp_ref, out_ref, l1_ref, l2_ref):
    f32 = jnp.float32
    ninf = f32(-jnp.inf)
    x = jax.nn.sigmoid(jnp.concatenate(
        [hm_ref[...], hmhp_ref[...]], axis=0))
    negc = jnp.full((_NMAPS, _H, 1), ninf, f32)
    xl = jnp.concatenate([x[:, :, 1:], negc], axis=2)
    xr = jnp.concatenate([negc, x[:, :, :-1]], axis=2)
    m1 = jnp.maximum(jnp.maximum(xl, xr), x)
    negr = jnp.full((_NMAPS, 1, _W), ninf, f32)
    mu = jnp.concatenate([m1[:, 1:, :], negr], axis=1)
    md = jnp.concatenate([negr, m1[:, :-1, :]], axis=1)
    hmax = jnp.maximum(jnp.maximum(mu, md), m1)
    nmsed = jnp.where(hmax == x, x, 0.0)
    out_ref[...] = nmsed
    l1 = jnp.max(nmsed.reshape(_NMAPS, _H, 8, 16), axis=3)
    l1_ref[...] = jnp.concatenate(
        [l1, jnp.full((_NMAPS, _H, 8), -1.0, f32)], axis=2)
    l2_ref[...] = jnp.max(nmsed, axis=2)


def _topk_sc_kernel(heat_hbm, l1_hbm, l2_hbm, scores_hbm, inds_hbm,
                    vals, l1, l2, outs, outi):
    f32 = jnp.float32
    i32 = jnp.int32
    wid = lax.axis_index("s") * 2 + lax.axis_index("c")
    iota16 = lax.broadcasted_iota(i32, (16,), 0)

    def take16(v, idx):
        return lax.gather(
            v, idx[:, None],
            lax.GatherDimensionNumbers(offset_dims=(),
                                       collapsed_slice_dims=(0,),
                                       start_index_map=(0,)),
            (1,), mode=lax.GatherScatterMode.PROMISE_IN_BOUNDS)

    def bmax(v):
        for s in (8, 4, 2, 1):
            v = jnp.maximum(v, take16(v, iota16 ^ s))
        return v

    def bmin(v):
        for s in (8, 4, 2, 1):
            v = jnp.minimum(v, take16(v, iota16 ^ s))
        return v

    def to_scalar(vec):
        return vec[0]

    @pl.when(wid < _NMAPS)
    def _():
        pltpu.sync_copy(heat_hbm.at[wid], vals)
        pltpu.sync_copy(l1_hbm.at[wid], l1)
        pltpu.sync_copy(l2_hbm.at[wid], l2)

        def extract(j, carry):
            ov, oi = carry
            rows = [l2[pl.ds(16 * q, 16)] for q in range(8)]
            t = rows[0]
            for q in range(1, 8):
                t = jnp.maximum(t, rows[q])
            mv = bmax(t)
            rsel = jnp.where(rows[0] == mv, iota16, _BIG)
            for q in range(1, 8):
                rsel = jnp.minimum(
                    rsel, jnp.where(rows[q] == mv, iota16 + 16 * q, _BIG))
            rv = bmin(rsel)
            r = to_scalar(rv)
            c1 = l1[r, pl.ds(0, 16)]
            qv = bmin(jnp.where(c1 == mv, iota16, _BIG))
            q = to_scalar(qv)
            vc = vals[r, pl.ds(pl.multiple_of(q * 16, 16), 16)]
            lv = bmin(jnp.where(vc == mv, iota16, _BIG))
            flatv = rv * _W + qv * 16 + lv

            vcn = jnp.where(iota16 == lv, f32(-1.0), vc)
            vals[r, pl.ds(pl.multiple_of(q * 16, 16), 16)] = vcn
            nl1 = bmax(vcn)
            c1n = jnp.where(iota16 == qv, nl1, c1)
            l1[r, pl.ds(0, 16)] = c1n
            nl2 = bmax(c1n)
            base2 = pl.multiple_of((r // 16) * 16, 16)
            c2 = l2[pl.ds(base2, 16)]
            c2n = jnp.where(base2 + iota16 == rv, nl2, c2)
            l2[pl.ds(base2, 16)] = c2n

            ov = jnp.where(iota16 == (j & 15), mv, ov)
            oi = jnp.where(iota16 == (j & 15), flatv, oi)

            @pl.when(((j & 15) == 15) | (j == _K - 1))
            def _():
                outs[pl.ds(pl.multiple_of((j // 16) * 16, 16), 16)] = ov
                outi[pl.ds(pl.multiple_of((j // 16) * 16, 16), 16)] = oi

            return ov, oi

        lax.fori_loop(0, _K, extract,
                      (jnp.zeros((16,), f32), jnp.zeros((16,), i32)))

        pltpu.sync_copy(outs, scores_hbm.at[wid])
        pltpu.sync_copy(outi, inds_hbm.at[wid])


@functools.partial(
    pl.kernel,
    mesh=plsc.VectorSubcoreMesh(core_axis_name="c", subcore_axis_name="s"),
    out_type=[jax.ShapeDtypeStruct((_NMAPS, _W), jnp.float32),
              jax.ShapeDtypeStruct((_NMAPS, _W), jnp.int32)],
    scratch_types=[
        pltpu.VMEM((_H, _W), jnp.float32),
        pltpu.VMEM((_H, 16), jnp.float32),
        pltpu.VMEM((_H,), jnp.float32),
        pltpu.VMEM((_W,), jnp.float32),
        pltpu.VMEM((_W,), jnp.int32),
    ],
)
def _topk_sc(heat_hbm, l1_hbm, l2_hbm, scores_hbm, inds_hbm,
             vals, l1, l2, outs, outi):
    _topk_sc_kernel(heat_hbm, l1_hbm, l2_hbm, scores_hbm, inds_hbm,
                    vals, l1, l2, outs, outi)


def _decode_kernel(scores_ref, inds_ref, wh_ref, hps_ref, reg_ref, hp_ref,
                   out_ref):
    f32 = jnp.float32
    scores = scores_ref[...]
    inds = inds_ref[...]
    feat = jnp.concatenate([wh_ref[...], hps_ref[...], reg_ref[...]], axis=0)
    featT = jnp.transpose(feat, (0, 2, 1)).reshape(_C * _W, _H)
    hpT = jnp.transpose(hp_ref[...], (0, 2, 1)).reshape(2 * _W, _H)

    ind0 = inds[0:1, :]
    y0 = ind0 // _W
    x0 = ind0 % _W
    ysf = y0.astype(f32)
    xsf = x0.astype(f32)

    iota_h = jax.lax.broadcasted_iota(jnp.int32, (_H, _W), 0)
    rowselT = (iota_h == y0).astype(f32)
    stage1T = jnp.dot(featT, rowselT,
                      preferred_element_type=f32)
    iota_cw = jax.lax.broadcasted_iota(jnp.int32, (_C * _W, _W), 0)
    xmask = (iota_cw % _W) == x0
    maskedT = jnp.where(xmask, stage1T, 0.0)
    sel_c = jax.lax.broadcasted_iota(jnp.int32, (_C, _C * _W), 1) // _W
    SelCT = (sel_c == jax.lax.broadcasted_iota(
        jnp.int32, (_C, _C * _W), 0)).astype(f32)
    gT = jnp.dot(SelCT, maskedT, preferred_element_type=f32)

    cidx = jax.lax.broadcasted_iota(jnp.int32, (_J, _C), 1)
    jidx = jax.lax.broadcasted_iota(jnp.int32, (_J, _C), 0)
    PxT = (cidx == 2 + 2 * jidx).astype(f32)
    PyT = (cidx == 3 + 2 * jidx).astype(f32)
    kx = jnp.dot(PxT, gT, preferred_element_type=f32) + xsf
    ky = jnp.dot(PyT, gT, preferred_element_type=f32) + ysf

    wh0 = gT[0:1, :]
    wh1 = gT[1:2, :]
    cx = xsf + gT[36:37, :]
    cy = ysf + gT[37:38, :]
    bl = cx - wh0 / 2
    bt = cy - wh1 / 2
    br = cx + wh0 / 2
    bb = cy + wh1 / 2

    sj = scores[1:_NMAPS, :]
    ij = inds[1:_NMAPS, :]
    hy_i = ij // _W
    hx_i = ij % _W
    hy = hy_i.astype(f32)
    hx = hx_i.astype(f32)

    iota_cw2 = jax.lax.broadcasted_iota(jnp.int32, (2 * _W, _W), 0)
    offx_rows = []
    offy_rows = []
    for j in range(_J):
        rs = (iota_h == hy_i[j:j + 1, :]).astype(f32)
        Aj = jnp.dot(hpT, rs, preferred_element_type=f32)
        wm = (iota_cw2 % _W) == hx_i[j:j + 1, :]
        c0 = (iota_cw2 // _W) == 0
        c1 = (iota_cw2 // _W) == 1
        offx_rows.append(jnp.sum(jnp.where(wm & c0, Aj, 0.0),
                                 axis=0, keepdims=True))
        offy_rows.append(jnp.sum(jnp.where(wm & c1, Aj, 0.0),
                                 axis=0, keepdims=True))
    offx = jnp.concatenate(offx_rows, axis=0)
    offy = jnp.concatenate(offy_rows, axis=0)

    hx = hx + offx
    hy = hy + offy
    mv = sj > _THRESH
    hs_m = jnp.where(mv, sj, -1.0)
    hx_m = jnp.where(mv, hx, -10000.0)
    hy_m = jnp.where(mv, hy, -10000.0)

    dx = kx[:, :, None] - hx_m[:, None, :]
    dy = ky[:, :, None] - hy_m[:, None, :]
    dist = jnp.sqrt(dx * dx + dy * dy)
    cl = jax.lax.broadcasted_iota(jnp.int32, (1, 1, _W), 2)
    dist = jnp.where(cl < _K, dist, jnp.float32(jnp.inf))
    min_dist = jnp.min(dist, axis=2)
    icand = jnp.where(dist == min_dist[:, :, None], cl, _BIG)
    min_ind = jnp.min(icand, axis=2)

    onehot = cl == min_ind[:, :, None]
    hs_sel = jnp.sum(jnp.where(onehot, hs_m[:, None, :], 0.0), axis=2)
    hx_sel = jnp.sum(jnp.where(onehot, hx_m[:, None, :], 0.0), axis=2)
    hy_sel = jnp.sum(jnp.where(onehot, hy_m[:, None, :], 0.0), axis=2)

    use_orig = ((hx_sel < bl) | (hx_sel > br) | (hy_sel < bt) | (hy_sel > bb)
                | (hs_sel < _THRESH)
                | (min_dist > jnp.maximum(bb - bt, br - bl) * 0.3))
    fx = jnp.where(use_orig, kx, hx_sel)
    fy = jnp.where(use_orig, ky, hy_sel)

    rows = [bl, bt, br, bb, scores[0:1, :]]
    for t in range(_J):
        rows.append(fx[t:t + 1, :])
        rows.append(fy[t:t + 1, :])
    rows.append(jnp.zeros((1, _W), f32))
    outT = jnp.concatenate(rows, axis=0)
    out_ref[...] = outT.T


def kernel(hm, wh, hps, reg, hm_hp, hp_offset):
    f32 = jnp.float32
    nmsed, l1, l2 = pl.pallas_call(
        _nms_kernel,
        out_shape=[jax.ShapeDtypeStruct((_NMAPS, _H, _W), f32),
                   jax.ShapeDtypeStruct((_NMAPS, _H, 16), f32),
                   jax.ShapeDtypeStruct((_NMAPS, _H), f32)],
    )(hm[0], hm_hp[0])

    scores, inds = _topk_sc(nmsed, l1, l2)

    out = pl.pallas_call(
        _decode_kernel,
        out_shape=jax.ShapeDtypeStruct((_H, 40), f32),
    )(scores, inds, wh[0], hps[0], reg[0], hp_offset[0])

    return out[:_K][None]

# --- scband reference (transcript-rebuilt; emitter-appended) ---
"""Pipeline reference for scband-center-net-3d-49340584297279 (READ-ONLY COPY).

The authoritative reference and input builder live on the scoring server;
editing this copy changes nothing except your own understanding.
"""

import jax, jax.numpy as jnp
import numpy as np

K = 100
NUM_JOINTS = 17
H = 128
W = 128


def setup_inputs(seed: int = 0):
    key = jax.random.key(seed)
    ks = jax.random.split(key, 6)
    return {
        "hm": jax.random.normal(ks[0], (1, 1, H, W), dtype=jnp.float32),
        "wh": jax.random.normal(ks[1], (1, 2, H, W), dtype=jnp.float32),
        "hps": jax.random.normal(ks[2], (1, 2 * NUM_JOINTS, H, W), dtype=jnp.float32),
        "reg": jax.random.normal(ks[3], (1, 2, H, W), dtype=jnp.float32),
        "hm_hp": jax.random.normal(ks[4], (1, NUM_JOINTS, H, W), dtype=jnp.float32),
        "hp_offset": jax.random.normal(ks[5], (1, 2, H, W), dtype=jnp.float32),
    }


def _nms(heat):
    hmax = jax.lax.reduce_window(heat, -jnp.inf, jax.lax.max, (1, 1, 3, 3), (1, 1, 1, 1), 'SAME')
    keep = (hmax == heat).astype(heat.dtype)
    return heat * keep


def _gather_feat(feat, ind):
    b, n, c = feat.shape
    idx = jnp.broadcast_to(ind[:, :, None], (b, ind.shape[1], c))
    return jnp.take_along_axis(feat, idx, axis=1)


def _transpose_and_gather_feat(feat, ind):
    b, c, h, w = feat.shape
    feat = jnp.transpose(feat, (0, 2, 3, 1)).reshape(b, h * w, c)
    return _gather_feat(feat, ind)


def _topk(scores, k):
    b, cat, h, w = scores.shape
    topk_scores, topk_inds = jax.lax.top_k(scores.reshape(b, cat, -1), k)
    topk_ys = (topk_inds // w).astype(jnp.float32)
    topk_xs = (topk_inds % w).astype(jnp.float32)
    topk_score, topk_ind = jax.lax.top_k(topk_scores.reshape(b, -1), k)
    topk_clses = topk_ind // k
    topk_inds = jnp.take_along_axis(topk_inds.reshape(b, -1), topk_ind, axis=1)
    topk_ys = jnp.take_along_axis(topk_ys.reshape(b, -1), topk_ind, axis=1)
    topk_xs = jnp.take_along_axis(topk_xs.reshape(b, -1), topk_ind, axis=1)
    return topk_score, topk_inds, topk_clses, topk_ys, topk_xs


def _topk_channel(scores, k):
    b, cat, h, w = scores.shape
    topk_scores, topk_inds = jax.lax.top_k(scores.reshape(b, cat, -1), k)
    topk_ys = (topk_inds // w).astype(jnp.float32)
    topk_xs = (topk_inds % w).astype(jnp.float32)
    return topk_scores, topk_inds, topk_ys, topk_xs


def multi_pose_decode(heat, wh, kps, reg, hm_hp, hp_offset, k):
    batch, cat, height, width = heat.shape
    num_joints = kps.shape[1] // 2
    heat = _nms(heat)
    scores, inds, clses, ys, xs = _topk(heat, k)
    kps = _transpose_and_gather_feat(kps, inds).reshape(batch, k, num_joints * 2)
    kps = kps.at[..., 0::2].add(jnp.broadcast_to(xs[:, :, None], (batch, k, num_joints)))
    kps = kps.at[..., 1::2].add(jnp.broadcast_to(ys[:, :, None], (batch, k, num_joints)))
    reg = _transpose_and_gather_feat(reg, inds).reshape(batch, k, 2)
    xs = xs[:, :, None] + reg[:, :, 0:1]
    ys = ys[:, :, None] + reg[:, :, 1:2]
    wh = _transpose_and_gather_feat(wh, inds).reshape(batch, k, 2)
    clses = clses[:, :, None].astype(jnp.float32)
    scores = scores[:, :, None]
    bboxes = jnp.concatenate([xs - wh[..., 0:1] / 2, ys - wh[..., 1:2] / 2,
                              xs + wh[..., 0:1] / 2, ys + wh[..., 1:2] / 2], axis=2)
    hm_hp = _nms(hm_hp)
    thresh = 0.1
    kps = jnp.transpose(kps.reshape(batch, k, num_joints, 2), (0, 2, 1, 3))
    reg_kps = jnp.broadcast_to(kps[:, :, :, None, :], (batch, num_joints, k, k, 2))
    hm_score, hm_inds, hm_ys, hm_xs = _topk_channel(hm_hp, k)
    hp_off = _transpose_and_gather_feat(hp_offset, hm_inds.reshape(batch, -1))
    hp_off = hp_off.reshape(batch, num_joints, k, 2)
    hm_xs = hm_xs + hp_off[:, :, :, 0]
    hm_ys = hm_ys + hp_off[:, :, :, 1]
    mask = (hm_score > thresh).astype(jnp.float32)
    hm_score = (1 - mask) * -1 + mask * hm_score
    hm_ys = (1 - mask) * (-10000.0) + mask * hm_ys
    hm_xs = (1 - mask) * (-10000.0) + mask * hm_xs
    hm_kps_full = jnp.broadcast_to(jnp.stack([hm_xs, hm_ys], axis=-1)[:, :, None, :, :],
                                   (batch, num_joints, k, k, 2))
    dist = jnp.sqrt(((reg_kps - hm_kps_full) ** 2).sum(axis=4))
    min_dist = dist.min(axis=3)
    min_ind = dist.argmin(axis=3)
    hm_score = jnp.take_along_axis(hm_score, min_ind, axis=2)[..., None]
    min_dist = min_dist[..., None]
    min_ind2 = jnp.broadcast_to(min_ind[:, :, :, None, None], (batch, num_joints, k, 1, 2))
    hm_kps = jnp.take_along_axis(hm_kps_full, min_ind2, axis=3).reshape(batch, num_joints, k, 2)
    l = jnp.broadcast_to(bboxes[:, :, 0].reshape(batch, 1, k, 1), (batch, num_joints, k, 1))
    t = jnp.broadcast_to(bboxes[:, :, 1].reshape(batch, 1, k, 1), (batch, num_joints, k, 1))
    r = jnp.broadcast_to(bboxes[:, :, 2].reshape(batch, 1, k, 1), (batch, num_joints, k, 1))
    b_ = jnp.broadcast_to(bboxes[:, :, 3].reshape(batch, 1, k, 1), (batch, num_joints, k, 1))
    mask = ((hm_kps[..., 0:1] < l).astype(jnp.float32) + (hm_kps[..., 0:1] > r).astype(jnp.float32) +
            (hm_kps[..., 1:2] < t).astype(jnp.float32) + (hm_kps[..., 1:2] > b_).astype(jnp.float32) +
            (hm_score < thresh).astype(jnp.float32) +
            (min_dist > (jnp.maximum(b_ - t, r - l) * 0.3)).astype(jnp.float32))
    mask = jnp.broadcast_to((mask > 0).astype(jnp.float32), (batch, num_joints, k, 2))
    kps = (1 - mask) * hm_kps + mask * kps
    kps = jnp.transpose(kps, (0, 2, 1, 3)).reshape(batch, k, num_joints * 2)
    detections = jnp.concatenate([bboxes, scores, kps, clses], axis=2)
    return detections


def reference(hm, wh, hps, reg, hm_hp, hp_offset):
    hm = jax.nn.sigmoid(hm)
    hm_hp = jax.nn.sigmoid(hm_hp)
    dets = multi_pose_decode(hm, wh, hps, reg, hm_hp, hp_offset, K)
    return dets.reshape(1, -1, dets.shape[2])

if __name__ == "__main__":
    import jax
    _d = setup_inputs()
    print(jax.jit(kernel)(*tuple(_d.values())))

</pallas_src>

<mosaic_0001>
#map = affine_map<(d0, d1) -> (0, 0, 0)>
#map1 = affine_map<(d0, d1) -> (0, 0)>
module attributes {stable_mosaic.version = 14 : i64} {
  func.func @_topk_sc(%arg0: i32, %arg1: i32, %arg2: memref<18x128x128xf32, #tpu.memory_space<hbm>>, %arg3: memref<18x128x16xf32, #tpu.memory_space<hbm>>, %arg4: memref<18x128xf32, #tpu.memory_space<hbm>>, %arg5: memref<18x128xf32, #tpu.memory_space<hbm>>, %arg6: memref<18x128xi32, #tpu.memory_space<hbm>>, %arg7: memref<128x128xf32, #tpu.memory_space<vmem>>, %arg8: memref<128x16xf32, #tpu.memory_space<vmem>>, %arg9: memref<128xf32, #tpu.memory_space<vmem>>, %arg10: memref<128xf32, #tpu.memory_space<vmem>>, %arg11: memref<128xi32, #tpu.memory_space<vmem>>) attributes {dimension_semantics = [#tpu.dimension_semantics<core_parallel>, #tpu.dimension_semantics<subcore_parallel>], iteration_bounds = array<i64: 2, 16>, scalar_prefetch = 0 : i64, scratch_operands = 5 : i64, tpu.core_type = #tpu.core_type<sc_vector_subcore>, window_params = [{transform_indices = #map}, {transform_indices = #map}, {transform_indices = #map1}, {transform_indices = #map1}, {transform_indices = #map1}]} {
    %mul3A = arith.constant 2 : i32
    %mul3A_0 = arith.muli %arg1, %mul3A : i32
    %add3A = arith.addi %mul3A_0, %arg0 : i32
    %iota3A = tpu.iota {dimensions = array<i32: 0>} : vector<16xi32>
    %lt3A = arith.constant 18 : i32
    %lt3A_1 = arith.cmpi slt, %add3A, %lt3A : i32
    %convert_element_type3A = arith.extui %lt3A_1 : i1 to i32
    %cond3A = arith.constant 0 : i32
    %cond3A_2 = arith.cmpi ne, %convert_element_type3A, %cond3A : i32
    scf.if %cond3A_2 {
      "tpu.region"() ({
        %run_scoped3A = tpu.sem_alloc : memref<!tpu.dma_semaphore, #tpu.memory_space<semaphore_mem>>
        %dma_start3A = arith.constant 0 : i32
        %dma_start3A_11 = arith.constant 0 : i32
        %dma_start3A_12 = tpu.memref_slice %arg2[%add3A, %dma_start3A, %dma_start3A_11] : memref<18x128x128xf32, #tpu.memory_space<hbm>> -> memref<1x128x128xf32, #tpu.memory_space<hbm>>
        %dma_start3A_13 = tpu.memref_squeeze %dma_start3A_12 : memref<1x128x128xf32, #tpu.memory_space<hbm>> -> memref<128x128xf32, #tpu.memory_space<hbm>>
        %dma_start3A_14 = arith.constant 0 : i32
        %dma_start3A_15 = arith.constant 0 : i32
        %dma_start3A_16 = tpu.memref_slice %arg2[%add3A, %dma_start3A_14, %dma_start3A_15] : memref<18x128x128xf32, #tpu.memory_space<hbm>> -> memref<1x128x128xf32, #tpu.memory_space<hbm>>
        %dma_start3A_17 = tpu.memref_squeeze %dma_start3A_16 : memref<1x128x128xf32, #tpu.memory_space<hbm>> -> memref<128x128xf32, #tpu.memory_space<hbm>>
        tpu.enqueue_dma source(%dma_start3A_17 : memref<128x128xf32, #tpu.memory_space<hbm>>) target(%arg7 : memref<128x128xf32, #tpu.memory_space<vmem>>) target_semaphore(%run_scoped3A : memref<!tpu.dma_semaphore, #tpu.memory_space<semaphore_mem>>)
        %dma_wait3A = arith.constant 0 : i32
        %dma_wait3A_18 = arith.constant 0 : i32
        %dma_wait3A_19 = tpu.memref_slice %arg2[%add3A, %dma_wait3A, %dma_wait3A_18] : memref<18x128x128xf32, #tpu.memory_space<hbm>> -> memref<1x128x128xf32, #tpu.memory_space<hbm>>
        %dma_wait3A_20 = tpu.memref_squeeze %dma_wait3A_19 : memref<1x128x128xf32, #tpu.memory_space<hbm>> -> memref<128x128xf32, #tpu.memory_space<hbm>>
        %dma_wait3A_21 = arith.constant 0 : i32
        %dma_wait3A_22 = arith.constant 0 : i32
        %dma_wait3A_23 = tpu.memref_slice %arg2[%add3A, %dma_wait3A_21, %dma_wait3A_22] : memref<18x128x128xf32, #tpu.memory_space<hbm>> -> memref<1x128x128xf32, #tpu.memory_space<hbm>>
        %dma_wait3A_24 = tpu.memref_squeeze %dma_wait3A_23 : memref<1x128x128xf32, #tpu.memory_space<hbm>> -> memref<128x128xf32, #tpu.memory_space<hbm>>
        tpu.wait_dma2 semaphore(%run_scoped3A : memref<!tpu.dma_semaphore, #tpu.memory_space<semaphore_mem>>) src(%dma_wait3A_24 : memref<128x128xf32, #tpu.memory_space<hbm>>) dst(%arg7 : memref<128x128xf32, #tpu.memory_space<vmem>>)
        tpu.yield
      }) : () -> ()
      "tpu.region"() ({
        %run_scoped3A = tpu.sem_alloc : memref<!tpu.dma_semaphore, #tpu.memory_space<semaphore_mem>>
        %dma_start3A = arith.constant 0 : i32
        %dma_start3A_11 = arith.constant 0 : i32
        %dma_start3A_12 = tpu.memref_slice %arg3[%add3A, %dma_start3A, %dma_start3A_11] : memref<18x128x16xf32, #tpu.memory_space<hbm>> -> memref<1x128x16xf32, #tpu.memory_space<hbm>>
        %dma_start3A_13 = tpu.memref_squeeze %dma_start3A_12 : memref<1x128x16xf32, #tpu.memory_space<hbm>> -> memref<128x16xf32, #tpu.memory_space<hbm>>
        %dma_start3A_14 = arith.constant 0 : i32
        %dma_start3A_15 = arith.constant 0 : i32
        %dma_start3A_16 = tpu.memref_slice %arg3[%add3A, %dma_start3A_14, %dma_start3A_15] : memref<18x128x16xf32, #tpu.memory_space<hbm>> -> memref<1x128x16xf32, #tpu.memory_space<hbm>>
        %dma_start3A_17 = tpu.memref_squeeze %dma_start3A_16 : memref<1x128x16xf32, #tpu.memory_space<hbm>> -> memref<128x16xf32, #tpu.memory_space<hbm>>
        tpu.enqueue_dma source(%dma_start3A_17 : memref<128x16xf32, #tpu.memory_space<hbm>>) target(%arg8 : memref<128x16xf32, #tpu.memory_space<vmem>>) target_semaphore(%run_scoped3A : memref<!tpu.dma_semaphore, #tpu.memory_space<semaphore_mem>>)
        %dma_wait3A = arith.constant 0 : i32
        %dma_wait3A_18 = arith.constant 0 : i32
        %dma_wait3A_19 = tpu.memref_slice %arg3[%add3A, %dma_wait3A, %dma_wait3A_18] : memref<18x128x16xf32, #tpu.memory_space<hbm>> -> memref<1x128x16xf32, #tpu.memory_space<hbm>>
        %dma_wait3A_20 = tpu.memref_squeeze %dma_wait3A_19 : memref<1x128x16xf32, #tpu.memory_space<hbm>> -> memref<128x16xf32, #tpu.memory_space<hbm>>
        %dma_wait3A_21 = arith.constant 0 : i32
        %dma_wait3A_22 = arith.constant 0 : i32
        %dma_wait3A_23 = tpu.memref_slice %arg3[%add3A, %dma_wait3A_21, %dma_wait3A_22] : memref<18x128x16xf32, #tpu.memory_space<hbm>> -> memref<1x128x16xf32, #tpu.memory_space<hbm>>
        %dma_wait3A_24 = tpu.memref_squeeze %dma_wait3A_23 : memref<1x128x16xf32, #tpu.memory_space<hbm>> -> memref<128x16xf32, #tpu.memory_space<hbm>>
        tpu.wait_dma2 semaphore(%run_scoped3A : memref<!tpu.dma_semaphore, #tpu.memory_space<semaphore_mem>>) src(%dma_wait3A_24 : memref<128x16xf32, #tpu.memory_space<hbm>>) dst(%arg8 : memref<128x16xf32, #tpu.memory_space<vmem>>)
        tpu.yield
      }) : () -> ()
      "tpu.region"() ({
        %run_scoped3A = tpu.sem_alloc : memref<!tpu.dma_semaphore, #tpu.memory_space<semaphore_mem>>
        %dma_start3A = arith.constant 0 : i32
        %dma_start3A_11 = tpu.memref_slice %arg4[%add3A, %dma_start3A] : memref<18x128xf32, #tpu.memory_space<hbm>> -> memref<1x128xf32, #tpu.memory_space<hbm>>
        %dma_start3A_12 = tpu.memref_squeeze %dma_start3A_11 : memref<1x128xf32, #tpu.memory_space<hbm>> -> memref<128xf32, #tpu.memory_space<hbm>>
        %dma_start3A_13 = arith.constant 0 : i32
        %dma_start3A_14 = tpu.memref_slice %arg4[%add3A, %dma_start3A_13] : memref<18x128xf32, #tpu.memory_space<hbm>> -> memref<1x128xf32, #tpu.memory_space<hbm>>
        %dma_start3A_15 = tpu.memref_squeeze %dma_start3A_14 : memref<1x128xf32, #tpu.memory_space<hbm>> -> memref<128xf32, #tpu.memory_space<hbm>>
        tpu.enqueue_dma source(%dma_start3A_15 : memref<128xf32, #tpu.memory_space<hbm>>) target(%arg9 : memref<128xf32, #tpu.memory_space<vmem>>) target_semaphore(%run_scoped3A : memref<!tpu.dma_semaphore, #tpu.memory_space<semaphore_mem>>)
        %dma_wait3A = arith.constant 0 : i32
        %dma_wait3A_16 = tpu.memref_slice %arg4[%add3A, %dma_wait3A] : memref<18x128xf32, #tpu.memory_space<hbm>> -> memref<1x128xf32, #tpu.memory_space<hbm>>
        %dma_wait3A_17 = tpu.memref_squeeze %dma_wait3A_16 : memref<1x128xf32, #tpu.memory_space<hbm>> -> memref<128xf32, #tpu.memory_space<hbm>>
        %dma_wait3A_18 = arith.constant 0 : i32
        %dma_wait3A_19 = tpu.memref_slice %arg4[%add3A, %dma_wait3A_18] : memref<18x128xf32, #tpu.memory_space<hbm>> -> memref<1x128xf32, #tpu.memory_space<hbm>>
        %dma_wait3A_20 = tpu.memref_squeeze %dma_wait3A_19 : memref<1x128xf32, #tpu.memory_space<hbm>> -> memref<128xf32, #tpu.memory_space<hbm>>
        tpu.wait_dma2 semaphore(%run_scoped3A : memref<!tpu.dma_semaphore, #tpu.memory_space<semaphore_mem>>) src(%dma_wait3A_20 : memref<128xf32, #tpu.memory_space<hbm>>) dst(%arg9 : memref<128xf32, #tpu.memory_space<vmem>>)
        tpu.yield
      }) : () -> ()
      %broadcast_in_dim3A = arith.constant 0.000000e+00 : f32
      %broadcast_in_dim3A_3 = vector.broadcast %broadcast_in_dim3A : f32 to vector<16xf32>
      %broadcast_in_dim3A_4 = arith.constant 0 : i32
      %broadcast_in_dim3A_5 = vector.broadcast %broadcast_in_dim3A_4 : i32 to vector<16xi32>
      %scan3A = arith.constant 0 : i32
      %scan3A_6 = arith.constant 100 : i32
      %scan3A_7 = arith.addi %scan3A, %scan3A_6 : i32
      %scan3A_8 = arith.constant 1 : i32
      %scan3A_9:2 = scf.for %scan3A_11 = %scan3A to %scan3A_7 step %scan3A_8 iter_args(%scan3A_12 = %broadcast_in_dim3A_3, %scan3A_13 = %broadcast_in_dim3A_5) -> (vector<16xf32>, vector<16xi32>)  : i32 {
        %get3A = arith.constant 0 : index
        %get3A_14 = tpu.vector_load %arg9[%get3A] {strides = array<i32>} : memref<128xf32, #tpu.memory_space<vmem>>, vector<16xf32>,
        %get3A_15 = vector.shape_cast %get3A_14 : vector<16xf32> to vector<16xf32>
        %get3A_16 = arith.constant 16 : index
        %get3A_17 = tpu.vector_load %arg9[%get3A_16] {strides = array<i32>} : memref<128xf32, #tpu.memory_space<vmem>>, vector<16xf32>,
        %get3A_18 = vector.shape_cast %get3A_17 : vector<16xf32> to vector<16xf32>
        %get3A_19 = arith.constant 32 : index
        %get3A_20 = tpu.vector_load %arg9[%get3A_19] {strides = array<i32>} : memref<128xf32, #tpu.memory_space<vmem>>, vector<16xf32>,
        %get3A_21 = vector.shape_cast %get3A_20 : vector<16xf32> to vector<16xf32>
        %get3A_22 = arith.constant 48 : index
        %get3A_23 = tpu.vector_load %arg9[%get3A_22] {strides = array<i32>} : memref<128xf32, #tpu.memory_space<vmem>>, vector<16xf32>,
        %get3A_24 = vector.shape_cast %get3A_23 : vector<16xf32> to vector<16xf32>
        %get3A_25 = arith.constant 64 : index
        %get3A_26 = tpu.vector_load %arg9[%get3A_25] {strides = array<i32>} : memref<128xf32, #tpu.memory_space<vmem>>, vector<16xf32>,
        %get3A_27 = vector.shape_cast %get3A_26 : vector<16xf32> to vector<16xf32>
        %get3A_28 = arith.constant 80 : index
        %get3A_29 = tpu.vector_load %arg9[%get3A_28] {strides = array<i32>} : memref<128xf32, #tpu.memory_space<vmem>>, vector<16xf32>,
        %get3A_30 = vector.shape_cast %get3A_29 : vector<16xf32> to vector<16xf32>
        %get3A_31 = arith.constant 96 : index
        %get3A_32 = tpu.vector_load %arg9[%get3A_31] {strides = array<i32>} : memref<128xf32, #tpu.memory_space<vmem>>, vector<16xf32>,
        %get3A_33 = vector.shape_cast %get3A_32 : vector<16xf32> to vector<16xf32>
        %get3A_34 = arith.constant 112 : index
        %get3A_35 = tpu.vector_load %arg9[%get3A_34] {strides = array<i32>} : memref<128xf32, #tpu.memory_space<vmem>>, vector<16xf32>,
        %get3A_36 = vector.shape_cast %get3A_35 : vector<16xf32> to vector<16xf32>
        %max3A = arith.maximumf %get3A_15, %get3A_18 : vector<16xf32>
        %max3A_37 = arith.maximumf %max3A, %get3A_21 : vector<16xf32>
        %max3A_38 = arith.maximumf %max3A_37, %get3A_24 : vector<16xf32>
        %max3A_39 = arith.maximumf %max3A_38, %get3A_27 : vector<16xf32>
        %max3A_40 = arith.maximumf %max3A_39, %get3A_30 : vector<16xf32>
        %max3A_41 = arith.maximumf %max3A_40, %get3A_33 : vector<16xf32>
        %max3A_42 = arith.maximumf %max3A_41, %get3A_36 : vector<16xf32>
        %xor3A = arith.constant 8 : i32
        %xor3A_43 = vector.broadcast %xor3A : i32 to vector<16xi32>
        %xor3A_44 = arith.xori %iota3A, %xor3A_43 : vector<16xi32>
        %broadcast_in_dim3A_45 = vector.shape_cast %xor3A_44 : vector<16xi32> to vector<16x1xi32>
        %gather3A = vector.shape_cast %broadcast_in_dim3A_45 : vector<16x1xi32> to vector<16xi32>
        %gather3A_46 = tpu.dynamic_gather %max3A_42[%gather3A] in [0] : vector<16xf32>, vector<16xi32> -> vector<16xf32>
        %max3A_47 = arith.maximumf %max3A_42, %gather3A_46 : vector<16xf32>
        %xor3A_48 = arith.constant 4 : i32
        %xor3A_49 = vector.broadcast %xor3A_48 : i32 to vector<16xi32>
        %xor3A_50 = arith.xori %iota3A, %xor3A_49 : vector<16xi32>
        %broadcast_in_dim3A_51 = vector.shape_cast %xor3A_50 : vector<16xi32> to vector<16x1xi32>
        %gather3A_52 = vector.shape_cast %broadcast_in_dim3A_51 : vector<16x1xi32> to vector<16xi32>
        %gather3A_53 = tpu.dynamic_gather %max3A_47[%gather3A_52] in [0] : vector<16xf32>, vector<16xi32> -> vector<16xf32>
        %max3A_54 = arith.maximumf %max3A_47, %gather3A_53 : vector<16xf32>
        %xor3A_55 = arith.constant 2 : i32
        %xor3A_56 = vector.broadcast %xor3A_55 : i32 to vector<16xi32>
        %xor3A_57 = arith.xori %iota3A, %xor3A_56 : vector<16xi32>
        %broadcast_in_dim3A_58 = vector.shape_cast %xor3A_57 : vector<16xi32> to vector<16x1xi32>
        %gather3A_59 = vector.shape_cast %broadcast_in_dim3A_58 : vector<16x1xi32> to vector<16xi32>
        %gather3A_60 = tpu.dynamic_gather %max3A_54[%gather3A_59] in [0] : vector<16xf32>, vector<16xi32> -> vector<16xf32>
        %max3A_61 = arith.maximumf %max3A_54, %gather3A_60 : vector<16xf32>
        %xor3A_62 = arith.constant 1 : i32
        %xor3A_63 = vector.broadcast %xor3A_62 : i32 to vector<16xi32>
        %xor3A_64 = arith.xori %iota3A, %xor3A_63 : vector<16xi32>
        %broadcast_in_dim3A_65 = vector.shape_cast %xor3A_64 : vector<16xi32> to vector<16x1xi32>
        %gather3A_66 = vector.shape_cast %broadcast_in_dim3A_65 : vector<16x1xi32> to vector<16xi32>
        %gather3A_67 = tpu.dynamic_gather %max3A_61[%gather3A_66] in [0] : vector<16xf32>, vector<16xi32> -> vector<16xf32>
        %max3A_68 = arith.maximumf %max3A_61, %gather3A_67 : vector<16xf32>
        %eq3A = arith.cmpf oeq, %get3A_15, %max3A_68 : vector<16xf32>
        %jit3A = arith.constant 1073741824 : i32
        %broadcast_in_dim3A_69 = vector.broadcast %jit3A : i32 to vector<16xi32>
        %select_n3A = arith.select %eq3A, %iota3A, %broadcast_in_dim3A_69 : vector<16xi1>, vector<16xi32>
        %eq3A_70 = arith.cmpf oeq, %get3A_18, %max3A_68 : vector<16xf32>
        %add3A_71 = arith.constant 16 : i32
        %add3A_72 = vector.broadcast %add3A_71 : i32 to vector<16xi32>
        %add3A_73 = arith.addi %iota3A, %add3A_72 : vector<16xi32>
        %jit3A_74 = arith.constant 1073741824 : i32
        %broadcast_in_dim3A_75 = vector.broadcast %jit3A_74 : i32 to vector<16xi32>
        %select_n3A_76 = arith.select %eq3A_70, %add3A_73, %broadcast_in_dim3A_75 : vector<16xi1>, vector<16xi32>
        %min3A = arith.minsi %select_n3A, %select_n3A_76 : vector<16xi32>
        %eq3A_77 = arith.cmpf oeq, %get3A_21, %max3A_68 : vector<16xf32>
        %add3A_78 = arith.constant 32 : i32
        %add3A_79 = vector.broadcast %add3A_78 : i32 to vector<16xi32>
        %add3A_80 = arith.addi %iota3A, %add3A_79 : vector<16xi32>
        %jit3A_81 = arith.constant 1073741824 : i32
        %broadcast_in_dim3A_82 = vector.broadcast %jit3A_81 : i32 to vector<16xi32>
        %select_n3A_83 = arith.select %eq3A_77, %add3A_80, %broadcast_in_dim3A_82 : vector<16xi1>, vector<16xi32>
        %min3A_84 = arith.minsi %min3A, %select_n3A_83 : vector<16xi32>
        %eq3A_85 = arith.cmpf oeq, %get3A_24, %max3A_68 : vector<16xf32>
        %add3A_86 = arith.constant 48 : i32
        %add3A_87 = vector.broadcast %add3A_86 : i32 to vector<16xi32>
        %add3A_88 = arith.addi %iota3A, %add3A_87 : vector<16xi32>
        %jit3A_89 = arith.constant 1073741824 : i32
        %broadcast_in_dim3A_90 = vector.broadcast %jit3A_89 : i32 to vector<16xi32>
        %select_n3A_91 = arith.select %eq3A_85, %add3A_88, %broadcast_in_dim3A_90 : vector<16xi1>, vector<16xi32>
        %min3A_92 = arith.minsi %min3A_84, %select_n3A_91 : vector<16xi32>
        %eq3A_93 = arith.cmpf oeq, %get3A_27, %max3A_68 : vector<16xf32>
        %add3A_94 = arith.constant 64 : i32
        %add3A_95 = vector.broadcast %add3A_94 : i32 to vector<16xi32>
        %add3A_96 = arith.addi %iota3A, %add3A_95 : vector<16xi32>
        %jit3A_97 = arith.constant 1073741824 : i32
        %broadcast_in_dim3A_98 = vector.broadcast %jit3A_97 : i32 to vector<16xi32>
        %select_n3A_99 = arith.select %eq3A_93, %add3A_96, %broadcast_in_dim3A_98 : vector<16xi1>, vector<16xi32>
        %min3A_100 = arith.minsi %min3A_92, %select_n3A_99 : vector<16xi32>
        %eq3A_101 = arith.cmpf oeq, %get3A_30, %max3A_68 : vector<16xf32>
        %add3A_102 = arith.constant 80 : i32
        %add3A_103 = vector.broadcast %add3A_102 : i32 to vector<16xi32>
        %add3A_104 = arith.addi %iota3A, %add3A_103 : vector<16xi32>
        %jit3A_105 = arith.constant 1073741824 : i32
        %broadcast_in_dim3A_106 = vector.broadcast %jit3A_105 : i32 to vector<16xi32>
        %select_n3A_107 = arith.select %eq3A_101, %add3A_104, %broadcast_in_dim3A_106 : vector<16xi1>, vector<16xi32>
        %min3A_108 = arith.minsi %min3A_100, %select_n3A_107 : vector<16xi32>
        %eq3A_109 = arith.cmpf oeq, %get3A_33, %max3A_68 : vector<16xf32>
        %add3A_110 = arith.constant 96 : i32
        %add3A_111 = vector.broadcast %add3A_110 : i32 to vector<16xi32>
        %add3A_112 = arith.addi %iota3A, %add3A_111 : vector<16xi32>
        %jit3A_113 = arith.constant 1073741824 : i32
        %broadcast_in_dim3A_114 = vector.broadcast %jit3A_113 : i32 to vector<16xi32>
        %select_n3A_115 = arith.select %eq3A_109, %add3A_112, %broadcast_in_dim3A_114 : vector<16xi1>, vector<16xi32>
        %min3A_116 = arith.minsi %min3A_108, %select_n3A_115 : vector<16xi32>
        %eq3A_117 = arith.cmpf oeq, %get3A_36, %max3A_68 : vector<16xf32>
        %add3A_118 = arith.constant 112 : i32
        %add3A_119 = vector.broadcast %add3A_118 : i32 to vector<16xi32>
        %add3A_120 = arith.addi %iota3A, %add3A_119 : vector<16xi32>
        %jit3A_121 = arith.constant 1073741824 : i32
        %broadcast_in_dim3A_122 = vector.broadcast %jit3A_121 : i32 to vector<16xi32>
        %select_n3A_123 = arith.select %eq3A_117, %add3A_120, %broadcast_in_dim3A_122 : vector<16xi1>, vector<16xi32>
        %min3A_124 = arith.minsi %min3A_116, %select_n3A_123 : vector<16xi32>
        %xor3A_125 = arith.constant 8 : i32
        %xor3A_126 = vector.broadcast %xor3A_125 : i32 to vector<16xi32>
        %xor3A_127 = arith.xori %iota3A, %xor3A_126 : vector<16xi32>
        %broadcast_in_dim3A_128 = vector.shape_cast %xor3A_127 : vector<16xi32> to vector<16x1xi32>
        %gather3A_129 = vector.shape_cast %broadcast_in_dim3A_128 : vector<16x1xi32> to vector<16xi32>
        %gather3A_130 = tpu.dynamic_gather %min3A_124[%gather3A_129] in [0] : vector<16xi32>, vector<16xi32> -> vector<16xi32>
        %min3A_131 = arith.minsi %min3A_124, %gather3A_130 : vector<16xi32>
        %xor3A_132 = arith.constant 4 : i32
        %xor3A_133 = vector.broadcast %xor3A_132 : i32 to vector<16xi32>
        %xor3A_134 = arith.xori %iota3A, %xor3A_133 : vector<16xi32>
        %broadcast_in_dim3A_135 = vector.shape_cast %xor3A_134 : vector<16xi32> to vector<16x1xi32>
        %gather3A_136 = vector.shape_cast %broadcast_in_dim3A_135 : vector<16x1xi32> to vector<16xi32>
        %gather3A_137 = tpu.dynamic_gather %min3A_131[%gather3A_136] in [0] : vector<16xi32>, vector<16xi32> -> vector<16xi32>
        %min3A_138 = arith.minsi %min3A_131, %gather3A_137 : vector<16xi32>
        %xor3A_139 = arith.constant 2 : i32
        %xor3A_140 = vector.broadcast %xor3A_139 : i32 to vector<16xi32>
        %xor3A_141 = arith.xori %iota3A, %xor3A_140 : vector<16xi32>
        %broadcast_in_dim3A_142 = vector.shape_cast %xor3A_141 : vector<16xi32> to vector<16x1xi32>
        %gather3A_143 = vector.shape_cast %broadcast_in_dim3A_142 : vector<16x1xi32> to vector<16xi32>
        %gather3A_144 = tpu.dynamic_gather %min3A_138[%gather3A_143] in [0] : vector<16xi32>, vector<16xi32> -> vector<16xi32>
        %min3A_145 = arith.minsi %min3A_138, %gather3A_144 : vector<16xi32>
        %xor3A_146 = arith.constant 1 : i32
        %xor3A_147 = vector.broadcast %xor3A_146 : i32 to vector<16xi32>
        %xor3A_148 = arith.xori %iota3A, %xor3A_147 : vector<16xi32>
        %broadcast_in_dim3A_149 = vector.shape_cast %xor3A_148 : vector<16xi32> to vector<16x1xi32>
        %gather3A_150 = vector.shape_cast %broadcast_in_dim3A_149 : vector<16x1xi32> to vector<16xi32>
        %gather3A_151 = tpu.dynamic_gather %min3A_145[%gather3A_150] in [0] : vector<16xi32>, vector<16xi32> -> vector<16xi32>
        %min3A_152 = arith.minsi %min3A_145, %gather3A_151 : vector<16xi32>
        %slice3A = vector.extract_strided_slice %min3A_152 {offsets = [0], sizes = [1], strides = [1]} : vector<16xi32> to vector<1xi32>
        %squeeze3A = vector.extract %slice3A[0] : i32 from vector<1xi32>
        %get3A_153 = arith.index_cast %squeeze3A : i32 to index
        %get3A_154 = arith.constant 0 : index
        %get3A_155 = tpu.vector_load %arg8[%get3A_153, %get3A_154] {strides = array<i32>} : memref<128x16xf32, #tpu.memory_space<vmem>>, vector<1x16xf32>,
        %get3A_156 = vector.shape_cast %get3A_155 : vector<1x16xf32> to vector<16xf32>
        %eq3A_157 = arith.cmpf oeq, %get3A_156, %max3A_68 : vector<16xf32>
        %jit3A_158 = arith.constant 1073741824 : i32
        %broadcast_in_dim3A_159 = vector.broadcast %jit3A_158 : i32 to vector<16xi32>
        %select_n3A_160 = arith.select %eq3A_157, %iota3A, %broadcast_in_dim3A_159 : vector<16xi1>, vector<16xi32>
        %xor3A_161 = arith.constant 8 : i32
        %xor3A_162 = vector.broadcast %xor3A_161 : i32 to vector<16xi32>
        %xor3A_163 = arith.xori %iota3A, %xor3A_162 : vector<16xi32>
        %broadcast_in_dim3A_164 = vector.shape_cast %xor3A_163 : vector<16xi32> to vector<16x1xi32>
        %gather3A_165 = vector.shape_cast %broadcast_in_dim3A_164 : vector<16x1xi32> to vector<16xi32>
        %gather3A_166 = tpu.dynamic_gather %select_n3A_160[%gather3A_165] in [0] : vector<16xi32>, vector<16xi32> -> vector<16xi32>
        %min3A_167 = arith.minsi %select_n3A_160, %gather3A_166 : vector<16xi32>
        %xor3A_168 = arith.constant 4 : i32
        %xor3A_169 = vector.broadcast %xor3A_168 : i32 to vector<16xi32>
        %xor3A_170 = arith.xori %iota3A, %xor3A_169 : vector<16xi32>
        %broadcast_in_dim3A_171 = vector.shape_cast %xor3A_170 : vector<16xi32> to vector<16x1xi32>
        %gather3A_172 = vector.shape_cast %broadcast_in_dim3A_171 : vector<16x1xi32> to vector<16xi32>
        %gather3A_173 = tpu.dynamic_gather %min3A_167[%gather3A_172] in [0] : vector<16xi32>, vector<16xi32> -> vector<16xi32>
        %min3A_174 = arith.minsi %min3A_167, %gather3A_173 : vector<16xi32>
        %xor3A_175 = arith.constant 2 : i32
        %xor3A_176 = vector.broadcast %xor3A_175 : i32 to vector<16xi32>
        %xor3A_177 = arith.xori %iota3A, %xor3A_176 : vector<16xi32>
        %broadcast_in_dim3A_178 = vector.shape_cast %xor3A_177 : vector<16xi32> to vector<16x1xi32>
        %gather3A_179 = vector.shape_cast %broadcast_in_dim3A_178 : vector<16x1xi32> to vector<16xi32>
        %gather3A_180 = tpu.dynamic_gather %min3A_174[%gather3A_179] in [0] : vector<16xi32>, vector<16xi32> -> vector<16xi32>
        %min3A_181 = arith.minsi %min3A_174, %gather3A_180 : vector<16xi32>
        %xor3A_182 = arith.constant 1 : i32
        %xor3A_183 = vector.broadcast %xor3A_182 : i32 to vector<16xi32>
        %xor3A_184 = arith.xori %iota3A, %xor3A_183 : vector<16xi32>
        %broadcast_in_dim3A_185 = vector.shape_cast %xor3A_184 : vector<16xi32> to vector<16x1xi32>
        %gather3A_186 = vector.shape_cast %broadcast_in_dim3A_185 : vector<16x1xi32> to vector<16xi32>
        %gather3A_187 = tpu.dynamic_gather %min3A_181[%gather3A_186] in [0] : vector<16xi32>, vector<16xi32> -> vector<16xi32>
        %min3A_188 = arith.minsi %min3A_181, %gather3A_187 : vector<16xi32>
        %slice3A_189 = vector.extract_strided_slice %min3A_188 {offsets = [0], sizes = [1], strides = [1]} : vector<16xi32> to vector<1xi32>
        %squeeze3A_190 = vector.extract %slice3A_189[0] : i32 from vector<1xi32>
        %mul3A_191 = arith.constant 16 : i32
        %mul3A_192 = arith.muli %squeeze3A_190, %mul3A_191 : i32
        %multiple_of3A = tpu.assume_multiple %mul3A_192, 16 : i32
        %get3A_193 = arith.index_cast %squeeze3A : i32 to index
        %get3A_194 = arith.index_cast %multiple_of3A : i32 to index
        %get3A_195 = tpu.vector_load %arg7[%get3A_193, %get3A_194] {strides = array<i32>} : memref<128x128xf32, #tpu.memory_space<vmem>>, vector<1x16xf32>,
        %get3A_196 = vector.shape_cast %get3A_195 : vector<1x16xf32> to vector<16xf32>
        %eq3A_197 = arith.cmpf oeq, %get3A_196, %max3A_68 : vector<16xf32>
        %jit3A_198 = arith.constant 1073741824 : i32
        %broadcast_in_dim3A_199 = vector.broadcast %jit3A_198 : i32 to vector<16xi32>
        %select_n3A_200 = arith.select %eq3A_197, %iota3A, %broadcast_in_dim3A_199 : vector<16xi1>, vector<16xi32>
        %xor3A_201 = arith.constant 8 : i32
        %xor3A_202 = vector.broadcast %xor3A_201 : i32 to vector<16xi32>
        %xor3A_203 = arith.xori %iota3A, %xor3A_202 : vector<16xi32>
        %broadcast_in_dim3A_204 = vector.shape_cast %xor3A_203 : vector<16xi32> to vector<16x1xi32>
        %gather3A_205 = vector.shape_cast %broadcast_in_dim3A_204 : vector<16x1xi32> to vector<16xi32>
        %gather3A_206 = tpu.dynamic_gather %select_n3A_200[%gather3A_205] in [0] : vector<16xi32>, vector<16xi32> -> vector<16xi32>
        %min3A_207 = arith.minsi %select_n3A_200, %gather3A_206 : vector<16xi32>
        %xor3A_208 = arith.constant 4 : i32
        %xor3A_209 = vector.broadcast %xor3A_208 : i32 to vector<16xi32>
        %xor3A_210 = arith.xori %iota3A, %xor3A_209 : vector<16xi32>
        %broadcast_in_dim3A_211 = vector.shape_cast %xor3A_210 : vector<16xi32> to vector<16x1xi32>
        %gather3A_212 = vector.shape_cast %broadcast_in_dim3A_211 : vector<16x1xi32> to vector<16xi32>
        %gather3A_213 = tpu.dynamic_gather %min3A_207[%gather3A_212] in [0] : vector<16xi32>, vector<16xi32> -> vector<16xi32>
        %min3A_214 = arith.minsi %min3A_207, %gather3A_213 : vector<16xi32>
        %xor3A_215 = arith.constant 2 : i32
        %xor3A_216 = vector.broadcast %xor3A_215 : i32 to vector<16xi32>
        %xor3A_217 = arith.xori %iota3A, %xor3A_216 : vector<16xi32>
        %broadcast_in_dim3A_218 = vector.shape_cast %xor3A_217 : vector<16xi32> to vector<16x1xi32>
        %gather3A_219 = vector.shape_cast %broadcast_in_dim3A_218 : vector<16x1xi32> to vector<16xi32>
        %gather3A_220 = tpu.dynamic_gather %min3A_214[%gather3A_219] in [0] : vector<16xi32>, vector<16xi32> -> vector<16xi32>
        %min3A_221 = arith.minsi %min3A_214, %gather3A_220 : vector<16xi32>
        %xor3A_222 = arith.constant 1 : i32
        %xor3A_223 = vector.broadcast %xor3A_222 : i32 to vector<16xi32>
        %xor3A_224 = arith.xori %iota3A, %xor3A_223 : vector<16xi32>
        %broadcast_in_dim3A_225 = vector.shape_cast %xor3A_224 : vector<16xi32> to vector<16x1xi32>
        %gather3A_226 = vector.shape_cast %broadcast_in_dim3A_225 : vector<16x1xi32> to vector<16xi32>
        %gather3A_227 = tpu.dynamic_gather %min3A_221[%gather3A_226] in [0] : vector<16xi32>, vector<16xi32> -> vector<16xi32>
        %min3A_228 = arith.minsi %min3A_221, %gather3A_227 : vector<16xi32>
        %mul3A_229 = arith.constant 128 : i32
        %mul3A_230 = vector.broadcast %mul3A_229 : i32 to vector<16xi32>
        %mul3A_231 = arith.muli %min3A_152, %mul3A_230 : vector<16xi32>
        %mul3A_232 = arith.constant 16 : i32
        %mul3A_233 = vector.broadcast %mul3A_232 : i32 to vector<16xi32>
        %mul3A_234 = arith.muli %min3A_188, %mul3A_233 : vector<16xi32>
        %add3A_235 = arith.addi %mul3A_231, %mul3A_234 : vector<16xi32>
        %add3A_236 = arith.addi %add3A_235, %min3A_228 : vector<16xi32>
        %eq3A_237 = arith.cmpi eq, %iota3A, %min3A_228 : vector<16xi32>
        %jit3A_238 = arith.constant -1.000000e+00 : f32
        %broadcast_in_dim3A_239 = vector.broadcast %jit3A_238 : f32 to vector<16xf32>
        %select_n3A_240 = arith.select %eq3A_237, %broadcast_in_dim3A_239, %get3A_196 : vector<16xi1>, vector<16xf32>
        %mul3A_241 = arith.constant 16 : i32
        %mul3A_242 = arith.muli %squeeze3A_190, %mul3A_241 : i32
        %multiple_of3A_243 = tpu.assume_multiple %mul3A_242, 16 : i32
        %swap3A = arith.index_cast %squeeze3A : i32 to index
        %swap3A_244 = arith.index_cast %multiple_of3A_243 : i32 to index
        %swap3A_245 = tpu.vector_load %arg7[%swap3A, %swap3A_244] {strides = array<i32>} : memref<128x128xf32, #tpu.memory_space<vmem>>, vector<1x16xf32>,
        %swap3A_246 = vector.shape_cast %swap3A_245 : vector<1x16xf32> to vector<16xf32>
        %swap3A_247 = vector.shape_cast %select_n3A_240 : vector<16xf32> to vector<1x16xf32>
        tpu.vector_store %arg7[%swap3A, %swap3A_244], %swap3A_247 {strides = array<i32>} : memref<128x128xf32, #tpu.memory_space<vmem>>, vector<1x16xf32>,
        %xor3A_248 = arith.constant 8 : i32
        %xor3A_249 = vector.broadcast %xor3A_248 : i32 to vector<16xi32>
        %xor3A_250 = arith.xori %iota3A, %xor3A_249 : vector<16xi32>
        %broadcast_in_dim3A_251 = vector.shape_cast %xor3A_250 : vector<16xi32> to vector<16x1xi32>
        %gather3A_252 = vector.shape_cast %broadcast_in_dim3A_251 : vector<16x1xi32> to vector<16xi32>
        %gather3A_253 = tpu.dynamic_gather %select_n3A_240[%gather3A_252] in [0] : vector<16xf32>, vector<16xi32> -> vector<16xf32>
        %max3A_254 = arith.maximumf %select_n3A_240, %gather3A_253 : vector<16xf32>
        %xor3A_255 = arith.constant 4 : i32
        %xor3A_256 = vector.broadcast %xor3A_255 : i32 to vector<16xi32>
        %xor3A_257 = arith.xori %iota3A, %xor3A_256 : vector<16xi32>
        %broadcast_in_dim3A_258 = vector.shape_cast %xor3A_257 : vector<16xi32> to vector<16x1xi32>
        %gather3A_259 = vector.shape_cast %broadcast_in_dim3A_258 : vector<16x1xi32> to vector<16xi32>
        %gather3A_260 = tpu.dynamic_gather %max3A_254[%gather3A_259] in [0] : vector<16xf32>, vector<16xi32> -> vector<16xf32>
        %max3A_261 = arith.maximumf %max3A_254, %gather3A_260 : vector<16xf32>
        %xor3A_262 = arith.constant 2 : i32
        %xor3A_263 = vector.broadcast %xor3A_262 : i32 to vector<16xi32>
        %xor3A_264 = arith.xori %iota3A, %xor3A_263 : vector<16xi32>
        %broadcast_in_dim3A_265 = vector.shape_cast %xor3A_264 : vector<16xi32> to vector<16x1xi32>
        %gather3A_266 = vector.shape_cast %broadcast_in_dim3A_265 : vector<16x1xi32> to vector<16xi32>
        %gather3A_267 = tpu.dynamic_gather %max3A_261[%gather3A_266] in [0] : vector<16xf32>, vector<16xi32> -> vector<16xf32>
        %max3A_268 = arith.maximumf %max3A_261, %gather3A_267 : vector<16xf32>
        %xor3A_269 = arith.constant 1 : i32
        %xor3A_270 = vector.broadcast %xor3A_269 : i32 to vector<16xi32>
        %xor3A_271 = arith.xori %iota3A, %xor3A_270 : vector<16xi32>
        %broadcast_in_dim3A_272 = vector.shape_cast %xor3A_271 : vector<16xi32> to vector<16x1xi32>
        %gather3A_273 = vector.shape_cast %broadcast_in_dim3A_272 : vector<16x1xi32> to vector<16xi32>
        %gather3A_274 = tpu.dynamic_gather %max3A_268[%gather3A_273] in [0] : vector<16xf32>, vector<16xi32> -> vector<16xf32>
        %max3A_275 = arith.maximumf %max3A_268, %gather3A_274 : vector<16xf32>
        %eq3A_276 = arith.cmpi eq, %iota3A, %min3A_188 : vector<16xi32>
        %select_n3A_277 = arith.select %eq3A_276, %max3A_275, %get3A_156 : vector<16xi1>, vector<16xf32>
        %swap3A_278 = arith.index_cast %squeeze3A : i32 to index
        %swap3A_279 = arith.constant 0 : index
        %swap3A_280 = tpu.vector_load %arg8[%swap3A_278, %swap3A_279] {strides = array<i32>} : memref<128x16xf32, #tpu.memory_space<vmem>>, vector<1x16xf32>,
        %swap3A_281 = vector.shape_cast %swap3A_280 : vector<1x16xf32> to vector<16xf32>
        %swap3A_282 = vector.shape_cast %select_n3A_277 : vector<16xf32> to vector<1x16xf32>
        tpu.vector_store %arg8[%swap3A_278, %swap3A_279], %swap3A_282 {strides = array<i32>} : memref<128x16xf32, #tpu.memory_space<vmem>>, vector<1x16xf32>,
        %xor3A_283 = arith.constant 8 : i32
        %xor3A_284 = vector.broadcast %xor3A_283 : i32 to vector<16xi32>
        %xor3A_285 = arith.xori %iota3A, %xor3A_284 : vector<16xi32>
        %broadcast_in_dim3A_286 = vector.shape_cast %xor3A_285 : vector<16xi32> to vector<16x1xi32>
        %gather3A_287 = vector.shape_cast %broadcast_in_dim3A_286 : vector<16x1xi32> to vector<16xi32>
        %gather3A_288 = tpu.dynamic_gather %select_n3A_277[%gather3A_287] in [0] : vector<16xf32>, vector<16xi32> -> vector<16xf32>
        %max3A_289 = arith.maximumf %select_n3A_277, %gather3A_288 : vector<16xf32>
        %xor3A_290 = arith.constant 4 : i32
        %xor3A_291 = vector.broadcast %xor3A_290 : i32 to vector<16xi32>
        %xor3A_292 = arith.xori %iota3A, %xor3A_291 : vector<16xi32>
        %broadcast_in_dim3A_293 = vector.shape_cast %xor3A_292 : vector<16xi32> to vector<16x1xi32>
        %gather3A_294 = vector.shape_cast %broadcast_in_dim3A_293 : vector<16x1xi32> to vector<16xi32>
        %gather3A_295 = tpu.dynamic_gather %max3A_289[%gather3A_294] in [0] : vector<16xf32>, vector<16xi32> -> vector<16xf32>
        %max3A_296 = arith.maximumf %max3A_289, %gather3A_295 : vector<16xf32>
        %xor3A_297 = arith.constant 2 : i32
        %xor3A_298 = vector.broadcast %xor3A_297 : i32 to vector<16xi32>
        %xor3A_299 = arith.xori %iota3A, %xor3A_298 : vector<16xi32>
        %broadcast_in_dim3A_300 = vector.shape_cast %xor3A_299 : vector<16xi32> to vector<16x1xi32>
        %gather3A_301 = vector.shape_cast %broadcast_in_dim3A_300 : vector<16x1xi32> to vector<16xi32>
        %gather3A_302 = tpu.dynamic_gather %max3A_296[%gather3A_301] in [0] : vector<16xf32>, vector<16xi32> -> vector<16xf32>
        %max3A_303 = arith.maximumf %max3A_296, %gather3A_302 : vector<16xf32>
        %xor3A_304 = arith.constant 1 : i32
        %xor3A_305 = vector.broadcast %xor3A_304 : i32 to vector<16xi32>
        %xor3A_306 = arith.xori %iota3A, %xor3A_305 : vector<16xi32>
        %broadcast_in_dim3A_307 = vector.shape_cast %xor3A_306 : vector<16xi32> to vector<16x1xi32>
        %gather3A_308 = vector.shape_cast %broadcast_in_dim3A_307 : vector<16x1xi32> to vector<16xi32>
        %gather3A_309 = tpu.dynamic_gather %max3A_303[%gather3A_308] in [0] : vector<16xf32>, vector<16xi32> -> vector<16xf32>
        %max3A_310 = arith.maximumf %max3A_303, %gather3A_309 : vector<16xf32>
        %jit3A_311 = arith.constant 16 : i32
        %div3A = arith.divsi %squeeze3A, %jit3A_311 : i32
        %sign3A = arith.constant 0 : i32
        %sign3A_312 = arith.cmpi sgt, %squeeze3A, %sign3A : i32
        %sign3A_313 = arith.extui %sign3A_312 : i1 to i32
        %sign3A_314 = arith.constant 0 : i32
        %sign3A_315 = arith.cmpi slt, %squeeze3A, %sign3A_314 : i32
        %sign3A_316 = arith.extui %sign3A_315 : i1 to i32
        %sign3A_317 = arith.subi %sign3A_313, %sign3A_316 : i32
        %sign3A_318 = arith.constant 0 : i32
        %sign3A_319 = arith.cmpi sgt, %jit3A_311, %sign3A_318 : i32
        %sign3A_320 = arith.extui %sign3A_319 : i1 to i32
        %sign3A_321 = arith.constant 0 : i32
        %sign3A_322 = arith.cmpi slt, %jit3A_311, %sign3A_321 : i32
        %sign3A_323 = arith.extui %sign3A_322 : i1 to i32
        %sign3A_324 = arith.subi %sign3A_320, %sign3A_323 : i32
        %ne3A = arith.cmpi ne, %sign3A_317, %sign3A_324 : i32
        %rem3A = arith.remsi %squeeze3A, %jit3A_311 : i32
        %ne3A_325 = arith.constant 0 : i32
        %ne3A_326 = arith.cmpi ne, %rem3A, %ne3A_325 : i32
        %and3A = arith.andi %ne3A, %ne3A_326 : i1
        %sub3A = arith.constant 1 : i32
        %sub3A_327 = arith.subi %div3A, %sub3A : i32
        %select_n3A_328 = arith.select %and3A, %sub3A_327, %div3A : i32
        %mul3A_329 = arith.constant 16 : i32
        %mul3A_330 = arith.muli %select_n3A_328, %mul3A_329 : i32
        %multiple_of3A_331 = tpu.assume_multiple %mul3A_330, 16 : i32
        %get3A_332 = arith.index_cast %multiple_of3A_331 : i32 to index
        %get3A_333 = tpu.vector_load %arg9[%get3A_332] {strides = array<i32>} : memref<128xf32, #tpu.memory_space<vmem>>, vector<16xf32>,
        %get3A_334 = vector.shape_cast %get3A_333 : vector<16xf32> to vector<16xf32>
        %add3A_335 = vector.broadcast %multiple_of3A_331 : i32 to vector<16xi32>
        %add3A_336 = arith.addi %add3A_335, %iota3A : vector<16xi32>
        %eq3A_337 = arith.cmpi eq, %add3A_336, %min3A_152 : vector<16xi32>
        %select_n3A_338 = arith.select %eq3A_337, %max3A_310, %get3A_334 : vector<16xi1>, vector<16xf32>
        %swap3A_339 = arith.index_cast %multiple_of3A_331 : i32 to index
        %swap3A_340 = tpu.vector_load %arg9[%swap3A_339] {strides = array<i32>} : memref<128xf32, #tpu.memory_space<vmem>>, vector<16xf32>,
        %swap3A_341 = vector.shape_cast %swap3A_340 : vector<16xf32> to vector<16xf32>
        %swap3A_342 = vector.shape_cast %select_n3A_338 : vector<16xf32> to vector<16xf32>
        tpu.vector_store %arg9[%swap3A_339], %swap3A_342 {strides = array<i32>} : memref<128xf32, #tpu.memory_space<vmem>>, vector<16xf32>,
        %and3A_343 = arith.constant 15 : i32
        %and3A_344 = arith.andi %scan3A_11, %and3A_343 : i32
        %eq3A_345 = vector.broadcast %and3A_344 : i32 to vector<16xi32>
        %eq3A_346 = arith.cmpi eq, %iota3A, %eq3A_345 : vector<16xi32>
        %select_n3A_347 = arith.select %eq3A_346, %max3A_68, %scan3A_12 : vector<16xi1>, vector<16xf32>
        %and3A_348 = arith.constant 15 : i32
        %and3A_349 = arith.andi %scan3A_11, %and3A_348 : i32
        %eq3A_350 = vector.broadcast %and3A_349 : i32 to vector<16xi32>
        %eq3A_351 = arith.cmpi eq, %iota3A, %eq3A_350 : vector<16xi32>
        %select_n3A_352 = arith.select %eq3A_351, %add3A_236, %scan3A_13 : vector<16xi1>, vector<16xi32>
        %and3A_353 = arith.constant 15 : i32
        %and3A_354 = arith.andi %scan3A_11, %and3A_353 : i32
        %eq3A_355 = arith.constant 15 : i32
        %eq3A_356 = arith.cmpi eq, %and3A_354, %eq3A_355 : i32
        %eq3A_357 = arith.constant 99 : i32
        %eq3A_358 = arith.cmpi eq, %scan3A_11, %eq3A_357 : i32
        %or3A = arith.ori %eq3A_356, %eq3A_358 : i1
        %convert_element_type3A_359 = arith.extui %or3A : i1 to i32
        %cond3A_360 = arith.constant 0 : i32
        %cond3A_361 = arith.cmpi ne, %convert_element_type3A_359, %cond3A_360 : i32
        scf.if %cond3A_361 {
          %jit3A_362 = arith.constant 16 : i32
          %div3A_363 = arith.divsi %scan3A_11, %jit3A_362 : i32
          %sign3A_364 = arith.constant 0 : i32
          %sign3A_365 = arith.cmpi sgt, %scan3A_11, %sign3A_364 : i32
          %sign3A_366 = arith.extui %sign3A_365 : i1 to i32
          %sign3A_367 = arith.constant 0 : i32
          %sign3A_368 = arith.cmpi slt, %scan3A_11, %sign3A_367 : i32
          %sign3A_369 = arith.extui %sign3A_368 : i1 to i32
          %sign3A_370 = arith.subi %sign3A_366, %sign3A_369 : i32
          %sign3A_371 = arith.constant 0 : i32
          %sign3A_372 = arith.cmpi sgt, %jit3A_362, %sign3A_371 : i32
          %sign3A_373 = arith.extui %sign3A_372 : i1 to i32
          %sign3A_374 = arith.constant 0 : i32
          %sign3A_375 = arith.cmpi slt, %jit3A_362, %sign3A_374 : i32
          %sign3A_376 = arith.extui %sign3A_375 : i1 to i32
          %sign3A_377 = arith.subi %sign3A_373, %sign3A_376 : i32
          %ne3A_378 = arith.cmpi ne, %sign3A_370, %sign3A_377 : i32
          %rem3A_379 = arith.remsi %scan3A_11, %jit3A_362 : i32
          %ne3A_380 = arith.constant 0 : i32
          %ne3A_381 = arith.cmpi ne, %rem3A_379, %ne3A_380 : i32
          %and3A_382 = arith.andi %ne3A_378, %ne3A_381 : i1
          %sub3A_383 = arith.constant 1 : i32
          %sub3A_384 = arith.subi %div3A_363, %sub3A_383 : i32
          %select_n3A_385 = arith.select %and3A_382, %sub3A_384, %div3A_363 : i32
          %mul3A_386 = arith.constant 16 : i32
          %mul3A_387 = arith.muli %select_n3A_385, %mul3A_386 : i32
          %multiple_of3A_388 = tpu.assume_multiple %mul3A_387, 16 : i32
          %swap3A_389 = arith.index_cast %multiple_of3A_388 : i32 to index
          %swap3A_390 = tpu.vector_load %arg10[%swap3A_389] {strides = array<i32>} : memref<128xf32, #tpu.memory_space<vmem>>, vector<16xf32>,
          %swap3A_391 = vector.shape_cast %swap3A_390 : vector<16xf32> to vector<16xf32>
          %swap3A_392 = vector.shape_cast %select_n3A_347 : vector<16xf32> to vector<16xf32>
          tpu.vector_store %arg10[%swap3A_389], %swap3A_392 {strides = array<i32>} : memref<128xf32, #tpu.memory_space<vmem>>, vector<16xf32>,
          %jit3A_393 = arith.constant 16 : i32
          %div3A_394 = arith.divsi %scan3A_11, %jit3A_393 : i32
          %sign3A_395 = arith.constant 0 : i32
          %sign3A_396 = arith.cmpi sgt, %scan3A_11, %sign3A_395 : i32
          %sign3A_397 = arith.extui %sign3A_396 : i1 to i32
          %sign3A_398 = arith.constant 0 : i32
          %sign3A_399 = arith.cmpi slt, %scan3A_11, %sign3A_398 : i32
          %sign3A_400 = arith.extui %sign3A_399 : i1 to i32
          %sign3A_401 = arith.subi %sign3A_397, %sign3A_400 : i32
          %sign3A_402 = arith.constant 0 : i32
          %sign3A_403 = arith.cmpi sgt, %jit3A_393, %sign3A_402 : i32
          %sign3A_404 = arith.extui %sign3A_403 : i1 to i32
          %sign3A_405 = arith.constant 0 : i32
          %sign3A_406 = arith.cmpi slt, %jit3A_393, %sign3A_405 : i32
          %sign3A_407 = arith.extui %sign3A_406 : i1 to i32
          %sign3A_408 = arith.subi %sign3A_404, %sign3A_407 : i32
          %ne3A_409 = arith.cmpi ne, %sign3A_401, %sign3A_408 : i32
          %rem3A_410 = arith.remsi %scan3A_11, %jit3A_393 : i32
          %ne3A_411 = arith.constant 0 : i32
          %ne3A_412 = arith.cmpi ne, %rem3A_410, %ne3A_411 : i32
          %and3A_413 = arith.andi %ne3A_409, %ne3A_412 : i1
          %sub3A_414 = arith.constant 1 : i32
          %sub3A_415 = arith.subi %div3A_394, %sub3A_414 : i32
          %select_n3A_416 = arith.select %and3A_413, %sub3A_415, %div3A_394 : i32
          %mul3A_417 = arith.constant 16 : i32
          %mul3A_418 = arith.muli %select_n3A_416, %mul3A_417 : i32
          %multiple_of3A_419 = tpu.assume_multiple %mul3A_418, 16 : i32
          %swap3A_420 = arith.index_cast %multiple_of3A_419 : i32 to index
          %swap3A_421 = tpu.vector_load %arg11[%swap3A_420] {strides = array<i32>} : memref<128xi32, #tpu.memory_space<vmem>>, vector<16xi32>,
          %swap3A_422 = vector.shape_cast %swap3A_421 : vector<16xi32> to vector<16xi32>
          %swap3A_423 = vector.shape_cast %select_n3A_352 : vector<16xi32> to vector<16xi32>
          tpu.vector_store %arg11[%swap3A_420], %swap3A_423 {strides = array<i32>} : memref<128xi32, #tpu.memory_space<vmem>>, vector<16xi32>,
        } else {
        }
        scf.yield %select_n3A_347, %select_n3A_352 : vector<16xf32>, vector<16xi32>
      }
      %scan3A_10 = arith.constant 100 : i32
      "tpu.region"() ({
        %run_scoped3A = tpu.sem_alloc : memref<!tpu.dma_semaphore, #tpu.memory_space<semaphore_mem>>
        %dma_start3A = arith.constant 0 : i32
        %dma_start3A_11 = tpu.memref_slice %arg5[%add3A, %dma_start3A] : memref<18x128xf32, #tpu.memory_space<hbm>> -> memref<1x128xf32, #tpu.memory_space<hbm>>
        %dma_start3A_12 = tpu.memref_squeeze %dma_start3A_11 : memref<1x128xf32, #tpu.memory_space<hbm>> -> memref<128xf32, #tpu.memory_space<hbm>>
        %dma_start3A_13 = arith.constant 0 : i32
        %dma_start3A_14 = tpu.memref_slice %arg5[%add3A, %dma_start3A_13] : memref<18x128xf32, #tpu.memory_space<hbm>> -> memref<1x128xf32, #tpu.memory_space<hbm>>
        %dma_start3A_15 = tpu.memref_squeeze %dma_start3A_14 : memref<1x128xf32, #tpu.memory_space<hbm>> -> memref<128xf32, #tpu.memory_space<hbm>>
        tpu.enqueue_dma source(%arg10 : memref<128xf32, #tpu.memory_space<vmem>>) target(%dma_start3A_15 : memref<128xf32, #tpu.memory_space<hbm>>) target_semaphore(%run_scoped3A : memref<!tpu.dma_semaphore, #tpu.memory_space<semaphore_mem>>)
        %dma_wait3A = arith.constant 0 : i32
        %dma_wait3A_16 = tpu.memref_slice %arg5[%add3A, %dma_wait3A] : memref<18x128xf32, #tpu.memory_space<hbm>> -> memref<1x128xf32, #tpu.memory_space<hbm>>
        %dma_wait3A_17 = tpu.memref_squeeze %dma_wait3A_16 : memref<1x128xf32, #tpu.memory_space<hbm>> -> memref<128xf32, #tpu.memory_space<hbm>>
        %dma_wait3A_18 = arith.constant 0 : i32
        %dma_wait3A_19 = tpu.memref_slice %arg5[%add3A, %dma_wait3A_18] : memref<18x128xf32, #tpu.memory_space<hbm>> -> memref<1x128xf32, #tpu.memory_space<hbm>>
        %dma_wait3A_20 = tpu.memref_squeeze %dma_wait3A_19 : memref<1x128xf32, #tpu.memory_space<hbm>> -> memref<128xf32, #tpu.memory_space<hbm>>
        tpu.wait_dma2 semaphore(%run_scoped3A : memref<!tpu.dma_semaphore, #tpu.memory_space<semaphore_mem>>) src(%arg10 : memref<128xf32, #tpu.memory_space<vmem>>) dst(%dma_wait3A_20 : memref<128xf32, #tpu.memory_space<hbm>>)
        tpu.yield
      }) : () -> ()
      "tpu.region"() ({
        %run_scoped3A = tpu.sem_alloc : memref<!tpu.dma_semaphore, #tpu.memory_space<semaphore_mem>>
        %dma_start3A = arith.constant 0 : i32
        %dma_start3A_11 = tpu.memref_slice %arg6[%add3A, %dma_start3A] : memref<18x128xi32, #tpu.memory_space<hbm>> -> memref<1x128xi32, #tpu.memory_space<hbm>>
        %dma_start3A_12 = tpu.memref_squeeze %dma_start3A_11 : memref<1x128xi32, #tpu.memory_space<hbm>> -> memref<128xi32, #tpu.memory_space<hbm>>
        %dma_start3A_13 = arith.constant 0 : i32
        %dma_start3A_14 = tpu.memref_slice %arg6[%add3A, %dma_start3A_13] : memref<18x128xi32, #tpu.memory_space<hbm>> -> memref<1x128xi32, #tpu.memory_space<hbm>>
        %dma_start3A_15 = tpu.memref_squeeze %dma_start3A_14 : memref<1x128xi32, #tpu.memory_space<hbm>> -> memref<128xi32, #tpu.memory_space<hbm>>
        tpu.enqueue_dma source(%arg11 : memref<128xi32, #tpu.memory_space<vmem>>) target(%dma_start3A_15 : memref<128xi32, #tpu.memory_space<hbm>>) target_semaphore(%run_scoped3A : memref<!tpu.dma_semaphore, #tpu.memory_space<semaphore_mem>>)
        %dma_wait3A = arith.constant 0 : i32
        %dma_wait3A_16 = tpu.memref_slice %arg6[%add3A, %dma_wait3A] : memref<18x128xi32, #tpu.memory_space<hbm>> -> memref<1x128xi32, #tpu.memory_space<hbm>>
        %dma_wait3A_17 = tpu.memref_squeeze %dma_wait3A_16 : memref<1x128xi32, #tpu.memory_space<hbm>> -> memref<128xi32, #tpu.memory_space<hbm>>
        %dma_wait3A_18 = arith.constant 0 : i32
        %dma_wait3A_19 = tpu.memref_slice %arg6[%add3A, %dma_wait3A_18] : memref<18x128xi32, #tpu.memory_space<hbm>> -> memref<1x128xi32, #tpu.memory_space<hbm>>
        %dma_wait3A_20 = tpu.memref_squeeze %dma_wait3A_19 : memref<1x128xi32, #tpu.memory_space<hbm>> -> memref<128xi32, #tpu.memory_space<hbm>>
        tpu.wait_dma2 semaphore(%run_scoped3A : memref<!tpu.dma_semaphore, #tpu.memory_space<semaphore_mem>>) src(%arg11 : memref<128xi32, #tpu.memory_space<vmem>>) dst(%dma_wait3A_20 : memref<128xi32, #tpu.memory_space<hbm>>)
        tpu.yield
      }) : () -> ()
    } else {
    }
    return
  }
}

module attributes {stable_mosaic.version = 14 : i64} {
  func.func @_nms_kernel(%arg0: memref<1x128x128xf32, #tpu.memory_space<vmem>>, %arg1: memref<17x128x128xf32, #tpu.memory_space<vmem>>, %arg2: memref<18x128x128xf32, #tpu.memory_space<vmem>>, %arg3: memref<18x128x16xf32, #tpu.memory_space<vmem>>, %arg4: memref<18x128xf32, #tpu.memory_space<vmem>>) attributes {dimension_semantics = [], scalar_prefetch = 0 : i64, scratch_operands = 0 : i64, tpu.core_type = #tpu.core_type<tc>} {
    %get3A = arith.constant 0 : index
    %get3A_0 = arith.constant 0 : index
    %get3A_1 = arith.constant 0 : index
    %get3A_2 = vector.load %arg0[%get3A, %get3A_0, %get3A_1] : memref<1x128x128xf32, #tpu.memory_space<vmem>>, vector<1x128x128xf32>
    %get3A_3 = arith.constant 0 : index
    %get3A_4 = arith.constant 0 : index
    %get3A_5 = arith.constant 0 : index
    %get3A_6 = vector.load %arg1[%get3A_3, %get3A_4, %get3A_5] : memref<17x128x128xf32, #tpu.memory_space<vmem>>, vector<17x128x128xf32>
    %concatenate3A = tpu.concatenate %get3A_2, %get3A_6 in 0 : vector<1x128x128xf32>, vector<17x128x128xf32> -> vector<18x128x128xf32>
    %logistic3A = arith.negf %concatenate3A : vector<18x128x128xf32>
    %logistic3A_7 = math.exp %logistic3A : vector<18x128x128xf32>
    %logistic3A_8 = arith.constant 1.000000e+00 : f32
    %logistic3A_9 = vector.broadcast %logistic3A_8 : f32 to vector<18x128x128xf32>
    %logistic3A_10 = arith.addf %logistic3A_9, %logistic3A_7 : vector<18x128x128xf32>
    %logistic3A_11 = arith.divf %logistic3A_9, %logistic3A_10 : vector<18x128x128xf32>
    %broadcast_in_dim3A = arith.constant 0xFF800000 : f32
    %broadcast_in_dim3A_12 = vector.broadcast %broadcast_in_dim3A : f32 to vector<18x128x1xf32>
    %slice3A = vector.extract_strided_slice %logistic3A_11 {offsets = [0, 0, 1], sizes = [18, 128, 127], strides = [1, 1, 1]} : vector<18x128x128xf32> to vector<18x128x127xf32>
    %concatenate3A_13 = tpu.concatenate %slice3A, %broadcast_in_dim3A_12 in 2 : vector<18x128x127xf32>, vector<18x128x1xf32> -> vector<18x128x128xf32>
    %slice3A_14 = vector.extract_strided_slice %logistic3A_11 {offsets = [0, 0, 0], sizes = [18, 128, 127], strides = [1, 1, 1]} : vector<18x128x128xf32> to vector<18x128x127xf32>
    %concatenate3A_15 = tpu.concatenate %broadcast_in_dim3A_12, %slice3A_14 in 2 : vector<18x128x1xf32>, vector<18x128x127xf32> -> vector<18x128x128xf32>
    %max3A = arith.maximumf %concatenate3A_13, %concatenate3A_15 : vector<18x128x128xf32>
    %max3A_16 = arith.maximumf %max3A, %logistic3A_11 : vector<18x128x128xf32>
    %broadcast_in_dim3A_17 = arith.constant 0xFF800000 : f32
    %broadcast_in_dim3A_18 = vector.broadcast %broadcast_in_dim3A_17 : f32 to vector<18x1x128xf32>
    %slice3A_19 = vector.extract_strided_slice %max3A_16 {offsets = [0, 1, 0], sizes = [18, 127, 128], strides = [1, 1, 1]} : vector<18x128x128xf32> to vector<18x127x128xf32>
    %concatenate3A_20 = tpu.concatenate %slice3A_19, %broadcast_in_dim3A_18 in 1 : vector<18x127x128xf32>, vector<18x1x128xf32> -> vector<18x128x128xf32>
    %slice3A_21 = vector.extract_strided_slice %max3A_16 {offsets = [0, 0, 0], sizes = [18, 127, 128], strides = [1, 1, 1]} : vector<18x128x128xf32> to vector<18x127x128xf32>
    %concatenate3A_22 = tpu.concatenate %broadcast_in_dim3A_18, %slice3A_21 in 1 : vector<18x1x128xf32>, vector<18x127x128xf32> -> vector<18x128x128xf32>
    %max3A_23 = arith.maximumf %concatenate3A_20, %concatenate3A_22 : vector<18x128x128xf32>
    %max3A_24 = arith.maximumf %max3A_23, %max3A_16 : vector<18x128x128xf32>
    %eq3A = arith.cmpf oeq, %max3A_24, %logistic3A_11 : vector<18x128x128xf32>
    %jit3A = arith.constant 0.000000e+00 : f32
    %broadcast_in_dim3A_25 = vector.broadcast %jit3A : f32 to vector<18x128x128xf32>
    %select_n3A = arith.select %eq3A, %logistic3A_11, %broadcast_in_dim3A_25 : vector<18x128x128xi1>, vector<18x128x128xf32>
    %swap3A = arith.constant 0 : index
    %swap3A_26 = arith.constant 0 : index
    %swap3A_27 = arith.constant 0 : index
    %swap3A_28 = vector.load %arg2[%swap3A, %swap3A_26, %swap3A_27] : memref<18x128x128xf32, #tpu.memory_space<vmem>>, vector<18x128x128xf32>
    tpu.vector_store %arg2[%swap3A, %swap3A_26, %swap3A_27], %select_n3A {strides = array<i32>} : memref<18x128x128xf32, #tpu.memory_space<vmem>>, vector<18x128x128xf32>,
    %reshape3A = vector.shape_cast %select_n3A : vector<18x128x128xf32> to vector<18x128x8x16xf32>
    %reduce_max3A = arith.constant dense<0xFF800000> : vector<18x128x8xf32>
    %reduce_max3A_29 = vector.multi_reduction <maximumf>, %reshape3A, %reduce_max3A [3] : vector<18x128x8x16xf32> to vector<18x128x8xf32>
    %broadcast_in_dim3A_30 = arith.constant -1.000000e+00 : f32
    %broadcast_in_dim3A_31 = vector.broadcast %broadcast_in_dim3A_30 : f32 to vector<18x128x8xf32>
    %concatenate3A_32 = tpu.concatenate %reduce_max3A_29, %broadcast_in_dim3A_31 in 2 : vector<18x128x8xf32>, vector<18x128x8xf32> -> vector<18x128x16xf32>
    %swap3A_33 = arith.constant 0 : index
    %swap3A_34 = arith.constant 0 : index
    %swap3A_35 = arith.constant 0 : index
    %swap3A_36 = vector.load %arg3[%swap3A_33, %swap3A_34, %swap3A_35] : memref<18x128x16xf32, #tpu.memory_space<vmem>>, vector<18x128x16xf32>
    tpu.vector_store %arg3[%swap3A_33, %swap3A_34, %swap3A_35], %concatenate3A_32 {strides = array<i32>} : memref<18x128x16xf32, #tpu.memory_space<vmem>>, vector<18x128x16xf32>,
    %reduce_max3A_37 = arith.constant dense<0xFF800000> : vector<18x128xf32>
    %reduce_max3A_38 = vector.multi_reduction <maximumf>, %select_n3A, %reduce_max3A_37 [2] : vector<18x128x128xf32> to vector<18x128xf32>
    %swap3A_39 = arith.constant 0 : index
    %swap3A_40 = arith.constant 0 : index
    %swap3A_41 = vector.load %arg4[%swap3A_39, %swap3A_40] : memref<18x128xf32, #tpu.memory_space<vmem>>, vector<18x128xf32>
    tpu.vector_store %arg4[%swap3A_39, %swap3A_40], %reduce_max3A_38 {strides = array<i32>} : memref<18x128xf32, #tpu.memory_space<vmem>>, vector<18x128xf32>,
    return
  }
}

module attributes {stable_mosaic.version = 14 : i64} {
  func.func @_decode_kernel(%arg0: memref<18x128xf32, #tpu.memory_space<vmem>>, %arg1: memref<18x128xi32, #tpu.memory_space<vmem>>, %arg2: memref<2x128x128xf32, #tpu.memory_space<vmem>>, %arg3: memref<34x128x128xf32, #tpu.memory_space<vmem>>, %arg4: memref<2x128x128xf32, #tpu.memory_space<vmem>>, %arg5: memref<2x128x128xf32, #tpu.memory_space<vmem>>, %arg6: memref<128x40xf32, #tpu.memory_space<vmem>>) attributes {dimension_semantics = [], scalar_prefetch = 0 : i64, scratch_operands = 0 : i64, tpu.core_type = #tpu.core_type<tc>} {
    %get3A = arith.constant 0 : index
    %get3A_0 = arith.constant 0 : index
    %get3A_1 = vector.load %arg0[%get3A, %get3A_0] : memref<18x128xf32, #tpu.memory_space<vmem>>, vector<18x128xf32>
    %get3A_2 = arith.constant 0 : index
    %get3A_3 = arith.constant 0 : index
    %get3A_4 = vector.load %arg1[%get3A_2, %get3A_3] : memref<18x128xi32, #tpu.memory_space<vmem>>, vector<18x128xi32>
    %get3A_5 = arith.constant 0 : index
    %get3A_6 = arith.constant 0 : index
    %get3A_7 = arith.constant 0 : index
    %get3A_8 = vector.load %arg2[%get3A_5, %get3A_6, %get3A_7] : memref<2x128x128xf32, #tpu.memory_space<vmem>>, vector<2x128x128xf32>
    %get3A_9 = arith.constant 0 : index
    %get3A_10 = arith.constant 0 : index
    %get3A_11 = arith.constant 0 : index
    %get3A_12 = vector.load %arg3[%get3A_9, %get3A_10, %get3A_11] : memref<34x128x128xf32, #tpu.memory_space<vmem>>, vector<34x128x128xf32>
    %get3A_13 = arith.constant 0 : index
    %get3A_14 = arith.constant 0 : index
    %get3A_15 = arith.constant 0 : index
    %get3A_16 = vector.load %arg4[%get3A_13, %get3A_14, %get3A_15] : memref<2x128x128xf32, #tpu.memory_space<vmem>>, vector<2x128x128xf32>
    %concatenate3A = tpu.concatenate %get3A_8, %get3A_12, %get3A_16 in 0 : vector<2x128x128xf32>, vector<34x128x128xf32>, vector<2x128x128xf32> -> vector<38x128x128xf32>
    %transpose3A = tpu.transpose %concatenate3A, [0, 2, 1] : vector<38x128x128xf32> -> vector<38x128x128xf32>
    %reshape3A = vector.shape_cast %transpose3A : vector<38x128x128xf32> to vector<4864x128xf32>
    %get3A_17 = arith.constant 0 : index
    %get3A_18 = arith.constant 0 : index
    %get3A_19 = arith.constant 0 : index
    %get3A_20 = vector.load %arg5[%get3A_17, %get3A_18, %get3A_19] : memref<2x128x128xf32, #tpu.memory_space<vmem>>, vector<2x128x128xf32>
    %transpose3A_21 = tpu.transpose %get3A_20, [0, 2, 1] : vector<2x128x128xf32> -> vector<2x128x128xf32>
    %reshape3A_22 = vector.shape_cast %transpose3A_21 : vector<2x128x128xf32> to vector<256x128xf32>
    %slice3A = vector.extract_strided_slice %get3A_4 {offsets = [0, 0], sizes = [1, 128], strides = [1, 1]} : vector<18x128xi32> to vector<1x128xi32>
    %jit3A = arith.constant 128 : i32
    %div3A = vector.broadcast %jit3A : i32 to vector<1x128xi32>
    %div3A_23 = arith.divsi %slice3A, %div3A : vector<1x128xi32>
    %sign3A = arith.constant 0 : i32
    %sign3A_24 = vector.broadcast %sign3A : i32 to vector<1x128xi32>
    %sign3A_25 = arith.cmpi sgt, %slice3A, %sign3A_24 : vector<1x128xi32>
    %sign3A_26 = arith.extui %sign3A_25 : vector<1x128xi1> to vector<1x128xi32>
    %sign3A_27 = arith.constant 0 : i32
    %sign3A_28 = vector.broadcast %sign3A_27 : i32 to vector<1x128xi32>
    %sign3A_29 = arith.cmpi slt, %slice3A, %sign3A_28 : vector<1x128xi32>
    %sign3A_30 = arith.extui %sign3A_29 : vector<1x128xi1> to vector<1x128xi32>
    %sign3A_31 = arith.subi %sign3A_26, %sign3A_30 : vector<1x128xi32>
    %sign3A_32 = arith.constant 0 : i32
    %sign3A_33 = arith.cmpi sgt, %jit3A, %sign3A_32 : i32
    %sign3A_34 = arith.extui %sign3A_33 : i1 to i32
    %sign3A_35 = arith.constant 0 : i32
    %sign3A_36 = arith.cmpi slt, %jit3A, %sign3A_35 : i32
    %sign3A_37 = arith.extui %sign3A_36 : i1 to i32
    %sign3A_38 = arith.subi %sign3A_34, %sign3A_37 : i32
    %ne3A = vector.broadcast %sign3A_38 : i32 to vector<1x128xi32>
    %ne3A_39 = arith.cmpi ne, %sign3A_31, %ne3A : vector<1x128xi32>
    %rem3A = vector.broadcast %jit3A : i32 to vector<1x128xi32>
    %rem3A_40 = arith.remsi %slice3A, %rem3A : vector<1x128xi32>
    %ne3A_41 = arith.constant 0 : i32
    %ne3A_42 = vector.broadcast %ne3A_41 : i32 to vector<1x128xi32>
    %ne3A_43 = arith.cmpi ne, %rem3A_40, %ne3A_42 : vector<1x128xi32>
    %and3A = arith.andi %ne3A_39, %ne3A_43 : vector<1x128xi1>
    %sub3A = arith.constant 1 : i32
    %sub3A_44 = vector.broadcast %sub3A : i32 to vector<1x128xi32>
    %sub3A_45 = arith.subi %div3A_23, %sub3A_44 : vector<1x128xi32>
    %select_n3A = arith.select %and3A, %sub3A_45, %div3A_23 : vector<1x128xi1>, vector<1x128xi32>
    %jit3A_46 = arith.constant 128 : i32
    %eq3A = arith.constant 0 : i32
    %eq3A_47 = arith.cmpi eq, %jit3A_46, %eq3A : i32
    %jit3A_48 = arith.constant 1 : i32
    %select_n3A_49 = arith.select %eq3A_47, %jit3A_48, %jit3A_46 : i32
    %rem3A_50 = vector.broadcast %select_n3A_49 : i32 to vector<1x128xi32>
    %rem3A_51 = arith.remsi %slice3A, %rem3A_50 : vector<1x128xi32>
    %ne3A_52 = arith.constant 0 : i32
    %ne3A_53 = vector.broadcast %ne3A_52 : i32 to vector<1x128xi32>
    %ne3A_54 = arith.cmpi ne, %rem3A_51, %ne3A_53 : vector<1x128xi32>
    %lt3A = arith.constant 0 : i32
    %lt3A_55 = vector.broadcast %lt3A : i32 to vector<1x128xi32>
    %lt3A_56 = arith.cmpi slt, %rem3A_51, %lt3A_55 : vector<1x128xi32>
    %lt3A_57 = arith.constant 0 : i32
    %lt3A_58 = arith.cmpi slt, %select_n3A_49, %lt3A_57 : i32
    %ne3A_59 = vector.broadcast %lt3A_58 : i1 to vector<1x128xi1>
    %ne3A_60 = vector.broadcast %ne3A_59 : vector<1x128xi1> to vector<1x128xi1>
    %ne3A_61 = arith.xori %lt3A_56, %ne3A_60 : vector<1x128xi1>
    %and3A_62 = arith.andi %ne3A_61, %ne3A_54 : vector<1x128xi1>
    %add3A = vector.broadcast %select_n3A_49 : i32 to vector<1x128xi32>
    %add3A_63 = arith.addi %rem3A_51, %add3A : vector<1x128xi32>
    %select_n3A_64 = arith.select %and3A_62, %add3A_63, %rem3A_51 : vector<1x128xi1>, vector<1x128xi32>
    %convert_element_type3A = arith.sitofp %select_n3A : vector<1x128xi32> to vector<1x128xf32>
    %convert_element_type3A_65 = arith.sitofp %select_n3A_64 : vector<1x128xi32> to vector<1x128xf32>
    %iota3A = tpu.iota {dimensions = array<i32: 0>} : vector<128x128xi32>
    %eq3A_66 = vector.broadcast %select_n3A : vector<1x128xi32> to vector<128x128xi32>
    %eq3A_67 = arith.cmpi eq, %iota3A, %eq3A_66 : vector<128x128xi32>
    %convert_element_type3A_68 = arith.extui %eq3A_67 : vector<128x128xi1> to vector<128x128xi32>
    %convert_element_type3A_69 = arith.sitofp %convert_element_type3A_68 : vector<128x128xi32> to vector<128x128xf32>
    %dot_general3A = arith.constant dense<0.000000e+00> : vector<4864x128xf32>
    %dot_general3A_70 = tpu.matmul %reshape3A, %convert_element_type3A_69, %dot_general3A {dimension_numbers = #tpu.dot_dimension_numbers<[1], [0], [0], [1], [0, 0, 1, 1], [], []>, transpose_lhs_hint = false} : vector<4864x128xf32>, vector<128x128xf32>, vector<4864x128xf32> -> vector<4864x128xf32>
    %iota3A_71 = tpu.iota {dimensions = array<i32: 0>} : vector<4864x128xi32>
    %jit3A_72 = arith.constant 128 : i32
    %eq3A_73 = arith.constant 0 : i32
    %eq3A_74 = arith.cmpi eq, %jit3A_72, %eq3A_73 : i32
    %jit3A_75 = arith.constant 1 : i32
    %select_n3A_76 = arith.select %eq3A_74, %jit3A_75, %jit3A_72 : i32
    %rem3A_77 = vector.broadcast %select_n3A_76 : i32 to vector<4864x128xi32>
    %rem3A_78 = arith.remsi %iota3A_71, %rem3A_77 : vector<4864x128xi32>
    %ne3A_79 = arith.constant 0 : i32
    %ne3A_80 = vector.broadcast %ne3A_79 : i32 to vector<4864x128xi32>
    %ne3A_81 = arith.cmpi ne, %rem3A_78, %ne3A_80 : vector<4864x128xi32>
    %lt3A_82 = arith.constant 0 : i32
    %lt3A_83 = vector.broadcast %lt3A_82 : i32 to vector<4864x128xi32>
    %lt3A_84 = arith.cmpi slt, %rem3A_78, %lt3A_83 : vector<4864x128xi32>
    %lt3A_85 = arith.constant 0 : i32
    %lt3A_86 = arith.cmpi slt, %select_n3A_76, %lt3A_85 : i32
    %ne3A_87 = vector.broadcast %lt3A_86 : i1 to vector<4864x128xi1>
    %ne3A_88 = vector.broadcast %ne3A_87 : vector<4864x128xi1> to vector<4864x128xi1>
    %ne3A_89 = arith.xori %lt3A_84, %ne3A_88 : vector<4864x128xi1>
    %and3A_90 = arith.andi %ne3A_89, %ne3A_81 : vector<4864x128xi1>
    %add3A_91 = vector.broadcast %select_n3A_76 : i32 to vector<4864x128xi32>
    %add3A_92 = arith.addi %rem3A_78, %add3A_91 : vector<4864x128xi32>
    %select_n3A_93 = arith.select %and3A_90, %add3A_92, %rem3A_78 : vector<4864x128xi1>, vector<4864x128xi32>
    %eq3A_94 = vector.broadcast %select_n3A_64 : vector<1x128xi32> to vector<4864x128xi32>
    %eq3A_95 = arith.cmpi eq, %select_n3A_93, %eq3A_94 : vector<4864x128xi32>
    %jit3A_96 = arith.constant 0.000000e+00 : f32
    %broadcast_in_dim3A = vector.broadcast %jit3A_96 : f32 to vector<4864x128xf32>
    %select_n3A_97 = arith.select %eq3A_95, %dot_general3A_70, %broadcast_in_dim3A : vector<4864x128xi1>, vector<4864x128xf32>
    %iota3A_98 = tpu.iota {dimensions = array<i32: 1>} : vector<38x4864xi32>
    %jit3A_99 = arith.constant 128 : i32
    %div3A_100 = vector.broadcast %jit3A_99 : i32 to vector<38x4864xi32>
    %div3A_101 = arith.divsi %iota3A_98, %div3A_100 : vector<38x4864xi32>
    %sign3A_102 = arith.constant 0 : i32
    %sign3A_103 = vector.broadcast %sign3A_102 : i32 to vector<38x4864xi32>
    %sign3A_104 = arith.cmpi sgt, %iota3A_98, %sign3A_103 : vector<38x4864xi32>
    %sign3A_105 = arith.extui %sign3A_104 : vector<38x4864xi1> to vector<38x4864xi32>
    %sign3A_106 = arith.constant 0 : i32
    %sign3A_107 = vector.broadcast %sign3A_106 : i32 to vector<38x4864xi32>
    %sign3A_108 = arith.cmpi slt, %iota3A_98, %sign3A_107 : vector<38x4864xi32>
    %sign3A_109 = arith.extui %sign3A_108 : vector<38x4864xi1> to vector<38x4864xi32>
    %sign3A_110 = arith.subi %sign3A_105, %sign3A_109 : vector<38x4864xi32>
    %sign3A_111 = arith.constant 0 : i32
    %sign3A_112 = arith.cmpi sgt, %jit3A_99, %sign3A_111 : i32
    %sign3A_113 = arith.extui %sign3A_112 : i1 to i32
    %sign3A_114 = arith.constant 0 : i32
    %sign3A_115 = arith.cmpi slt, %jit3A_99, %sign3A_114 : i32
    %sign3A_116 = arith.extui %sign3A_115 : i1 to i32
    %sign3A_117 = arith.subi %sign3A_113, %sign3A_116 : i32
    %ne3A_118 = vector.broadcast %sign3A_117 : i32 to vector<38x4864xi32>
    %ne3A_119 = arith.cmpi ne, %sign3A_110, %ne3A_118 : vector<38x4864xi32>
    %rem3A_120 = vector.broadcast %jit3A_99 : i32 to vector<38x4864xi32>
    %rem3A_121 = arith.remsi %iota3A_98, %rem3A_120 : vector<38x4864xi32>
    %ne3A_122 = arith.constant 0 : i32
    %ne3A_123 = vector.broadcast %ne3A_122 : i32 to vector<38x4864xi32>
    %ne3A_124 = arith.cmpi ne, %rem3A_121, %ne3A_123 : vector<38x4864xi32>
    %and3A_125 = arith.andi %ne3A_119, %ne3A_124 : vector<38x4864xi1>
    %sub3A_126 = arith.constant 1 : i32
    %sub3A_127 = vector.broadcast %sub3A_126 : i32 to vector<38x4864xi32>
    %sub3A_128 = arith.subi %div3A_101, %sub3A_127 : vector<38x4864xi32>
    %select_n3A_129 = arith.select %and3A_125, %sub3A_128, %div3A_101 : vector<38x4864xi1>, vector<38x4864xi32>
    %iota3A_130 = tpu.iota {dimensions = array<i32: 0>} : vector<38x4864xi32>
    %eq3A_131 = arith.cmpi eq, %select_n3A_129, %iota3A_130 : vector<38x4864xi32>
    %convert_element_type3A_132 = arith.extui %eq3A_131 : vector<38x4864xi1> to vector<38x4864xi32>
    %convert_element_type3A_133 = arith.sitofp %convert_element_type3A_132 : vector<38x4864xi32> to vector<38x4864xf32>
    %dot_general3A_134 = arith.constant dense<0.000000e+00> : vector<38x128xf32>
    %dot_general3A_135 = tpu.matmul %convert_element_type3A_133, %select_n3A_97, %dot_general3A_134 {dimension_numbers = #tpu.dot_dimension_numbers<[1], [0], [0], [1], [0, 0, 1, 1], [], []>, transpose_lhs_hint = false} : vector<38x4864xf32>, vector<4864x128xf32>, vector<38x128xf32> -> vector<38x128xf32>
    %iota3A_136 = tpu.iota {dimensions = array<i32: 1>} : vector<17x38xi32>
    %iota3A_137 = tpu.iota {dimensions = array<i32: 0>} : vector<17x38xi32>
    %mul3A = arith.constant 2 : i32
    %mul3A_138 = vector.broadcast %mul3A : i32 to vector<17x38xi32>
    %mul3A_139 = arith.muli %mul3A_138, %iota3A_137 : vector<17x38xi32>
    %add3A_140 = arith.constant 2 : i32
    %add3A_141 = vector.broadcast %add3A_140 : i32 to vector<17x38xi32>
    %add3A_142 = arith.addi %add3A_141, %mul3A_139 : vector<17x38xi32>
    %eq3A_143 = arith.cmpi eq, %iota3A_136, %add3A_142 : vector<17x38xi32>
    %convert_element_type3A_144 = arith.extui %eq3A_143 : vector<17x38xi1> to vector<17x38xi32>
    %convert_element_type3A_145 = arith.sitofp %convert_element_type3A_144 : vector<17x38xi32> to vector<17x38xf32>
    %mul3A_146 = arith.constant 2 : i32
    %mul3A_147 = vector.broadcast %mul3A_146 : i32 to vector<17x38xi32>
    %mul3A_148 = arith.muli %mul3A_147, %iota3A_137 : vector<17x38xi32>
    %add3A_149 = arith.constant 3 : i32
    %add3A_150 = vector.broadcast %add3A_149 : i32 to vector<17x38xi32>
    %add3A_151 = arith.addi %add3A_150, %mul3A_148 : vector<17x38xi32>
    %eq3A_152 = arith.cmpi eq, %iota3A_136, %add3A_151 : vector<17x38xi32>
    %convert_element_type3A_153 = arith.extui %eq3A_152 : vector<17x38xi1> to vector<17x38xi32>
    %convert_element_type3A_154 = arith.sitofp %convert_element_type3A_153 : vector<17x38xi32> to vector<17x38xf32>
    %dot_general3A_155 = arith.constant dense<0.000000e+00> : vector<17x128xf32>
    %dot_general3A_156 = tpu.matmul %convert_element_type3A_145, %dot_general3A_135, %dot_general3A_155 {dimension_numbers = #tpu.dot_dimension_numbers<[1], [0], [0], [1], [0, 0, 1, 1], [], []>, transpose_lhs_hint = false} : vector<17x38xf32>, vector<38x128xf32>, vector<17x128xf32> -> vector<17x128xf32>
    %add3A_157 = vector.broadcast %convert_element_type3A_65 : vector<1x128xf32> to vector<17x128xf32>
    %add3A_158 = arith.addf %dot_general3A_156, %add3A_157 : vector<17x128xf32>
    %dot_general3A_159 = arith.constant dense<0.000000e+00> : vector<17x128xf32>
    %dot_general3A_160 = tpu.matmul %convert_element_type3A_154, %dot_general3A_135, %dot_general3A_159 {dimension_numbers = #tpu.dot_dimension_numbers<[1], [0], [0], [1], [0, 0, 1, 1], [], []>, transpose_lhs_hint = false} : vector<17x38xf32>, vector<38x128xf32>, vector<17x128xf32> -> vector<17x128xf32>
    %add3A_161 = vector.broadcast %convert_element_type3A : vector<1x128xf32> to vector<17x128xf32>
    %add3A_162 = arith.addf %dot_general3A_160, %add3A_161 : vector<17x128xf32>
    %slice3A_163 = vector.extract_strided_slice %dot_general3A_135 {offsets = [0, 0], sizes = [1, 128], strides = [1, 1]} : vector<38x128xf32> to vector<1x128xf32>
    %slice3A_164 = vector.extract_strided_slice %dot_general3A_135 {offsets = [1, 0], sizes = [1, 128], strides = [1, 1]} : vector<38x128xf32> to vector<1x128xf32>
    %slice3A_165 = vector.extract_strided_slice %dot_general3A_135 {offsets = [36, 0], sizes = [1, 128], strides = [1, 1]} : vector<38x128xf32> to vector<1x128xf32>
    %add3A_166 = arith.addf %convert_element_type3A_65, %slice3A_165 : vector<1x128xf32>
    %slice3A_167 = vector.extract_strided_slice %dot_general3A_135 {offsets = [37, 0], sizes = [1, 128], strides = [1, 1]} : vector<38x128xf32> to vector<1x128xf32>
    %add3A_168 = arith.addf %convert_element_type3A, %slice3A_167 : vector<1x128xf32>
    %div3A_169 = arith.constant 2.000000e+00 : f32
    %div3A_170 = vector.broadcast %div3A_169 : f32 to vector<1x128xf32>
    %div3A_171 = arith.divf %slice3A_163, %div3A_170 : vector<1x128xf32>
    %sub3A_172 = arith.subf %add3A_166, %div3A_171 : vector<1x128xf32>
    %div3A_173 = arith.constant 2.000000e+00 : f32
    %div3A_174 = vector.broadcast %div3A_173 : f32 to vector<1x128xf32>
    %div3A_175 = arith.divf %slice3A_164, %div3A_174 : vector<1x128xf32>
    %sub3A_176 = arith.subf %add3A_168, %div3A_175 : vector<1x128xf32>
    %div3A_177 = arith.constant 2.000000e+00 : f32
    %div3A_178 = vector.broadcast %div3A_177 : f32 to vector<1x128xf32>
    %div3A_179 = arith.divf %slice3A_163, %div3A_178 : vector<1x128xf32>
    %add3A_180 = arith.addf %add3A_166, %div3A_179 : vector<1x128xf32>
    %div3A_181 = arith.constant 2.000000e+00 : f32
    %div3A_182 = vector.broadcast %div3A_181 : f32 to vector<1x128xf32>
    %div3A_183 = arith.divf %slice3A_164, %div3A_182 : vector<1x128xf32>
    %add3A_184 = arith.addf %add3A_168, %div3A_183 : vector<1x128xf32>
    %slice3A_185 = vector.extract_strided_slice %get3A_1 {offsets = [1, 0], sizes = [17, 128], strides = [1, 1]} : vector<18x128xf32> to vector<17x128xf32>
    %slice3A_186 = vector.extract_strided_slice %get3A_4 {offsets = [1, 0], sizes = [17, 128], strides = [1, 1]} : vector<18x128xi32> to vector<17x128xi32>
    %jit3A_187 = arith.constant 128 : i32
    %div3A_188 = vector.broadcast %jit3A_187 : i32 to vector<17x128xi32>
    %div3A_189 = arith.divsi %slice3A_186, %div3A_188 : vector<17x128xi32>
    %sign3A_190 = arith.constant 0 : i32
    %sign3A_191 = vector.broadcast %sign3A_190 : i32 to vector<17x128xi32>
    %sign3A_192 = arith.cmpi sgt, %slice3A_186, %sign3A_191 : vector<17x128xi32>
    %sign3A_193 = arith.extui %sign3A_192 : vector<17x128xi1> to vector<17x128xi32>
    %sign3A_194 = arith.constant 0 : i32
    %sign3A_195 = vector.broadcast %sign3A_194 : i32 to vector<17x128xi32>
    %sign3A_196 = arith.cmpi slt, %slice3A_186, %sign3A_195 : vector<17x128xi32>
    %sign3A_197 = arith.extui %sign3A_196 : vector<17x128xi1> to vector<17x128xi32>
    %sign3A_198 = arith.subi %sign3A_193, %sign3A_197 : vector<17x128xi32>
    %sign3A_199 = arith.constant 0 : i32
    %sign3A_200 = arith.cmpi sgt, %jit3A_187, %sign3A_199 : i32
    %sign3A_201 = arith.extui %sign3A_200 : i1 to i32
    %sign3A_202 = arith.constant 0 : i32
    %sign3A_203 = arith.cmpi slt, %jit3A_187, %sign3A_202 : i32
    %sign3A_204 = arith.extui %sign3A_203 : i1 to i32
    %sign3A_205 = arith.subi %sign3A_201, %sign3A_204 : i32
    %ne3A_206 = vector.broadcast %sign3A_205 : i32 to vector<17x128xi32>
    %ne3A_207 = arith.cmpi ne, %sign3A_198, %ne3A_206 : vector<17x128xi32>
    %rem3A_208 = vector.broadcast %jit3A_187 : i32 to vector<17x128xi32>
    %rem3A_209 = arith.remsi %slice3A_186, %rem3A_208 : vector<17x128xi32>
    %ne3A_210 = arith.constant 0 : i32
    %ne3A_211 = vector.broadcast %ne3A_210 : i32 to vector<17x128xi32>
    %ne3A_212 = arith.cmpi ne, %rem3A_209, %ne3A_211 : vector<17x128xi32>
    %and3A_213 = arith.andi %ne3A_207, %ne3A_212 : vector<17x128xi1>
    %sub3A_214 = arith.constant 1 : i32
    %sub3A_215 = vector.broadcast %sub3A_214 : i32 to vector<17x128xi32>
    %sub3A_216 = arith.subi %div3A_189, %sub3A_215 : vector<17x128xi32>
    %select_n3A_217 = arith.select %and3A_213, %sub3A_216, %div3A_189 : vector<17x128xi1>, vector<17x128xi32>
    %jit3A_218 = arith.constant 128 : i32
    %eq3A_219 = arith.constant 0 : i32
    %eq3A_220 = arith.cmpi eq, %jit3A_218, %eq3A_219 : i32
    %jit3A_221 = arith.constant 1 : i32
    %select_n3A_222 = arith.select %eq3A_220, %jit3A_221, %jit3A_218 : i32
    %rem3A_223 = vector.broadcast %select_n3A_222 : i32 to vector<17x128xi32>
    %rem3A_224 = arith.remsi %slice3A_186, %rem3A_223 : vector<17x128xi32>
    %ne3A_225 = arith.constant 0 : i32
    %ne3A_226 = vector.broadcast %ne3A_225 : i32 to vector<17x128xi32>
    %ne3A_227 = arith.cmpi ne, %rem3A_224, %ne3A_226 : vector<17x128xi32>
    %lt3A_228 = arith.constant 0 : i32
    %lt3A_229 = vector.broadcast %lt3A_228 : i32 to vector<17x128xi32>
    %lt3A_230 = arith.cmpi slt, %rem3A_224, %lt3A_229 : vector<17x128xi32>
    %lt3A_231 = arith.constant 0 : i32
    %lt3A_232 = arith.cmpi slt, %select_n3A_222, %lt3A_231 : i32
    %ne3A_233 = vector.broadcast %lt3A_232 : i1 to vector<17x128xi1>
    %ne3A_234 = vector.broadcast %ne3A_233 : vector<17x128xi1> to vector<17x128xi1>
    %ne3A_235 = arith.xori %lt3A_230, %ne3A_234 : vector<17x128xi1>
    %and3A_236 = arith.andi %ne3A_235, %ne3A_227 : vector<17x128xi1>
    %add3A_237 = vector.broadcast %select_n3A_222 : i32 to vector<17x128xi32>
    %add3A_238 = arith.addi %rem3A_224, %add3A_237 : vector<17x128xi32>
    %select_n3A_239 = arith.select %and3A_236, %add3A_238, %rem3A_224 : vector<17x128xi1>, vector<17x128xi32>
    %convert_element_type3A_240 = arith.sitofp %select_n3A_217 : vector<17x128xi32> to vector<17x128xf32>
    %convert_element_type3A_241 = arith.sitofp %select_n3A_239 : vector<17x128xi32> to vector<17x128xf32>
    %iota3A_242 = tpu.iota {dimensions = array<i32: 0>} : vector<256x128xi32>
    %slice3A_243 = vector.extract_strided_slice %select_n3A_217 {offsets = [0, 0], sizes = [1, 128], strides = [1, 1]} : vector<17x128xi32> to vector<1x128xi32>
    %eq3A_244 = vector.broadcast %slice3A_243 : vector<1x128xi32> to vector<128x128xi32>
    %eq3A_245 = arith.cmpi eq, %iota3A, %eq3A_244 : vector<128x128xi32>
    %convert_element_type3A_246 = arith.extui %eq3A_245 : vector<128x128xi1> to vector<128x128xi32>
    %convert_element_type3A_247 = arith.sitofp %convert_element_type3A_246 : vector<128x128xi32> to vector<128x128xf32>
    %dot_general3A_248 = arith.constant dense<0.000000e+00> : vector<256x128xf32>
    %dot_general3A_249 = tpu.matmul %reshape3A_22, %convert_element_type3A_247, %dot_general3A_248 {dimension_numbers = #tpu.dot_dimension_numbers<[1], [0], [0], [1], [0, 0, 1, 1], [], []>, transpose_lhs_hint = false} : vector<256x128xf32>, vector<128x128xf32>, vector<256x128xf32> -> vector<256x128xf32>
    %jit3A_250 = arith.constant 128 : i32
    %eq3A_251 = arith.constant 0 : i32
    %eq3A_252 = arith.cmpi eq, %jit3A_250, %eq3A_251 : i32
    %jit3A_253 = arith.constant 1 : i32
    %select_n3A_254 = arith.select %eq3A_252, %jit3A_253, %jit3A_250 : i32
    %rem3A_255 = vector.broadcast %select_n3A_254 : i32 to vector<256x128xi32>
    %rem3A_256 = arith.remsi %iota3A_242, %rem3A_255 : vector<256x128xi32>
    %ne3A_257 = arith.constant 0 : i32
    %ne3A_258 = vector.broadcast %ne3A_257 : i32 to vector<256x128xi32>
    %ne3A_259 = arith.cmpi ne, %rem3A_256, %ne3A_258 : vector<256x128xi32>
    %lt3A_260 = arith.constant 0 : i32
    %lt3A_261 = vector.broadcast %lt3A_260 : i32 to vector<256x128xi32>
    %lt3A_262 = arith.cmpi slt, %rem3A_256, %lt3A_261 : vector<256x128xi32>
    %lt3A_263 = arith.constant 0 : i32
    %lt3A_264 = arith.cmpi slt, %select_n3A_254, %lt3A_263 : i32
    %ne3A_265 = vector.broadcast %lt3A_264 : i1 to vector<256x128xi1>
    %ne3A_266 = vector.broadcast %ne3A_265 : vector<256x128xi1> to vector<256x128xi1>
    %ne3A_267 = arith.xori %lt3A_262, %ne3A_266 : vector<256x128xi1>
    %and3A_268 = arith.andi %ne3A_267, %ne3A_259 : vector<256x128xi1>
    %add3A_269 = vector.broadcast %select_n3A_254 : i32 to vector<256x128xi32>
    %add3A_270 = arith.addi %rem3A_256, %add3A_269 : vector<256x128xi32>
    %select_n3A_271 = arith.select %and3A_268, %add3A_270, %rem3A_256 : vector<256x128xi1>, vector<256x128xi32>
    %slice3A_272 = vector.extract_strided_slice %select_n3A_239 {offsets = [0, 0], sizes = [1, 128], strides = [1, 1]} : vector<17x128xi32> to vector<1x128xi32>
    %eq3A_273 = vector.broadcast %slice3A_272 : vector<1x128xi32> to vector<256x128xi32>
    %eq3A_274 = arith.cmpi eq, %select_n3A_271, %eq3A_273 : vector<256x128xi32>
    %jit3A_275 = arith.constant 128 : i32
    %div3A_276 = vector.broadcast %jit3A_275 : i32 to vector<256x128xi32>
    %div3A_277 = arith.divsi %iota3A_242, %div3A_276 : vector<256x128xi32>
    %sign3A_278 = arith.constant 0 : i32
    %sign3A_279 = vector.broadcast %sign3A_278 : i32 to vector<256x128xi32>
    %sign3A_280 = arith.cmpi sgt, %iota3A_242, %sign3A_279 : vector<256x128xi32>
    %sign3A_281 = arith.extui %sign3A_280 : vector<256x128xi1> to vector<256x128xi32>
    %sign3A_282 = arith.constant 0 : i32
    %sign3A_283 = vector.broadcast %sign3A_282 : i32 to vector<256x128xi32>
    %sign3A_284 = arith.cmpi slt, %iota3A_242, %sign3A_283 : vector<256x128xi32>
    %sign3A_285 = arith.extui %sign3A_284 : vector<256x128xi1> to vector<256x128xi32>
    %sign3A_286 = arith.subi %sign3A_281, %sign3A_285 : vector<256x128xi32>
    %sign3A_287 = arith.constant 0 : i32
    %sign3A_288 = arith.cmpi sgt, %jit3A_275, %sign3A_287 : i32
    %sign3A_289 = arith.extui %sign3A_288 : i1 to i32
    %sign3A_290 = arith.constant 0 : i32
    %sign3A_291 = arith.cmpi slt, %jit3A_275, %sign3A_290 : i32
    %sign3A_292 = arith.extui %sign3A_291 : i1 to i32
    %sign3A_293 = arith.subi %sign3A_289, %sign3A_292 : i32
    %ne3A_294 = vector.broadcast %sign3A_293 : i32 to vector<256x128xi32>
    %ne3A_295 = arith.cmpi ne, %sign3A_286, %ne3A_294 : vector<256x128xi32>
    %rem3A_296 = vector.broadcast %jit3A_275 : i32 to vector<256x128xi32>
    %rem3A_297 = arith.remsi %iota3A_242, %rem3A_296 : vector<256x128xi32>
    %ne3A_298 = arith.constant 0 : i32
    %ne3A_299 = vector.broadcast %ne3A_298 : i32 to vector<256x128xi32>
    %ne3A_300 = arith.cmpi ne, %rem3A_297, %ne3A_299 : vector<256x128xi32>
    %and3A_301 = arith.andi %ne3A_295, %ne3A_300 : vector<256x128xi1>
    %sub3A_302 = arith.constant 1 : i32
    %sub3A_303 = vector.broadcast %sub3A_302 : i32 to vector<256x128xi32>
    %sub3A_304 = arith.subi %div3A_277, %sub3A_303 : vector<256x128xi32>
    %select_n3A_305 = arith.select %and3A_301, %sub3A_304, %div3A_277 : vector<256x128xi1>, vector<256x128xi32>
    %eq3A_306 = arith.constant 0 : i32
    %eq3A_307 = vector.broadcast %eq3A_306 : i32 to vector<256x128xi32>
    %eq3A_308 = arith.cmpi eq, %select_n3A_305, %eq3A_307 : vector<256x128xi32>
    %jit3A_309 = arith.constant 128 : i32
    %div3A_310 = vector.broadcast %jit3A_309 : i32 to vector<256x128xi32>
    %div3A_311 = arith.divsi %iota3A_242, %div3A_310 : vector<256x128xi32>
    %sign3A_312 = arith.constant 0 : i32
    %sign3A_313 = vector.broadcast %sign3A_312 : i32 to vector<256x128xi32>
    %sign3A_314 = arith.cmpi sgt, %iota3A_242, %sign3A_313 : vector<256x128xi32>
    %sign3A_315 = arith.extui %sign3A_314 : vector<256x128xi1> to vector<256x128xi32>
    %sign3A_316 = arith.constant 0 : i32
    %sign3A_317 = vector.broadcast %sign3A_316 : i32 to vector<256x128xi32>
    %sign3A_318 = arith.cmpi slt, %iota3A_242, %sign3A_317 : vector<256x128xi32>
    %sign3A_319 = arith.extui %sign3A_318 : vector<256x128xi1> to vector<256x128xi32>
    %sign3A_320 = arith.subi %sign3A_315, %sign3A_319 : vector<256x128xi32>
    %sign3A_321 = arith.constant 0 : i32
    %sign3A_322 = arith.cmpi sgt, %jit3A_309, %sign3A_321 : i32
    %sign3A_323 = arith.extui %sign3A_322 : i1 to i32
    %sign3A_324 = arith.constant 0 : i32
    %sign3A_325 = arith.cmpi slt, %jit3A_309, %sign3A_324 : i32
    %sign3A_326 = arith.extui %sign3A_325 : i1 to i32
    %sign3A_327 = arith.subi %sign3A_323, %sign3A_326 : i32
    %ne3A_328 = vector.broadcast %sign3A_327 : i32 to vector<256x128xi32>
    %ne3A_329 = arith.cmpi ne, %sign3A_320, %ne3A_328 : vector<256x128xi32>
    %rem3A_330 = vector.broadcast %jit3A_309 : i32 to vector<256x128xi32>
    %rem3A_331 = arith.remsi %iota3A_242, %rem3A_330 : vector<256x128xi32>
    %ne3A_332 = arith.constant 0 : i32
    %ne3A_333 = vector.broadcast %ne3A_332 : i32 to vector<256x128xi32>
    %ne3A_334 = arith.cmpi ne, %rem3A_331, %ne3A_333 : vector<256x128xi32>
    %and3A_335 = arith.andi %ne3A_329, %ne3A_334 : vector<256x128xi1>
    %sub3A_336 = arith.constant 1 : i32
    %sub3A_337 = vector.broadcast %sub3A_336 : i32 to vector<256x128xi32>
    %sub3A_338 = arith.subi %div3A_311, %sub3A_337 : vector<256x128xi32>
    %select_n3A_339 = arith.select %and3A_335, %sub3A_338, %div3A_311 : vector<256x128xi1>, vector<256x128xi32>
    %eq3A_340 = arith.constant 1 : i32
    %eq3A_341 = vector.broadcast %eq3A_340 : i32 to vector<256x128xi32>
    %eq3A_342 = arith.cmpi eq, %select_n3A_339, %eq3A_341 : vector<256x128xi32>
    %and3A_343 = arith.andi %eq3A_274, %eq3A_308 : vector<256x128xi1>
    %jit3A_344 = arith.constant 0.000000e+00 : f32
    %broadcast_in_dim3A_345 = vector.broadcast %jit3A_344 : f32 to vector<256x128xf32>
    %select_n3A_346 = arith.select %and3A_343, %dot_general3A_249, %broadcast_in_dim3A_345 : vector<256x128xi1>, vector<256x128xf32>
    %reduce_sum3A = arith.constant dense<0.000000e+00> : vector<128xf32>
    %reduce_sum3A_347 = vector.multi_reduction <add>, %select_n3A_346, %reduce_sum3A [0] : vector<256x128xf32> to vector<128xf32>
    %broadcast_in_dim3A_348 = vector.shape_cast %reduce_sum3A_347 : vector<128xf32> to vector<1x128xf32>
    %and3A_349 = arith.andi %eq3A_274, %eq3A_342 : vector<256x128xi1>
    %jit3A_350 = arith.constant 0.000000e+00 : f32
    %broadcast_in_dim3A_351 = vector.broadcast %jit3A_350 : f32 to vector<256x128xf32>
    %select_n3A_352 = arith.select %and3A_349, %dot_general3A_249, %broadcast_in_dim3A_351 : vector<256x128xi1>, vector<256x128xf32>
    %reduce_sum3A_353 = arith.constant dense<0.000000e+00> : vector<128xf32>
    %reduce_sum3A_354 = vector.multi_reduction <add>, %select_n3A_352, %reduce_sum3A_353 [0] : vector<256x128xf32> to vector<128xf32>
    %broadcast_in_dim3A_355 = vector.shape_cast %reduce_sum3A_354 : vector<128xf32> to vector<1x128xf32>
    %slice3A_356 = vector.extract_strided_slice %select_n3A_217 {offsets = [1, 0], sizes = [1, 128], strides = [1, 1]} : vector<17x128xi32> to vector<1x128xi32>
    %eq3A_357 = vector.broadcast %slice3A_356 : vector<1x128xi32> to vector<128x128xi32>
    %eq3A_358 = arith.cmpi eq, %iota3A, %eq3A_357 : vector<128x128xi32>
    %convert_element_type3A_359 = arith.extui %eq3A_358 : vector<128x128xi1> to vector<128x128xi32>
    %convert_element_type3A_360 = arith.sitofp %convert_element_type3A_359 : vector<128x128xi32> to vector<128x128xf32>
    %dot_general3A_361 = arith.constant dense<0.000000e+00> : vector<256x128xf32>
    %dot_general3A_362 = tpu.matmul %reshape3A_22, %convert_element_type3A_360, %dot_general3A_361 {dimension_numbers = #tpu.dot_dimension_numbers<[1], [0], [0], [1], [0, 0, 1, 1], [], []>, transpose_lhs_hint = false} : vector<256x128xf32>, vector<128x128xf32>, vector<256x128xf32> -> vector<256x128xf32>
    %jit3A_363 = arith.constant 128 : i32
    %eq3A_364 = arith.constant 0 : i32
    %eq3A_365 = arith.cmpi eq, %jit3A_363, %eq3A_364 : i32
    %jit3A_366 = arith.constant 1 : i32
    %select_n3A_367 = arith.select %eq3A_365, %jit3A_366, %jit3A_363 : i32
    %rem3A_368 = vector.broadcast %select_n3A_367 : i32 to vector<256x128xi32>
    %rem3A_369 = arith.remsi %iota3A_242, %rem3A_368 : vector<256x128xi32>
    %ne3A_370 = arith.constant 0 : i32
    %ne3A_371 = vector.broadcast %ne3A_370 : i32 to vector<256x128xi32>
    %ne3A_372 = arith.cmpi ne, %rem3A_369, %ne3A_371 : vector<256x128xi32>
    %lt3A_373 = arith.constant 0 : i32
    %lt3A_374 = vector.broadcast %lt3A_373 : i32 to vector<256x128xi32>
    %lt3A_375 = arith.cmpi slt, %rem3A_369, %lt3A_374 : vector<256x128xi32>
    %lt3A_376 = arith.constant 0 : i32
    %lt3A_377 = arith.cmpi slt, %select_n3A_367, %lt3A_376 : i32
    %ne3A_378 = vector.broadcast %lt3A_377 : i1 to vector<256x128xi1>
    %ne3A_379 = vector.broadcast %ne3A_378 : vector<256x128xi1> to vector<256x128xi1>
    %ne3A_380 = arith.xori %lt3A_375, %ne3A_379 : vector<256x128xi1>
    %and3A_381 = arith.andi %ne3A_380, %ne3A_372 : vector<256x128xi1>
    %add3A_382 = vector.broadcast %select_n3A_367 : i32 to vector<256x128xi32>
    %add3A_383 = arith.addi %rem3A_369, %add3A_382 : vector<256x128xi32>
    %select_n3A_384 = arith.select %and3A_381, %add3A_383, %rem3A_369 : vector<256x128xi1>, vector<256x128xi32>
    %slice3A_385 = vector.extract_strided_slice %select_n3A_239 {offsets = [1, 0], sizes = [1, 128], strides = [1, 1]} : vector<17x128xi32> to vector<1x128xi32>
    %eq3A_386 = vector.broadcast %slice3A_385 : vector<1x128xi32> to vector<256x128xi32>
    %eq3A_387 = arith.cmpi eq, %select_n3A_384, %eq3A_386 : vector<256x128xi32>
    %jit3A_388 = arith.constant 128 : i32
    %div3A_389 = vector.broadcast %jit3A_388 : i32 to vector<256x128xi32>
    %div3A_390 = arith.divsi %iota3A_242, %div3A_389 : vector<256x128xi32>
    %sign3A_391 = arith.constant 0 : i32
    %sign3A_392 = vector.broadcast %sign3A_391 : i32 to vector<256x128xi32>
    %sign3A_393 = arith.cmpi sgt, %iota3A_242, %sign3A_392 : vector<256x128xi32>
    %sign3A_394 = arith.extui %sign3A_393 : vector<256x128xi1> to vector<256x128xi32>
    %sign3A_395 = arith.constant 0 : i32
    %sign3A_396 = vector.broadcast %sign3A_395 : i32 to vector<256x128xi32>
    %sign3A_397 = arith.cmpi slt, %iota3A_242, %sign3A_396 : vector<256x128xi32>
    %sign3A_398 = arith.extui %sign3A_397 : vector<256x128xi1> to vector<256x128xi32>
    %sign3A_399 = arith.subi %sign3A_394, %sign3A_398 : vector<256x128xi32>
    %sign3A_400 = arith.constant 0 : i32
    %sign3A_401 = arith.cmpi sgt, %jit3A_388, %sign3A_400 : i32
    %sign3A_402 = arith.extui %sign3A_401 : i1 to i32
    %sign3A_403 = arith.constant 0 : i32
    %sign3A_404 = arith.cmpi slt, %jit3A_388, %sign3A_403 : i32
    %sign3A_405 = arith.extui %sign3A_404 : i1 to i32
    %sign3A_406 = arith.subi %sign3A_402, %sign3A_405 : i32
    %ne3A_407 = vector.broadcast %sign3A_406 : i32 to vector<256x128xi32>
    %ne3A_408 = arith.cmpi ne, %sign3A_399, %ne3A_407 : vector<256x128xi32>
    %rem3A_409 = vector.broadcast %jit3A_388 : i32 to vector<256x128xi32>
    %rem3A_410 = arith.remsi %iota3A_242, %rem3A_409 : vector<256x128xi32>
    %ne3A_411 = arith.constant 0 : i32
    %ne3A_412 = vector.broadcast %ne3A_411 : i32 to vector<256x128xi32>
    %ne3A_413 = arith.cmpi ne, %rem3A_410, %ne3A_412 : vector<256x128xi32>
    %and3A_414 = arith.andi %ne3A_408, %ne3A_413 : vector<256x128xi1>
    %sub3A_415 = arith.constant 1 : i32
    %sub3A_416 = vector.broadcast %sub3A_415 : i32 to vector<256x128xi32>
    %sub3A_417 = arith.subi %div3A_390, %sub3A_416 : vector<256x128xi32>
    %select_n3A_418 = arith.select %and3A_414, %sub3A_417, %div3A_390 : vector<256x128xi1>, vector<256x128xi32>
    %eq3A_419 = arith.constant 0 : i32
    %eq3A_420 = vector.broadcast %eq3A_419 : i32 to vector<256x128xi32>
    %eq3A_421 = arith.cmpi eq, %select_n3A_418, %eq3A_420 : vector<256x128xi32>
    %jit3A_422 = arith.constant 128 : i32
    %div3A_423 = vector.broadcast %jit3A_422 : i32 to vector<256x128xi32>
    %div3A_424 = arith.divsi %iota3A_242, %div3A_423 : vector<256x128xi32>
    %sign3A_425 = arith.constant 0 : i32
    %sign3A_426 = vector.broadcast %sign3A_425 : i32 to vector<256x128xi32>
    %sign3A_427 = arith.cmpi sgt, %iota3A_242, %sign3A_426 : vector<256x128xi32>
    %sign3A_428 = arith.extui %sign3A_427 : vector<256x128xi1> to vector<256x128xi32>
    %sign3A_429 = arith.constant 0 : i32
    %sign3A_430 = vector.broadcast %sign3A_429 : i32 to vector<256x128xi32>
    %sign3A_431 = arith.cmpi slt, %iota3A_242, %sign3A_430 : vector<256x128xi32>
    %sign3A_432 = arith.extui %sign3A_431 : vector<256x128xi1> to vector<256x128xi32>
    %sign3A_433 = arith.subi %sign3A_428, %sign3A_432 : vector<256x128xi32>
    %sign3A_434 = arith.constant 0 : i32
    %sign3A_435 = arith.cmpi sgt, %jit3A_422, %sign3A_434 : i32
    %sign3A_436 = arith.extui %sign3A_435 : i1 to i32
    %sign3A_437 = arith.constant 0 : i32
    %sign3A_438 = arith.cmpi slt, %jit3A_422, %sign3A_437 : i32
    %sign3A_439 = arith.extui %sign3A_438 : i1 to i32
    %sign3A_440 = arith.subi %sign3A_436, %sign3A_439 : i32
    %ne3A_441 = vector.broadcast %sign3A_440 : i32 to vector<256x128xi32>
    %ne3A_442 = arith.cmpi ne, %sign3A_433, %ne3A_441 : vector<256x128xi32>
    %rem3A_443 = vector.broadcast %jit3A_422 : i32 to vector<256x128xi32>
    %rem3A_444 = arith.remsi %iota3A_242, %rem3A_443 : vector<256x128xi32>
    %ne3A_445 = arith.constant 0 : i32
    %ne3A_446 = vector.broadcast %ne3A_445 : i32 to vector<256x128xi32>
    %ne3A_447 = arith.cmpi ne, %rem3A_444, %ne3A_446 : vector<256x128xi32>
    %and3A_448 = arith.andi %ne3A_442, %ne3A_447 : vector<256x128xi1>
    %sub3A_449 = arith.constant 1 : i32
    %sub3A_450 = vector.broadcast %sub3A_449 : i32 to vector<256x128xi32>
    %sub3A_451 = arith.subi %div3A_424, %sub3A_450 : vector<256x128xi32>
    %select_n3A_452 = arith.select %and3A_448, %sub3A_451, %div3A_424 : vector<256x128xi1>, vector<256x128xi32>
    %eq3A_453 = arith.constant 1 : i32
    %eq3A_454 = vector.broadcast %eq3A_453 : i32 to vector<256x128xi32>
    %eq3A_455 = arith.cmpi eq, %select_n3A_452, %eq3A_454 : vector<256x128xi32>
    %and3A_456 = arith.andi %eq3A_387, %eq3A_421 : vector<256x128xi1>
    %jit3A_457 = arith.constant 0.000000e+00 : f32
    %broadcast_in_dim3A_458 = vector.broadcast %jit3A_457 : f32 to vector<256x128xf32>
    %select_n3A_459 = arith.select %and3A_456, %dot_general3A_362, %broadcast_in_dim3A_458 : vector<256x128xi1>, vector<256x128xf32>
    %reduce_sum3A_460 = arith.constant dense<0.000000e+00> : vector<128xf32>
    %reduce_sum3A_461 = vector.multi_reduction <add>, %select_n3A_459, %reduce_sum3A_460 [0] : vector<256x128xf32> to vector<128xf32>
    %broadcast_in_dim3A_462 = vector.shape_cast %reduce_sum3A_461 : vector<128xf32> to vector<1x128xf32>
    %and3A_463 = arith.andi %eq3A_387, %eq3A_455 : vector<256x128xi1>
    %jit3A_464 = arith.constant 0.000000e+00 : f32
    %broadcast_in_dim3A_465 = vector.broadcast %jit3A_464 : f32 to vector<256x128xf32>
    %select_n3A_466 = arith.select %and3A_463, %dot_general3A_362, %broadcast_in_dim3A_465 : vector<256x128xi1>, vector<256x128xf32>
    %reduce_sum3A_467 = arith.constant dense<0.000000e+00> : vector<128xf32>
    %reduce_sum3A_468 = vector.multi_reduction <add>, %select_n3A_466, %reduce_sum3A_467 [0] : vector<256x128xf32> to vector<128xf32>
    %broadcast_in_dim3A_469 = vector.shape_cast %reduce_sum3A_468 : vector<128xf32> to vector<1x128xf32>
    %slice3A_470 = vector.extract_strided_slice %select_n3A_217 {offsets = [2, 0], sizes = [1, 128], strides = [1, 1]} : vector<17x128xi32> to vector<1x128xi32>
    %eq3A_471 = vector.broadcast %slice3A_470 : vector<1x128xi32> to vector<128x128xi32>
    %eq3A_472 = arith.cmpi eq, %iota3A, %eq3A_471 : vector<128x128xi32>
    %convert_element_type3A_473 = arith.extui %eq3A_472 : vector<128x128xi1> to vector<128x128xi32>
    %convert_element_type3A_474 = arith.sitofp %convert_element_type3A_473 : vector<128x128xi32> to vector<128x128xf32>
    %dot_general3A_475 = arith.constant dense<0.000000e+00> : vector<256x128xf32>
    %dot_general3A_476 = tpu.matmul %reshape3A_22, %convert_element_type3A_474, %dot_general3A_475 {dimension_numbers = #tpu.dot_dimension_numbers<[1], [0], [0], [1], [0, 0, 1, 1], [], []>, transpose_lhs_hint = false} : vector<256x128xf32>, vector<128x128xf32>, vector<256x128xf32> -> vector<256x128xf32>
    %jit3A_477 = arith.constant 128 : i32
    %eq3A_478 = arith.constant 0 : i32
    %eq3A_479 = arith.cmpi eq, %jit3A_477, %eq3A_478 : i32
    %jit3A_480 = arith.constant 1 : i32
    %select_n3A_481 = arith.select %eq3A_479, %jit3A_480, %jit3A_477 : i32
    %rem3A_482 = vector.broadcast %select_n3A_481 : i32 to vector<256x128xi32>
    %rem3A_483 = arith.remsi %iota3A_242, %rem3A_482 : vector<256x128xi32>
    %ne3A_484 = arith.constant 0 : i32
    %ne3A_485 = vector.broadcast %ne3A_484 : i32 to vector<256x128xi32>
    %ne3A_486 = arith.cmpi ne, %rem3A_483, %ne3A_485 : vector<256x128xi32>
    %lt3A_487 = arith.constant 0 : i32
    %lt3A_488 = vector.broadcast %lt3A_487 : i32 to vector<256x128xi32>
    %lt3A_489 = arith.cmpi slt, %rem3A_483, %lt3A_488 : vector<256x128xi32>
    %lt3A_490 = arith.constant 0 : i32
    %lt3A_491 = arith.cmpi slt, %select_n3A_481, %lt3A_490 : i32
    %ne3A_492 = vector.broadcast %lt3A_491 : i1 to vector<256x128xi1>
    %ne3A_493 = vector.broadcast %ne3A_492 : vector<256x128xi1> to vector<256x128xi1>
    %ne3A_494 = arith.xori %lt3A_489, %ne3A_493 : vector<256x128xi1>
    %and3A_495 = arith.andi %ne3A_494, %ne3A_486 : vector<256x128xi1>
    %add3A_496 = vector.broadcast %select_n3A_481 : i32 to vector<256x128xi32>
    %add3A_497 = arith.addi %rem3A_483, %add3A_496 : vector<256x128xi32>
    %select_n3A_498 = arith.select %and3A_495, %add3A_497, %rem3A_483 : vector<256x128xi1>, vector<256x128xi32>
    %slice3A_499 = vector.extract_strided_slice %select_n3A_239 {offsets = [2, 0], sizes = [1, 128], strides = [1, 1]} : vector<17x128xi32> to vector<1x128xi32>
    %eq3A_500 = vector.broadcast %slice3A_499 : vector<1x128xi32> to vector<256x128xi32>
    %eq3A_501 = arith.cmpi eq, %select_n3A_498, %eq3A_500 : vector<256x128xi32>
    %jit3A_502 = arith.constant 128 : i32
    %div3A_503 = vector.broadcast %jit3A_502 : i32 to vector<256x128xi32>
    %div3A_504 = arith.divsi %iota3A_242, %div3A_503 : vector<256x128xi32>
    %sign3A_505 = arith.constant 0 : i32
    %sign3A_506 = vector.broadcast %sign3A_505 : i32 to vector<256x128xi32>
    %sign3A_507 = arith.cmpi sgt, %iota3A_242, %sign3A_506 : vector<256x128xi32>
    %sign3A_508 = arith.extui %sign3A_507 : vector<256x128xi1> to vector<256x128xi32>
    %sign3A_509 = arith.constant 0 : i32
    %sign3A_510 = vector.broadcast %sign3A_509 : i32 to vector<256x128xi32>
    %sign3A_511 = arith.cmpi slt, %iota3A_242, %sign3A_510 : vector<256x128xi32>
    %sign3A_512 = arith.extui %sign3A_511 : vector<256x128xi1> to vector<256x128xi32>
    %sign3A_513 = arith.subi %sign3A_508, %sign3A_512 : vector<256x128xi32>
    %sign3A_514 = arith.constant 0 : i32
    %sign3A_515 = arith.cmpi sgt, %jit3A_502, %sign3A_514 : i32
    %sign3A_516 = arith.extui %sign3A_515 : i1 to i32
    %sign3A_517 = arith.constant 0 : i32
    %sign3A_518 = arith.cmpi slt, %jit3A_502, %sign3A_517 : i32
    %sign3A_519 = arith.extui %sign3A_518 : i1 to i32
    %sign3A_520 = arith.subi %sign3A_516, %sign3A_519 : i32
    %ne3A_521 = vector.broadcast %sign3A_520 : i32 to vector<256x128xi32>
    %ne3A_522 = arith.cmpi ne, %sign3A_513, %ne3A_521 : vector<256x128xi32>
    %rem3A_523 = vector.broadcast %jit3A_502 : i32 to vector<256x128xi32>
    %rem3A_524 = arith.remsi %iota3A_242, %rem3A_523 : vector<256x128xi32>
    %ne3A_525 = arith.constant 0 : i32
    %ne3A_526 = vector.broadcast %ne3A_525 : i32 to vector<256x128xi32>
    %ne3A_527 = arith.cmpi ne, %rem3A_524, %ne3A_526 : vector<256x128xi32>
    %and3A_528 = arith.andi %ne3A_522, %ne3A_527 : vector<256x128xi1>
    %sub3A_529 = arith.constant 1 : i32
    %sub3A_530 = vector.broadcast %sub3A_529 : i32 to vector<256x128xi32>
    %sub3A_531 = arith.subi %div3A_504, %sub3A_530 : vector<256x128xi32>
    %select_n3A_532 = arith.select %and3A_528, %sub3A_531, %div3A_504 : vector<256x128xi1>, vector<256x128xi32>
    %eq3A_533 = arith.constant 0 : i32
    %eq3A_534 = vector.broadcast %eq3A_533 : i32 to vector<256x128xi32>
    %eq3A_535 = arith.cmpi eq, %select_n3A_532, %eq3A_534 : vector<256x128xi32>
    %jit3A_536 = arith.constant 128 : i32
    %div3A_537 = vector.broadcast %jit3A_536 : i32 to vector<256x128xi32>
    %div3A_538 = arith.divsi %iota3A_242, %div3A_537 : vector<256x128xi32>
    %sign3A_539 = arith.constant 0 : i32
    %sign3A_540 = vector.broadcast %sign3A_539 : i32 to vector<256x128xi32>
    %sign3A_541 = arith.cmpi sgt, %iota3A_242, %sign3A_540 : vector<256x128xi32>
    %sign3A_542 = arith.extui %sign3A_541 : vector<256x128xi1> to vector<256x128xi32>
    %sign3A_543 = arith.constant 0 : i32
    %sign3A_544 = vector.broadcast %sign3A_543 : i32 to vector<256x128xi32>
    %sign3A_545 = arith.cmpi slt, %iota3A_242, %sign3A_544 : vector<256x128xi32>
    %sign3A_546 = arith.extui %sign3A_545 : vector<256x128xi1> to vector<256x128xi32>
    %sign3A_547 = arith.subi %sign3A_542, %sign3A_546 : vector<256x128xi32>
    %sign3A_548 = arith.constant 0 : i32
    %sign3A_549 = arith.cmpi sgt, %jit3A_536, %sign3A_548 : i32
    %sign3A_550 = arith.extui %sign3A_549 : i1 to i32
    %sign3A_551 = arith.constant 0 : i32
    %sign3A_552 = arith.cmpi slt, %jit3A_536, %sign3A_551 : i32
    %sign3A_553 = arith.extui %sign3A_552 : i1 to i32
    %sign3A_554 = arith.subi %sign3A_550, %sign3A_553 : i32
    %ne3A_555 = vector.broadcast %sign3A_554 : i32 to vector<256x128xi32>
    %ne3A_556 = arith.cmpi ne, %sign3A_547, %ne3A_555 : vector<256x128xi32>
    %rem3A_557 = vector.broadcast %jit3A_536 : i32 to vector<256x128xi32>
    %rem3A_558 = arith.remsi %iota3A_242, %rem3A_557 : vector<256x128xi32>
    %ne3A_559 = arith.constant 0 : i32
    %ne3A_560 = vector.broadcast %ne3A_559 : i32 to vector<256x128xi32>
    %ne3A_561 = arith.cmpi ne, %rem3A_558, %ne3A_560 : vector<256x128xi32>
    %and3A_562 = arith.andi %ne3A_556, %ne3A_561 : vector<256x128xi1>
    %sub3A_563 = arith.constant 1 : i32
    %sub3A_564 = vector.broadcast %sub3A_563 : i32 to vector<256x128xi32>
    %sub3A_565 = arith.subi %div3A_538, %sub3A_564 : vector<256x128xi32>
    %select_n3A_566 = arith.select %and3A_562, %sub3A_565, %div3A_538 : vector<256x128xi1>, vector<256x128xi32>
    %eq3A_567 = arith.constant 1 : i32
    %eq3A_568 = vector.broadcast %eq3A_567 : i32 to vector<256x128xi32>
    %eq3A_569 = arith.cmpi eq, %select_n3A_566, %eq3A_568 : vector<256x128xi32>
    %and3A_570 = arith.andi %eq3A_501, %eq3A_535 : vector<256x128xi1>
    %jit3A_571 = arith.constant 0.000000e+00 : f32
    %broadcast_in_dim3A_572 = vector.broadcast %jit3A_571 : f32 to vector<256x128xf32>
    %select_n3A_573 = arith.select %and3A_570, %dot_general3A_476, %broadcast_in_dim3A_572 : vector<256x128xi1>, vector<256x128xf32>
    %reduce_sum3A_574 = arith.constant dense<0.000000e+00> : vector<128xf32>
    %reduce_sum3A_575 = vector.multi_reduction <add>, %select_n3A_573, %reduce_sum3A_574 [0] : vector<256x128xf32> to vector<128xf32>
    %broadcast_in_dim3A_576 = vector.shape_cast %reduce_sum3A_575 : vector<128xf32> to vector<1x128xf32>
    %and3A_577 = arith.andi %eq3A_501, %eq3A_569 : vector<256x128xi1>
    %jit3A_578 = arith.constant 0.000000e+00 : f32
    %broadcast_in_dim3A_579 = vector.broadcast %jit3A_578 : f32 to vector<256x128xf32>
    %select_n3A_580 = arith.select %and3A_577, %dot_general3A_476, %broadcast_in_dim3A_579 : vector<256x128xi1>, vector<256x128xf32>
    %reduce_sum3A_581 = arith.constant dense<0.000000e+00> : vector<128xf32>
    %reduce_sum3A_582 = vector.multi_reduction <add>, %select_n3A_580, %reduce_sum3A_581 [0] : vector<256x128xf32> to vector<128xf32>
    %broadcast_in_dim3A_583 = vector.shape_cast %reduce_sum3A_582 : vector<128xf32> to vector<1x128xf32>
    %slice3A_584 = vector.extract_strided_slice %select_n3A_217 {offsets = [3, 0], sizes = [1, 128], strides = [1, 1]} : vector<17x128xi32> to vector<1x128xi32>
    %eq3A_585 = vector.broadcast %slice3A_584 : vector<1x128xi32> to vector<128x128xi32>
    %eq3A_586 = arith.cmpi eq, %iota3A, %eq3A_585 : vector<128x128xi32>
    %convert_element_type3A_587 = arith.extui %eq3A_586 : vector<128x128xi1> to vector<128x128xi32>
    %convert_element_type3A_588 = arith.sitofp %convert_element_type3A_587 : vector<128x128xi32> to vector<128x128xf32>
    %dot_general3A_589 = arith.constant dense<0.000000e+00> : vector<256x128xf32>
    %dot_general3A_590 = tpu.matmul %reshape3A_22, %convert_element_type3A_588, %dot_general3A_589 {dimension_numbers = #tpu.dot_dimension_numbers<[1], [0], [0], [1], [0, 0, 1, 1], [], []>, transpose_lhs_hint = false} : vector<256x128xf32>, vector<128x128xf32>, vector<256x128xf32> -> vector<256x128xf32>
    %jit3A_591 = arith.constant 128 : i32
    %eq3A_592 = arith.constant 0 : i32
    %eq3A_593 = arith.cmpi eq, %jit3A_591, %eq3A_592 : i32
    %jit3A_594 = arith.constant 1 : i32
    %select_n3A_595 = arith.select %eq3A_593, %jit3A_594, %jit3A_591 : i32
    %rem3A_596 = vector.broadcast %select_n3A_595 : i32 to vector<256x128xi32>
    %rem3A_597 = arith.remsi %iota3A_242, %rem3A_596 : vector<256x128xi32>
    %ne3A_598 = arith.constant 0 : i32
    %ne3A_599 = vector.broadcast %ne3A_598 : i32 to vector<256x128xi32>
    %ne3A_600 = arith.cmpi ne, %rem3A_597, %ne3A_599 : vector<256x128xi32>
    %lt3A_601 = arith.constant 0 : i32
    %lt3A_602 = vector.broadcast %lt3A_601 : i32 to vector<256x128xi32>
    %lt3A_603 = arith.cmpi slt, %rem3A_597, %lt3A_602 : vector<256x128xi32>
    %lt3A_604 = arith.constant 0 : i32
    %lt3A_605 = arith.cmpi slt, %select_n3A_595, %lt3A_604 : i32
    %ne3A_606 = vector.broadcast %lt3A_605 : i1 to vector<256x128xi1>
    %ne3A_607 = vector.broadcast %ne3A_606 : vector<256x128xi1> to vector<256x128xi1>
    %ne3A_608 = arith.xori %lt3A_603, %ne3A_607 : vector<256x128xi1>
    %and3A_609 = arith.andi %ne3A_608, %ne3A_600 : vector<256x128xi1>
    %add3A_610 = vector.broadcast %select_n3A_595 : i32 to vector<256x128xi32>
    %add3A_611 = arith.addi %rem3A_597, %add3A_610 : vector<256x128xi32>
    %select_n3A_612 = arith.select %and3A_609, %add3A_611, %rem3A_597 : vector<256x128xi1>, vector<256x128xi32>
    %slice3A_613 = vector.extract_strided_slice %select_n3A_239 {offsets = [3, 0], sizes = [1, 128], strides = [1, 1]} : vector<17x128xi32> to vector<1x128xi32>
    %eq3A_614 = vector.broadcast %slice3A_613 : vector<1x128xi32> to vector<256x128xi32>
    %eq3A_615 = arith.cmpi eq, %select_n3A_612, %eq3A_614 : vector<256x128xi32>
    %jit3A_616 = arith.constant 128 : i32
    %div3A_617 = vector.broadcast %jit3A_616 : i32 to vector<256x128xi32>
    %div3A_618 = arith.divsi %iota3A_242, %div3A_617 : vector<256x128xi32>
    %sign3A_619 = arith.constant 0 : i32
    %sign3A_620 = vector.broadcast %sign3A_619 : i32 to vector<256x128xi32>
    %sign3A_621 = arith.cmpi sgt, %iota3A_242, %sign3A_620 : vector<256x128xi32>
    %sign3A_622 = arith.extui %sign3A_621 : vector<256x128xi1> to vector<256x128xi32>
    %sign3A_623 = arith.constant 0 : i32
    %sign3A_624 = vector.broadcast %sign3A_623 : i32 to vector<256x128xi32>
    %sign3A_625 = arith.cmpi slt, %iota3A_242, %sign3A_624 : vector<256x128xi32>
    %sign3A_626 = arith.extui %sign3A_625 : vector<256x128xi1> to vector<256x128xi32>
    %sign3A_627 = arith.subi %sign3A_622, %sign3A_626 : vector<256x128xi32>
    %sign3A_628 = arith.constant 0 : i32
    %sign3A_629 = arith.cmpi sgt, %jit3A_616, %sign3A_628 : i32
    %sign3A_630 = arith.extui %sign3A_629 : i1 to i32
    %sign3A_631 = arith.constant 0 : i32
    %sign3A_632 = arith.cmpi slt, %jit3A_616, %sign3A_631 : i32
    %sign3A_633 = arith.extui %sign3A_632 : i1 to i32
    %sign3A_634 = arith.subi %sign3A_630, %sign3A_633 : i32
    %ne3A_635 = vector.broadcast %sign3A_634 : i32 to vector<256x128xi32>
    %ne3A_636 = arith.cmpi ne, %sign3A_627, %ne3A_635 : vector<256x128xi32>
    %rem3A_637 = vector.broadcast %jit3A_616 : i32 to vector<256x128xi32>
    %rem3A_638 = arith.remsi %iota3A_242, %rem3A_637 : vector<256x128xi32>
    %ne3A_639 = arith.constant 0 : i32
    %ne3A_640 = vector.broadcast %ne3A_639 : i32 to vector<256x128xi32>
    %ne3A_641 = arith.cmpi ne, %rem3A_638, %ne3A_640 : vector<256x128xi32>
    %and3A_642 = arith.andi %ne3A_636, %ne3A_641 : vector<256x128xi1>
    %sub3A_643 = arith.constant 1 : i32
    %sub3A_644 = vector.broadcast %sub3A_643 : i32 to vector<256x128xi32>
    %sub3A_645 = arith.subi %div3A_618, %sub3A_644 : vector<256x128xi32>
    %select_n3A_646 = arith.select %and3A_642, %sub3A_645, %div3A_618 : vector<256x128xi1>, vector<256x128xi32>
    %eq3A_647 = arith.constant 0 : i32
    %eq3A_648 = vector.broadcast %eq3A_647 : i32 to vector<256x128xi32>
    %eq3A_649 = arith.cmpi eq, %select_n3A_646, %eq3A_648 : vector<256x128xi32>
    %jit3A_650 = arith.constant 128 : i32
    %div3A_651 = vector.broadcast %jit3A_650 : i32 to vector<256x128xi32>
    %div3A_652 = arith.divsi %iota3A_242, %div3A_651 : vector<256x128xi32>
    %sign3A_653 = arith.constant 0 : i32
    %sign3A_654 = vector.broadcast %sign3A_653 : i32 to vector<256x128xi32>
    %sign3A_655 = arith.cmpi sgt, %iota3A_242, %sign3A_654 : vector<256x128xi32>
    %sign3A_656 = arith.extui %sign3A_655 : vector<256x128xi1> to vector<256x128xi32>
    %sign3A_657 = arith.constant 0 : i32
    %sign3A_658 = vector.broadcast %sign3A_657 : i32 to vector<256x128xi32>
    %sign3A_659 = arith.cmpi slt, %iota3A_242, %sign3A_658 : vector<256x128xi32>
    %sign3A_660 = arith.extui %sign3A_659 : vector<256x128xi1> to vector<256x128xi32>
    %sign3A_661 = arith.subi %sign3A_656, %sign3A_660 : vector<256x128xi32>
    %sign3A_662 = arith.constant 0 : i32
    %sign3A_663 = arith.cmpi sgt, %jit3A_650, %sign3A_662 : i32
    %sign3A_664 = arith.extui %sign3A_663 : i1 to i32
    %sign3A_665 = arith.constant 0 : i32
    %sign3A_666 = arith.cmpi slt, %jit3A_650, %sign3A_665 : i32
    %sign3A_667 = arith.extui %sign3A_666 : i1 to i32
    %sign3A_668 = arith.subi %sign3A_664, %sign3A_667 : i32
    %ne3A_669 = vector.broadcast %sign3A_668 : i32 to vector<256x128xi32>
    %ne3A_670 = arith.cmpi ne, %sign3A_661, %ne3A_669 : vector<256x128xi32>
    %rem3A_671 = vector.broadcast %jit3A_650 : i32 to vector<256x128xi32>
    %rem3A_672 = arith.remsi %iota3A_242, %rem3A_671 : vector<256x128xi32>
    %ne3A_673 = arith.constant 0 : i32
    %ne3A_674 = vector.broadcast %ne3A_673 : i32 to vector<256x128xi32>
    %ne3A_675 = arith.cmpi ne, %rem3A_672, %ne3A_674 : vector<256x128xi32>
    %and3A_676 = arith.andi %ne3A_670, %ne3A_675 : vector<256x128xi1>
    %sub3A_677 = arith.constant 1 : i32
    %sub3A_678 = vector.broadcast %sub3A_677 : i32 to vector<256x128xi32>
    %sub3A_679 = arith.subi %div3A_652, %sub3A_678 : vector<256x128xi32>
    %select_n3A_680 = arith.select %and3A_676, %sub3A_679, %div3A_652 : vector<256x128xi1>, vector<256x128xi32>
    %eq3A_681 = arith.constant 1 : i32
    %eq3A_682 = vector.broadcast %eq3A_681 : i32 to vector<256x128xi32>
    %eq3A_683 = arith.cmpi eq, %select_n3A_680, %eq3A_682 : vector<256x128xi32>
    %and3A_684 = arith.andi %eq3A_615, %eq3A_649 : vector<256x128xi1>
    %jit3A_685 = arith.constant 0.000000e+00 : f32
    %broadcast_in_dim3A_686 = vector.broadcast %jit3A_685 : f32 to vector<256x128xf32>
    %select_n3A_687 = arith.select %and3A_684, %dot_general3A_590, %broadcast_in_dim3A_686 : vector<256x128xi1>, vector<256x128xf32>
    %reduce_sum3A_688 = arith.constant dense<0.000000e+00> : vector<128xf32>
    %reduce_sum3A_689 = vector.multi_reduction <add>, %select_n3A_687, %reduce_sum3A_688 [0] : vector<256x128xf32> to vector<128xf32>
    %broadcast_in_dim3A_690 = vector.shape_cast %reduce_sum3A_689 : vector<128xf32> to vector<1x128xf32>
    %and3A_691 = arith.andi %eq3A_615, %eq3A_683 : vector<256x128xi1>
    %jit3A_692 = arith.constant 0.000000e+00 : f32
    %broadcast_in_dim3A_693 = vector.broadcast %jit3A_692 : f32 to vector<256x128xf32>
    %select_n3A_694 = arith.select %and3A_691, %dot_general3A_590, %broadcast_in_dim3A_693 : vector<256x128xi1>, vector<256x128xf32>
    %reduce_sum3A_695 = arith.constant dense<0.000000e+00> : vector<128xf32>
    %reduce_sum3A_696 = vector.multi_reduction <add>, %select_n3A_694, %reduce_sum3A_695 [0] : vector<256x128xf32> to vector<128xf32>
    %broadcast_in_dim3A_697 = vector.shape_cast %reduce_sum3A_696 : vector<128xf32> to vector<1x128xf32>
    %slice3A_698 = vector.extract_strided_slice %select_n3A_217 {offsets = [4, 0], sizes = [1, 128], strides = [1, 1]} : vector<17x128xi32> to vector<1x128xi32>
    %eq3A_699 = vector.broadcast %slice3A_698 : vector<1x128xi32> to vector<128x128xi32>
    %eq3A_700 = arith.cmpi eq, %iota3A, %eq3A_699 : vector<128x128xi32>
    %convert_element_type3A_701 = arith.extui %eq3A_700 : vector<128x128xi1> to vector<128x128xi32>
    %convert_element_type3A_702 = arith.sitofp %convert_element_type3A_701 : vector<128x128xi32> to vector<128x128xf32>
    %dot_general3A_703 = arith.constant dense<0.000000e+00> : vector<256x128xf32>
    %dot_general3A_704 = tpu.matmul %reshape3A_22, %convert_element_type3A_702, %dot_general3A_703 {dimension_numbers = #tpu.dot_dimension_numbers<[1], [0], [0], [1], [0, 0, 1, 1], [], []>, transpose_lhs_hint = false} : vector<256x128xf32>, vector<128x128xf32>, vector<256x128xf32> -> vector<256x128xf32>
    %jit3A_705 = arith.constant 128 : i32
    %eq3A_706 = arith.constant 0 : i32
    %eq3A_707 = arith.cmpi eq, %jit3A_705, %eq3A_706 : i32
    %jit3A_708 = arith.constant 1 : i32
    %select_n3A_709 = arith.select %eq3A_707, %jit3A_708, %jit3A_705 : i32
    %rem3A_710 = vector.broadcast %select_n3A_709 : i32 to vector<256x128xi32>
    %rem3A_711 = arith.remsi %iota3A_242, %rem3A_710 : vector<256x128xi32>
    %ne3A_712 = arith.constant 0 : i32
    %ne3A_713 = vector.broadcast %ne3A_712 : i32 to vector<256x128xi32>
    %ne3A_714 = arith.cmpi ne, %rem3A_711, %ne3A_713 : vector<256x128xi32>
    %lt3A_715 = arith.constant 0 : i32
    %lt3A_716 = vector.broadcast %lt3A_715 : i32 to vector<256x128xi32>
    %lt3A_717 = arith.cmpi slt, %rem3A_711, %lt3A_716 : vector<256x128xi32>
    %lt3A_718 = arith.constant 0 : i32
    %lt3A_719 = arith.cmpi slt, %select_n3A_709, %lt3A_718 : i32
    %ne3A_720 = vector.broadcast %lt3A_719 : i1 to vector<256x128xi1>
    %ne3A_721 = vector.broadcast %ne3A_720 : vector<256x128xi1> to vector<256x128xi1>
    %ne3A_722 = arith.xori %lt3A_717, %ne3A_721 : vector<256x128xi1>
    %and3A_723 = arith.andi %ne3A_722, %ne3A_714 : vector<256x128xi1>
    %add3A_724 = vector.broadcast %select_n3A_709 : i32 to vector<256x128xi32>
    %add3A_725 = arith.addi %rem3A_711, %add3A_724 : vector<256x128xi32>
    %select_n3A_726 = arith.select %and3A_723, %add3A_725, %rem3A_711 : vector<256x128xi1>, vector<256x128xi32>
    %slice3A_727 = vector.extract_strided_slice %select_n3A_239 {offsets = [4, 0], sizes = [1, 128], strides = [1, 1]} : vector<17x128xi32> to vector<1x128xi32>
    %eq3A_728 = vector.broadcast %slice3A_727 : vector<1x128xi32> to vector<256x128xi32>
    %eq3A_729 = arith.cmpi eq, %select_n3A_726, %eq3A_728 : vector<256x128xi32>
    %jit3A_730 = arith.constant 128 : i32
    %div3A_731 = vector.broadcast %jit3A_730 : i32 to vector<256x128xi32>
    %div3A_732 = arith.divsi %iota3A_242, %div3A_731 : vector<256x128xi32>
    %sign3A_733 = arith.constant 0 : i32
    %sign3A_734 = vector.broadcast %sign3A_733 : i32 to vector<256x128xi32>
    %sign3A_735 = arith.cmpi sgt, %iota3A_242, %sign3A_734 : vector<256x128xi32>
    %sign3A_736 = arith.extui %sign3A_735 : vector<256x128xi1> to vector<256x128xi32>
    %sign3A_737 = arith.constant 0 : i32
    %sign3A_738 = vector.broadcast %sign3A_737 : i32 to vector<256x128xi32>
    %sign3A_739 = arith.cmpi slt, %iota3A_242, %sign3A_738 : vector<256x128xi32>
    %sign3A_740 = arith.extui %sign3A_739 : vector<256x128xi1> to vector<256x128xi32>
    %sign3A_741 = arith.subi %sign3A_736, %sign3A_740 : vector<256x128xi32>
    %sign3A_742 = arith.constant 0 : i32
    %sign3A_743 = arith.cmpi sgt, %jit3A_730, %sign3A_742 : i32
    %sign3A_744 = arith.extui %sign3A_743 : i1 to i32
    %sign3A_745 = arith.constant 0 : i32
    %sign3A_746 = arith.cmpi slt, %jit3A_730, %sign3A_745 : i32
    %sign3A_747 = arith.extui %sign3A_746 : i1 to i32
    %sign3A_748 = arith.subi %sign3A_744, %sign3A_747 : i32
    %ne3A_749 = vector.broadcast %sign3A_748 : i32 to vector<256x128xi32>
    %ne3A_750 = arith.cmpi ne, %sign3A_741, %ne3A_749 : vector<256x128xi32>
    %rem3A_751 = vector.broadcast %jit3A_730 : i32 to vector<256x128xi32>
    %rem3A_752 = arith.remsi %iota3A_242, %rem3A_751 : vector<256x128xi32>
    %ne3A_753 = arith.constant 0 : i32
    %ne3A_754 = vector.broadcast %ne3A_753 : i32 to vector<256x128xi32>
    %ne3A_755 = arith.cmpi ne, %rem3A_752, %ne3A_754 : vector<256x128xi32>
    %and3A_756 = arith.andi %ne3A_750, %ne3A_755 : vector<256x128xi1>
    %sub3A_757 = arith.constant 1 : i32
    %sub3A_758 = vector.broadcast %sub3A_757 : i32 to vector<256x128xi32>
    %sub3A_759 = arith.subi %div3A_732, %sub3A_758 : vector<256x128xi32>
    %select_n3A_760 = arith.select %and3A_756, %sub3A_759, %div3A_732 : vector<256x128xi1>, vector<256x128xi32>
    %eq3A_761 = arith.constant 0 : i32
    %eq3A_762 = vector.broadcast %eq3A_761 : i32 to vector<256x128xi32>
    %eq3A_763 = arith.cmpi eq, %select_n3A_760, %eq3A_762 : vector<256x128xi32>
    %jit3A_764 = arith.constant 128 : i32
    %div3A_765 = vector.broadcast %jit3A_764 : i32 to vector<256x128xi32>
    %div3A_766 = arith.divsi %iota3A_242, %div3A_765 : vector<256x128xi32>
    %sign3A_767 = arith.constant 0 : i32
    %sign3A_768 = vector.broadcast %sign3A_767 : i32 to vector<256x128xi32>
    %sign3A_769 = arith.cmpi sgt, %iota3A_242, %sign3A_768 : vector<256x128xi32>
    %sign3A_770 = arith.extui %sign3A_769 : vector<256x128xi1> to vector<256x128xi32>
    %sign3A_771 = arith.constant 0 : i32
    %sign3A_772 = vector.broadcast %sign3A_771 : i32 to vector<256x128xi32>
    %sign3A_773 = arith.cmpi slt, %iota3A_242, %sign3A_772 : vector<256x128xi32>
    %sign3A_774 = arith.extui %sign3A_773 : vector<256x128xi1> to vector<256x128xi32>
    %sign3A_775 = arith.subi %sign3A_770, %sign3A_774 : vector<256x128xi32>
    %sign3A_776 = arith.constant 0 : i32
    %sign3A_777 = arith.cmpi sgt, %jit3A_764, %sign3A_776 : i32
    %sign3A_778 = arith.extui %sign3A_777 : i1 to i32
    %sign3A_779 = arith.constant 0 : i32
    %sign3A_780 = arith.cmpi slt, %jit3A_764, %sign3A_779 : i32
    %sign3A_781 = arith.extui %sign3A_780 : i1 to i32
    %sign3A_782 = arith.subi %sign3A_778, %sign3A_781 : i32
    %ne3A_783 = vector.broadcast %sign3A_782 : i32 to vector<256x128xi32>
    %ne3A_784 = arith.cmpi ne, %sign3A_775, %ne3A_783 : vector<256x128xi32>
    %rem3A_785 = vector.broadcast %jit3A_764 : i32 to vector<256x128xi32>
    %rem3A_786 = arith.remsi %iota3A_242, %rem3A_785 : vector<256x128xi32>
    %ne3A_787 = arith.constant 0 : i32
    %ne3A_788 = vector.broadcast %ne3A_787 : i32 to vector<256x128xi32>
    %ne3A_789 = arith.cmpi ne, %rem3A_786, %ne3A_788 : vector<256x128xi32>
    %and3A_790 = arith.andi %ne3A_784, %ne3A_789 : vector<256x128xi1>
    %sub3A_791 = arith.constant 1 : i32
    %sub3A_792 = vector.broadcast %sub3A_791 : i32 to vector<256x128xi32>
    %sub3A_793 = arith.subi %div3A_766, %sub3A_792 : vector<256x128xi32>
    %select_n3A_794 = arith.select %and3A_790, %sub3A_793, %div3A_766 : vector<256x128xi1>, vector<256x128xi32>
    %eq3A_795 = arith.constant 1 : i32
    %eq3A_796 = vector.broadcast %eq3A_795 : i32 to vector<256x128xi32>
    %eq3A_797 = arith.cmpi eq, %select_n3A_794, %eq3A_796 : vector<256x128xi32>
    %and3A_798 = arith.andi %eq3A_729, %eq3A_763 : vector<256x128xi1>
    %jit3A_799 = arith.constant 0.000000e+00 : f32
    %broadcast_in_dim3A_800 = vector.broadcast %jit3A_799 : f32 to vector<256x128xf32>
    %select_n3A_801 = arith.select %and3A_798, %dot_general3A_704, %broadcast_in_dim3A_800 : vector<256x128xi1>, vector<256x128xf32>
    %reduce_sum3A_802 = arith.constant dense<0.000000e+00> : vector<128xf32>
    %reduce_sum3A_803 = vector.multi_reduction <add>, %select_n3A_801, %reduce_sum3A_802 [0] : vector<256x128xf32> to vector<128xf32>
    %broadcast_in_dim3A_804 = vector.shape_cast %reduce_sum3A_803 : vector<128xf32> to vector<1x128xf32>
    %and3A_805 = arith.andi %eq3A_729, %eq3A_797 : vector<256x128xi1>
    %jit3A_806 = arith.constant 0.000000e+00 : f32
    %broadcast_in_dim3A_807 = vector.broadcast %jit3A_806 : f32 to vector<256x128xf32>
    %select_n3A_808 = arith.select %and3A_805, %dot_general3A_704, %broadcast_in_dim3A_807 : vector<256x128xi1>, vector<256x128xf32>
    %reduce_sum3A_809 = arith.constant dense<0.000000e+00> : vector<128xf32>
    %reduce_sum3A_810 = vector.multi_reduction <add>, %select_n3A_808, %reduce_sum3A_809 [0] : vector<256x128xf32> to vector<128xf32>
    %broadcast_in_dim3A_811 = vector.shape_cast %reduce_sum3A_810 : vector<128xf32> to vector<1x128xf32>
    %slice3A_812 = vector.extract_strided_slice %select_n3A_217 {offsets = [5, 0], sizes = [1, 128], strides = [1, 1]} : vector<17x128xi32> to vector<1x128xi32>
    %eq3A_813 = vector.broadcast %slice3A_812 : vector<1x128xi32> to vector<128x128xi32>
    %eq3A_814 = arith.cmpi eq, %iota3A, %eq3A_813 : vector<128x128xi32>
    %convert_element_type3A_815 = arith.extui %eq3A_814 : vector<128x128xi1> to vector<128x128xi32>
    %convert_element_type3A_816 = arith.sitofp %convert_element_type3A_815 : vector<128x128xi32> to vector<128x128xf32>
    %dot_general3A_817 = arith.constant dense<0.000000e+00> : vector<256x128xf32>
    %dot_general3A_818 = tpu.matmul %reshape3A_22, %convert_element_type3A_816, %dot_general3A_817 {dimension_numbers = #tpu.dot_dimension_numbers<[1], [0], [0], [1], [0, 0, 1, 1], [], []>, transpose_lhs_hint = false} : vector<256x128xf32>, vector<128x128xf32>, vector<256x128xf32> -> vector<256x128xf32>
    %jit3A_819 = arith.constant 128 : i32
    %eq3A_820 = arith.constant 0 : i32
    %eq3A_821 = arith.cmpi eq, %jit3A_819, %eq3A_820 : i32
    %jit3A_822 = arith.constant 1 : i32
    %select_n3A_823 = arith.select %eq3A_821, %jit3A_822, %jit3A_819 : i32
    %rem3A_824 = vector.broadcast %select_n3A_823 : i32 to vector<256x128xi32>
    %rem3A_825 = arith.remsi %iota3A_242, %rem3A_824 : vector<256x128xi32>
    %ne3A_826 = arith.constant 0 : i32
    %ne3A_827 = vector.broadcast %ne3A_826 : i32 to vector<256x128xi32>
    %ne3A_828 = arith.cmpi ne, %rem3A_825, %ne3A_827 : vector<256x128xi32>
    %lt3A_829 = arith.constant 0 : i32
    %lt3A_830 = vector.broadcast %lt3A_829 : i32 to vector<256x128xi32>
    %lt3A_831 = arith.cmpi slt, %rem3A_825, %lt3A_830 : vector<256x128xi32>
    %lt3A_832 = arith.constant 0 : i32
    %lt3A_833 = arith.cmpi slt, %select_n3A_823, %lt3A_832 : i32
    %ne3A_834 = vector.broadcast %lt3A_833 : i1 to vector<256x128xi1>
    %ne3A_835 = vector.broadcast %ne3A_834 : vector<256x128xi1> to vector<256x128xi1>
    %ne3A_836 = arith.xori %lt3A_831, %ne3A_835 : vector<256x128xi1>
    %and3A_837 = arith.andi %ne3A_836, %ne3A_828 : vector<256x128xi1>
    %add3A_838 = vector.broadcast %select_n3A_823 : i32 to vector<256x128xi32>
    %add3A_839 = arith.addi %rem3A_825, %add3A_838 : vector<256x128xi32>
    %select_n3A_840 = arith.select %and3A_837, %add3A_839, %rem3A_825 : vector<256x128xi1>, vector<256x128xi32>
    %slice3A_841 = vector.extract_strided_slice %select_n3A_239 {offsets = [5, 0], sizes = [1, 128], strides = [1, 1]} : vector<17x128xi32> to vector<1x128xi32>
    %eq3A_842 = vector.broadcast %slice3A_841 : vector<1x128xi32> to vector<256x128xi32>
    %eq3A_843 = arith.cmpi eq, %select_n3A_840, %eq3A_842 : vector<256x128xi32>
    %jit3A_844 = arith.constant 128 : i32
    %div3A_845 = vector.broadcast %jit3A_844 : i32 to vector<256x128xi32>
    %div3A_846 = arith.divsi %iota3A_242, %div3A_845 : vector<256x128xi32>
    %sign3A_847 = arith.constant 0 : i32
    %sign3A_848 = vector.broadcast %sign3A_847 : i32 to vector<256x128xi32>
    %sign3A_849 = arith.cmpi sgt, %iota3A_242, %sign3A_848 : vector<256x128xi32>
    %sign3A_850 = arith.extui %sign3A_849 : vector<256x128xi1> to vector<256x128xi32>
    %sign3A_851 = arith.constant 0 : i32
    %sign3A_852 = vector.broadcast %sign3A_851 : i32 to vector<256x128xi32>
    %sign3A_853 = arith.cmpi slt, %iota3A_242, %sign3A_852 : vector<256x128xi32>
    %sign3A_854 = arith.extui %sign3A_853 : vector<256x128xi1> to vector<256x128xi32>
    %sign3A_855 = arith.subi %sign3A_850, %sign3A_854 : vector<256x128xi32>
    %sign3A_856 = arith.constant 0 : i32
    %sign3A_857 = arith.cmpi sgt, %jit3A_844, %sign3A_856 : i32
    %sign3A_858 = arith.extui %sign3A_857 : i1 to i32
    %sign3A_859 = arith.constant 0 : i32
    %sign3A_860 = arith.cmpi slt, %jit3A_844, %sign3A_859 : i32
    %sign3A_861 = arith.extui %sign3A_860 : i1 to i32
    %sign3A_862 = arith.subi %sign3A_858, %sign3A_861 : i32
    %ne3A_863 = vector.broadcast %sign3A_862 : i32 to vector<256x128xi32>
    %ne3A_864 = arith.cmpi ne, %sign3A_855, %ne3A_863 : vector<256x128xi32>
    %rem3A_865 = vector.broadcast %jit3A_844 : i32 to vector<256x128xi32>
    %rem3A_866 = arith.remsi %iota3A_242, %rem3A_865 : vector<256x128xi32>
    %ne3A_867 = arith.constant 0 : i32
    %ne3A_868 = vector.broadcast %ne3A_867 : i32 to vector<256x128xi32>
    %ne3A_869 = arith.cmpi ne, %rem3A_866, %ne3A_868 : vector<256x128xi32>
    %and3A_870 = arith.andi %ne3A_864, %ne3A_869 : vector<256x128xi1>
    %sub3A_871 = arith.constant 1 : i32
    %sub3A_872 = vector.broadcast %sub3A_871 : i32 to vector<256x128xi32>
    %sub3A_873 = arith.subi %div3A_846, %sub3A_872 : vector<256x128xi32>
    %select_n3A_874 = arith.select %and3A_870, %sub3A_873, %div3A_846 : vector<256x128xi1>, vector<256x128xi32>
    %eq3A_875 = arith.constant 0 : i32
    %eq3A_876 = vector.broadcast %eq3A_875 : i32 to vector<256x128xi32>
    %eq3A_877 = arith.cmpi eq, %select_n3A_874, %eq3A_876 : vector<256x128xi32>
    %jit3A_878 = arith.constant 128 : i32
    %div3A_879 = vector.broadcast %jit3A_878 : i32 to vector<256x128xi32>
    %div3A_880 = arith.divsi %iota3A_242, %div3A_879 : vector<256x128xi32>
    %sign3A_881 = arith.constant 0 : i32
    %sign3A_882 = vector.broadcast %sign3A_881 : i32 to vector<256x128xi32>
    %sign3A_883 = arith.cmpi sgt, %iota3A_242, %sign3A_882 : vector<256x128xi32>
    %sign3A_884 = arith.extui %sign3A_883 : vector<256x128xi1> to vector<256x128xi32>
    %sign3A_885 = arith.constant 0 : i32
    %sign3A_886 = vector.broadcast %sign3A_885 : i32 to vector<256x128xi32>
    %sign3A_887 = arith.cmpi slt, %iota3A_242, %sign3A_886 : vector<256x128xi32>
    %sign3A_888 = arith.extui %sign3A_887 : vector<256x128xi1> to vector<256x128xi32>
    %sign3A_889 = arith.subi %sign3A_884, %sign3A_888 : vector<256x128xi32>
    %sign3A_890 = arith.constant 0 : i32
    %sign3A_891 = arith.cmpi sgt, %jit3A_878, %sign3A_890 : i32
    %sign3A_892 = arith.extui %sign3A_891 : i1 to i32
    %sign3A_893 = arith.constant 0 : i32
    %sign3A_894 = arith.cmpi slt, %jit3A_878, %sign3A_893 : i32
    %sign3A_895 = arith.extui %sign3A_894 : i1 to i32
    %sign3A_896 = arith.subi %sign3A_892, %sign3A_895 : i32
    %ne3A_897 = vector.broadcast %sign3A_896 : i32 to vector<256x128xi32>
    %ne3A_898 = arith.cmpi ne, %sign3A_889, %ne3A_897 : vector<256x128xi32>
    %rem3A_899 = vector.broadcast %jit3A_878 : i32 to vector<256x128xi32>
    %rem3A_900 = arith.remsi %iota3A_242, %rem3A_899 : vector<256x128xi32>
    %ne3A_901 = arith.constant 0 : i32
    %ne3A_902 = vector.broadcast %ne3A_901 : i32 to vector<256x128xi32>
    %ne3A_903 = arith.cmpi ne, %rem3A_900, %ne3A_902 : vector<256x128xi32>
    %and3A_904 = arith.andi %ne3A_898, %ne3A_903 : vector<256x128xi1>
    %sub3A_905 = arith.constant 1 : i32
    %sub3A_906 = vector.broadcast %sub3A_905 : i32 to vector<256x128xi32>
    %sub3A_907 = arith.subi %div3A_880, %sub3A_906 : vector<256x128xi32>
    %select_n3A_908 = arith.select %and3A_904, %sub3A_907, %div3A_880 : vector<256x128xi1>, vector<256x128xi32>
    %eq3A_909 = arith.constant 1 : i32
    %eq3A_910 = vector.broadcast %eq3A_909 : i32 to vector<256x128xi32>
    %eq3A_911 = arith.cmpi eq, %select_n3A_908, %eq3A_910 : vector<256x128xi32>
    %and3A_912 = arith.andi %eq3A_843, %eq3A_877 : vector<256x128xi1>
    %jit3A_913 = arith.constant 0.000000e+00 : f32
    %broadcast_in_dim3A_914 = vector.broadcast %jit3A_913 : f32 to vector<256x128xf32>
    %select_n3A_915 = arith.select %and3A_912, %dot_general3A_818, %broadcast_in_dim3A_914 : vector<256x128xi1>, vector<256x128xf32>
    %reduce_sum3A_916 = arith.constant dense<0.000000e+00> : vector<128xf32>
    %reduce_sum3A_917 = vector.multi_reduction <add>, %select_n3A_915, %reduce_sum3A_916 [0] : vector<256x128xf32> to vector<128xf32>
    %broadcast_in_dim3A_918 = vector.shape_cast %reduce_sum3A_917 : vector<128xf32> to vector<1x128xf32>
    %and3A_919 = arith.andi %eq3A_843, %eq3A_911 : vector<256x128xi1>
    %jit3A_920 = arith.constant 0.000000e+00 : f32
    %broadcast_in_dim3A_921 = vector.broadcast %jit3A_920 : f32 to vector<256x128xf32>
    %select_n3A_922 = arith.select %and3A_919, %dot_general3A_818, %broadcast_in_dim3A_921 : vector<256x128xi1>, vector<256x128xf32>
    %reduce_sum3A_923 = arith.constant dense<0.000000e+00> : vector<128xf32>
    %reduce_sum3A_924 = vector.multi_reduction <add>, %select_n3A_922, %reduce_sum3A_923 [0] : vector<256x128xf32> to vector<128xf32>
    %broadcast_in_dim3A_925 = vector.shape_cast %reduce_sum3A_924 : vector<128xf32> to vector<1x128xf32>
    %slice3A_926 = vector.extract_strided_slice %select_n3A_217 {offsets = [6, 0], sizes = [1, 128], strides = [1, 1]} : vector<17x128xi32> to vector<1x128xi32>
    %eq3A_927 = vector.broadcast %slice3A_926 : vector<1x128xi32> to vector<128x128xi32>
    %eq3A_928 = arith.cmpi eq, %iota3A, %eq3A_927 : vector<128x128xi32>
    %convert_element_type3A_929 = arith.extui %eq3A_928 : vector<128x128xi1> to vector<128x128xi32>
    %convert_element_type3A_930 = arith.sitofp %convert_element_type3A_929 : vector<128x128xi32> to vector<128x128xf32>
    %dot_general3A_931 = arith.constant dense<0.000000e+00> : vector<256x128xf32>
    %dot_general3A_932 = tpu.matmul %reshape3A_22, %convert_element_type3A_930, %dot_general3A_931 {dimension_numbers = #tpu.dot_dimension_numbers<[1], [0], [0], [1], [0, 0, 1, 1], [], []>, transpose_lhs_hint = false} : vector<256x128xf32>, vector<128x128xf32>, vector<256x128xf32> -> vector<256x128xf32>
    %jit3A_933 = arith.constant 128 : i32
    %eq3A_934 = arith.constant 0 : i32
    %eq3A_935 = arith.cmpi eq, %jit3A_933, %eq3A_934 : i32
    %jit3A_936 = arith.constant 1 : i32
    %select_n3A_937 = arith.select %eq3A_935, %jit3A_936, %jit3A_933 : i32
    %rem3A_938 = vector.broadcast %select_n3A_937 : i32 to vector<256x128xi32>
    %rem3A_939 = arith.remsi %iota3A_242, %rem3A_938 : vector<256x128xi32>
    %ne3A_940 = arith.constant 0 : i32
    %ne3A_941 = vector.broadcast %ne3A_940 : i32 to vector<256x128xi32>
    %ne3A_942 = arith.cmpi ne, %rem3A_939, %ne3A_941 : vector<256x128xi32>
    %lt3A_943 = arith.constant 0 : i32
    %lt3A_944 = vector.broadcast %lt3A_943 : i32 to vector<256x128xi32>
    %lt3A_945 = arith.cmpi slt, %rem3A_939, %lt3A_944 : vector<256x128xi32>
    %lt3A_946 = arith.constant 0 : i32
    %lt3A_947 = arith.cmpi slt, %select_n3A_937, %lt3A_946 : i32
    %ne3A_948 = vector.broadcast %lt3A_947 : i1 to vector<256x128xi1>
    %ne3A_949 = vector.broadcast %ne3A_948 : vector<256x128xi1> to vector<256x128xi1>
    %ne3A_950 = arith.xori %lt3A_945, %ne3A_949 : vector<256x128xi1>
    %and3A_951 = arith.andi %ne3A_950, %ne3A_942 : vector<256x128xi1>
    %add3A_952 = vector.broadcast %select_n3A_937 : i32 to vector<256x128xi32>
    %add3A_953 = arith.addi %rem3A_939, %add3A_952 : vector<256x128xi32>
    %select_n3A_954 = arith.select %and3A_951, %add3A_953, %rem3A_939 : vector<256x128xi1>, vector<256x128xi32>
    %slice3A_955 = vector.extract_strided_slice %select_n3A_239 {offsets = [6, 0], sizes = [1, 128], strides = [1, 1]} : vector<17x128xi32> to vector<1x128xi32>
    %eq3A_956 = vector.broadcast %slice3A_955 : vector<1x128xi32> to vector<256x128xi32>
    %eq3A_957 = arith.cmpi eq, %select_n3A_954, %eq3A_956 : vector<256x128xi32>
    %jit3A_958 = arith.constant 128 : i32
    %div3A_959 = vector.broadcast %jit3A_958 : i32 to vector<256x128xi32>
    %div3A_960 = arith.divsi %iota3A_242, %div3A_959 : vector<256x128xi32>
    %sign3A_961 = arith.constant 0 : i32
    %sign3A_962 = vector.broadcast %sign3A_961 : i32 to vector<256x128xi32>
    %sign3A_963 = arith.cmpi sgt, %iota3A_242, %sign3A_962 : vector<256x128xi32>
    %sign3A_964 = arith.extui %sign3A_963 : vector<256x128xi1> to vector<256x128xi32>
    %sign3A_965 = arith.constant 0 : i32
    %sign3A_966 = vector.broadcast %sign3A_965 : i32 to vector<256x128xi32>
    %sign3A_967 = arith.cmpi slt, %iota3A_242, %sign3A_966 : vector<256x128xi32>
    %sign3A_968 = arith.extui %sign3A_967 : vector<256x128xi1> to vector<256x128xi32>
    %sign3A_969 = arith.subi %sign3A_964, %sign3A_968 : vector<256x128xi32>
    %sign3A_970 = arith.constant 0 : i32
    %sign3A_971 = arith.cmpi sgt, %jit3A_958, %sign3A_970 : i32
    %sign3A_972 = arith.extui %sign3A_971 : i1 to i32
    %sign3A_973 = arith.constant 0 : i32
    %sign3A_974 = arith.cmpi slt, %jit3A_958, %sign3A_973 : i32
    %sign3A_975 = arith.extui %sign3A_974 : i1 to i32
    %sign3A_976 = arith.subi %sign3A_972, %sign3A_975 : i32
    %ne3A_977 = vector.broadcast %sign3A_976 : i32 to vector<256x128xi32>
    %ne3A_978 = arith.cmpi ne, %sign3A_969, %ne3A_977 : vector<256x128xi32>
    %rem3A_979 = vector.broadcast %jit3A_958 : i32 to vector<256x128xi32>
    %rem3A_980 = arith.remsi %iota3A_242, %rem3A_979 : vector<256x128xi32>
    %ne3A_981 = arith.constant 0 : i32
    %ne3A_982 = vector.broadcast %ne3A_981 : i32 to vector<256x128xi32>
    %ne3A_983 = arith.cmpi ne, %rem3A_980, %ne3A_982 : vector<256x128xi32>
    %and3A_984 = arith.andi %ne3A_978, %ne3A_983 : vector<256x128xi1>
    %sub3A_985 = arith.constant 1 : i32
    %sub3A_986 = vector.broadcast %sub3A_985 : i32 to vector<256x128xi32>
    %sub3A_987 = arith.subi %div3A_960, %sub3A_986 : vector<256x128xi32>
    %select_n3A_988 = arith.select %and3A_984, %sub3A_987, %div3A_960 : vector<256x128xi1>, vector<256x128xi32>
    %eq3A_989 = arith.constant 0 : i32
    %eq3A_990 = vector.broadcast %eq3A_989 : i32 to vector<256x128xi32>
    %eq3A_991 = arith.cmpi eq, %select_n3A_988, %eq3A_990 : vector<256x128xi32>
    %jit3A_992 = arith.constant 128 : i32
    %div3A_993 = vector.broadcast %jit3A_992 : i32 to vector<256x128xi32>
    %div3A_994 = arith.divsi %iota3A_242, %div3A_993 : vector<256x128xi32>
    %sign3A_995 = arith.constant 0 : i32
    %sign3A_996 = vector.broadcast %sign3A_995 : i32 to vector<256x128xi32>
    %sign3A_997 = arith.cmpi sgt, %iota3A_242, %sign3A_996 : vector<256x128xi32>
    %sign3A_998 = arith.extui %sign3A_997 : vector<256x128xi1> to vector<256x128xi32>
    %sign3A_999 = arith.constant 0 : i32
    %sign3A_1000 = vector.broadcast %sign3A_999 : i32 to vector<256x128xi32>
    %sign3A_1001 = arith.cmpi slt, %iota3A_242, %sign3A_1000 : vector<256x128xi32>
    %sign3A_1002 = arith.extui %sign3A_1001 : vector<256x128xi1> to vector<256x128xi32>
    %sign3A_1003 = arith.subi %sign3A_998, %sign3A_1002 : vector<256x128xi32>
    %sign3A_1004 = arith.constant 0 : i32
    %sign3A_1005 = arith.cmpi sgt, %jit3A_992, %sign3A_1004 : i32
    %sign3A_1006 = arith.extui %sign3A_1005 : i1 to i32
    %sign3A_1007 = arith.constant 0 : i32
    %sign3A_1008 = arith.cmpi slt, %jit3A_992, %sign3A_1007 : i32
    %sign3A_1009 = arith.extui %sign3A_1008 : i1 to i32
    %sign3A_1010 = arith.subi %sign3A_1006, %sign3A_1009 : i32
    %ne3A_1011 = vector.broadcast %sign3A_1010 : i32 to vector<256x128xi32>
    %ne3A_1012 = arith.cmpi ne, %sign3A_1003, %ne3A_1011 : vector<256x128xi32>
    %rem3A_1013 = vector.broadcast %jit3A_992 : i32 to vector<256x128xi32>
    %rem3A_1014 = arith.remsi %iota3A_242, %rem3A_1013 : vector<256x128xi32>
    %ne3A_1015 = arith.constant 0 : i32
    %ne3A_1016 = vector.broadcast %ne3A_1015 : i32 to vector<256x128xi32>
    %ne3A_1017 = arith.cmpi ne, %rem3A_1014, %ne3A_1016 : vector<256x128xi32>
    %and3A_1018 = arith.andi %ne3A_1012, %ne3A_1017 : vector<256x128xi1>
    %sub3A_1019 = arith.constant 1 : i32
    %sub3A_1020 = vector.broadcast %sub3A_1019 : i32 to vector<256x128xi32>
    %sub3A_1021 = arith.subi %div3A_994, %sub3A_1020 : vector<256x128xi32>
    %select_n3A_1022 = arith.select %and3A_1018, %sub3A_1021, %div3A_994 : vector<256x128xi1>, vector<256x128xi32>
    %eq3A_1023 = arith.constant 1 : i32
    %eq3A_1024 = vector.broadcast %eq3A_1023 : i32 to vector<256x128xi32>
    %eq3A_1025 = arith.cmpi eq, %select_n3A_1022, %eq3A_1024 : vector<256x128xi32>
    %and3A_1026 = arith.andi %eq3A_957, %eq3A_991 : vector<256x128xi1>
    %jit3A_1027 = arith.constant 0.000000e+00 : f32
    %broadcast_in_dim3A_1028 = vector.broadcast %jit3A_1027 : f32 to vector<256x128xf32>
    %select_n3A_1029 = arith.select %and3A_1026, %dot_general3A_932, %broadcast_in_dim3A_1028 : vector<256x128xi1>, vector<256x128xf32>
    %reduce_sum3A_1030 = arith.constant dense<0.000000e+00> : vector<128xf32>
    %reduce_sum3A_1031 = vector.multi_reduction <add>, %select_n3A_1029, %reduce_sum3A_1030 [0] : vector<256x128xf32> to vector<128xf32>
    %broadcast_in_dim3A_1032 = vector.shape_cast %reduce_sum3A_1031 : vector<128xf32> to vector<1x128xf32>
    %and3A_1033 = arith.andi %eq3A_957, %eq3A_1025 : vector<256x128xi1>
    %jit3A_1034 = arith.constant 0.000000e+00 : f32
    %broadcast_in_dim3A_1035 = vector.broadcast %jit3A_1034 : f32 to vector<256x128xf32>
    %select_n3A_1036 = arith.select %and3A_1033, %dot_general3A_932, %broadcast_in_dim3A_1035 : vector<256x128xi1>, vector<256x128xf32>
    %reduce_sum3A_1037 = arith.constant dense<0.000000e+00> : vector<128xf32>
    %reduce_sum3A_1038 = vector.multi_reduction <add>, %select_n3A_1036, %reduce_sum3A_1037 [0] : vector<256x128xf32> to vector<128xf32>
    %broadcast_in_dim3A_1039 = vector.shape_cast %reduce_sum3A_1038 : vector<128xf32> to vector<1x128xf32>
    %slice3A_1040 = vector.extract_strided_slice %select_n3A_217 {offsets = [7, 0], sizes = [1, 128], strides = [1, 1]} : vector<17x128xi32> to vector<1x128xi32>
    %eq3A_1041 = vector.broadcast %slice3A_1040 : vector<1x128xi32> to vector<128x128xi32>
    %eq3A_1042 = arith.cmpi eq, %iota3A, %eq3A_1041 : vector<128x128xi32>
    %convert_element_type3A_1043 = arith.extui %eq3A_1042 : vector<128x128xi1> to vector<128x128xi32>
    %convert_element_type3A_1044 = arith.sitofp %convert_element_type3A_1043 : vector<128x128xi32> to vector<128x128xf32>
    %dot_general3A_1045 = arith.constant dense<0.000000e+00> : vector<256x128xf32>
    %dot_general3A_1046 = tpu.matmul %reshape3A_22, %convert_element_type3A_1044, %dot_general3A_1045 {dimension_numbers = #tpu.dot_dimension_numbers<[1], [0], [0], [1], [0, 0, 1, 1], [], []>, transpose_lhs_hint = false} : vector<256x128xf32>, vector<128x128xf32>, vector<256x128xf32> -> vector<256x128xf32>
    %jit3A_1047 = arith.constant 128 : i32
    %eq3A_1048 = arith.constant 0 : i32
    %eq3A_1049 = arith.cmpi eq, %jit3A_1047, %eq3A_1048 : i32
    %jit3A_1050 = arith.constant 1 : i32
    %select_n3A_1051 = arith.select %eq3A_1049, %jit3A_1050, %jit3A_1047 : i32
    %rem3A_1052 = vector.broadcast %select_n3A_1051 : i32 to vector<256x128xi32>
    %rem3A_1053 = arith.remsi %iota3A_242, %rem3A_1052 : vector<256x128xi32>
    %ne3A_1054 = arith.constant 0 : i32
    %ne3A_1055 = vector.broadcast %ne3A_1054 : i32 to vector<256x128xi32>
    %ne3A_1056 = arith.cmpi ne, %rem3A_1053, %ne3A_1055 : vector<256x128xi32>
    %lt3A_1057 = arith.constant 0 : i32
    %lt3A_1058 = vector.broadcast %lt3A_1057 : i32 to vector<256x128xi32>
    %lt3A_1059 = arith.cmpi slt, %rem3A_1053, %lt3A_1058 : vector<256x128xi32>
    %lt3A_1060 = arith.constant 0 : i32
    %lt3A_1061 = arith.cmpi slt, %select_n3A_1051, %lt3A_1060 : i32
    %ne3A_1062 = vector.broadcast %lt3A_1061 : i1 to vector<256x128xi1>
    %ne3A_1063 = vector.broadcast %ne3A_1062 : vector<256x128xi1> to vector<256x128xi1>
    %ne3A_1064 = arith.xori %lt3A_1059, %ne3A_1063 : vector<256x128xi1>
    %and3A_1065 = arith.andi %ne3A_1064, %ne3A_1056 : vector<256x128xi1>
    %add3A_1066 = vector.broadcast %select_n3A_1051 : i32 to vector<256x128xi32>
    %add3A_1067 = arith.addi %rem3A_1053, %add3A_1066 : vector<256x128xi32>
    %select_n3A_1068 = arith.select %and3A_1065, %add3A_1067, %rem3A_1053 : vector<256x128xi1>, vector<256x128xi32>
    %slice3A_1069 = vector.extract_strided_slice %select_n3A_239 {offsets = [7, 0], sizes = [1, 128], strides = [1, 1]} : vector<17x128xi32> to vector<1x128xi32>
    %eq3A_1070 = vector.broadcast %slice3A_1069 : vector<1x128xi32> to vector<256x128xi32>
    %eq3A_1071 = arith.cmpi eq, %select_n3A_1068, %eq3A_1070 : vector<256x128xi32>
    %jit3A_1072 = arith.constant 128 : i32
    %div3A_1073 = vector.broadcast %jit3A_1072 : i32 to vector<256x128xi32>
    %div3A_1074 = arith.divsi %iota3A_242, %div3A_1073 : vector<256x128xi32>
    %sign3A_1075 = arith.constant 0 : i32
    %sign3A_1076 = vector.broadcast %sign3A_1075 : i32 to vector<256x128xi32>
    %sign3A_1077 = arith.cmpi sgt, %iota3A_242, %sign3A_1076 : vector<256x128xi32>
    %sign3A_1078 = arith.extui %sign3A_1077 : vector<256x128xi1> to vector<256x128xi32>
    %sign3A_1079 = arith.constant 0 : i32
    %sign3A_1080 = vector.broadcast %sign3A_1079 : i32 to vector<256x128xi32>
    %sign3A_1081 = arith.cmpi slt, %iota3A_242, %sign3A_1080 : vector<256x128xi32>
    %sign3A_1082 = arith.extui %sign3A_1081 : vector<256x128xi1> to vector<256x128xi32>
    %sign3A_1083 = arith.subi %sign3A_1078, %sign3A_1082 : vector<256x128xi32>
    %sign3A_1084 = arith.constant 0 : i32
    %sign3A_1085 = arith.cmpi sgt, %jit3A_1072, %sign3A_1084 : i32
    %sign3A_1086 = arith.extui %sign3A_1085 : i1 to i32
    %sign3A_1087 = arith.constant 0 : i32
    %sign3A_1088 = arith.cmpi slt, %jit3A_1072, %sign3A_1087 : i32
    %sign3A_1089 = arith.extui %sign3A_1088 : i1 to i32
    %sign3A_1090 = arith.subi %sign3A_1086, %sign3A_1089 : i32
    %ne3A_1091 = vector.broadcast %sign3A_1090 : i32 to vector<256x128xi32>
    %ne3A_1092 = arith.cmpi ne, %sign3A_1083, %ne3A_1091 : vector<256x128xi32>
    %rem3A_1093 = vector.broadcast %jit3A_1072 : i32 to vector<256x128xi32>
    %rem3A_1094 = arith.remsi %iota3A_242, %rem3A_1093 : vector<256x128xi32>
    %ne3A_1095 = arith.constant 0 : i32
    %ne3A_1096 = vector.broadcast %ne3A_1095 : i32 to vector<256x128xi32>
    %ne3A_1097 = arith.cmpi ne, %rem3A_1094, %ne3A_1096 : vector<256x128xi32>
    %and3A_1098 = arith.andi %ne3A_1092, %ne3A_1097 : vector<256x128xi1>
    %sub3A_1099 = arith.constant 1 : i32
    %sub3A_1100 = vector.broadcast %sub3A_1099 : i32 to vector<256x128xi32>
    %sub3A_1101 = arith.subi %div3A_1074, %sub3A_1100 : vector<256x128xi32>
    %select_n3A_1102 = arith.select %and3A_1098, %sub3A_1101, %div3A_1074 : vector<256x128xi1>, vector<256x128xi32>
    %eq3A_1103 = arith.constant 0 : i32
    %eq3A_1104 = vector.broadcast %eq3A_1103 : i32 to vector<256x128xi32>
    %eq3A_1105 = arith.cmpi eq, %select_n3A_1102, %eq3A_1104 : vector<256x128xi32>
    %jit3A_1106 = arith.constant 128 : i32
    %div3A_1107 = vector.broadcast %jit3A_1106 : i32 to vector<256x128xi32>
    %div3A_1108 = arith.divsi %iota3A_242, %div3A_1107 : vector<256x128xi32>
    %sign3A_1109 = arith.constant 0 : i32
    %sign3A_1110 = vector.broadcast %sign3A_1109 : i32 to vector<256x128xi32>
    %sign3A_1111 = arith.cmpi sgt, %iota3A_242, %sign3A_1110 : vector<256x128xi32>
    %sign3A_1112 = arith.extui %sign3A_1111 : vector<256x128xi1> to vector<256x128xi32>
    %sign3A_1113 = arith.constant 0 : i32
    %sign3A_1114 = vector.broadcast %sign3A_1113 : i32 to vector<256x128xi32>
    %sign3A_1115 = arith.cmpi slt, %iota3A_242, %sign3A_1114 : vector<256x128xi32>
    %sign3A_1116 = arith.extui %sign3A_1115 : vector<256x128xi1> to vector<256x128xi32>
    %sign3A_1117 = arith.subi %sign3A_1112, %sign3A_1116 : vector<256x128xi32>
    %sign3A_1118 = arith.constant 0 : i32
    %sign3A_1119 = arith.cmpi sgt, %jit3A_1106, %sign3A_1118 : i32
    %sign3A_1120 = arith.extui %sign3A_1119 : i1 to i32
    %sign3A_1121 = arith.constant 0 : i32
    %sign3A_1122 = arith.cmpi slt, %jit3A_1106, %sign3A_1121 : i32
    %sign3A_1123 = arith.extui %sign3A_1122 : i1 to i32
    %sign3A_1124 = arith.subi %sign3A_1120, %sign3A_1123 : i32
    %ne3A_1125 = vector.broadcast %sign3A_1124 : i32 to vector<256x128xi32>
    %ne3A_1126 = arith.cmpi ne, %sign3A_1117, %ne3A_1125 : vector<256x128xi32>
    %rem3A_1127 = vector.broadcast %jit3A_1106 : i32 to vector<256x128xi32>
    %rem3A_1128 = arith.remsi %iota3A_242, %rem3A_1127 : vector<256x128xi32>
    %ne3A_1129 = arith.constant 0 : i32
    %ne3A_1130 = vector.broadcast %ne3A_1129 : i32 to vector<256x128xi32>
    %ne3A_1131 = arith.cmpi ne, %rem3A_1128, %ne3A_1130 : vector<256x128xi32>
    %and3A_1132 = arith.andi %ne3A_1126, %ne3A_1131 : vector<256x128xi1>
    %sub3A_1133 = arith.constant 1 : i32
    %sub3A_1134 = vector.broadcast %sub3A_1133 : i32 to vector<256x128xi32>
    %sub3A_1135 = arith.subi %div3A_1108, %sub3A_1134 : vector<256x128xi32>
    %select_n3A_1136 = arith.select %and3A_1132, %sub3A_1135, %div3A_1108 : vector<256x128xi1>, vector<256x128xi32>
    %eq3A_1137 = arith.constant 1 : i32
    %eq3A_1138 = vector.broadcast %eq3A_1137 : i32 to vector<256x128xi32>
    %eq3A_1139 = arith.cmpi eq, %select_n3A_1136, %eq3A_1138 : vector<256x128xi32>
    %and3A_1140 = arith.andi %eq3A_1071, %eq3A_1105 : vector<256x128xi1>
    %jit3A_1141 = arith.constant 0.000000e+00 : f32
    %broadcast_in_dim3A_1142 = vector.broadcast %jit3A_1141 : f32 to vector<256x128xf32>
    %select_n3A_1143 = arith.select %and3A_1140, %dot_general3A_1046, %broadcast_in_dim3A_1142 : vector<256x128xi1>, vector<256x128xf32>
    %reduce_sum3A_1144 = arith.constant dense<0.000000e+00> : vector<128xf32>
    %reduce_sum3A_1145 = vector.multi_reduction <add>, %select_n3A_1143, %reduce_sum3A_1144 [0] : vector<256x128xf32> to vector<128xf32>
    %broadcast_in_dim3A_1146 = vector.shape_cast %reduce_sum3A_1145 : vector<128xf32> to vector<1x128xf32>
    %and3A_1147 = arith.andi %eq3A_1071, %eq3A_1139 : vector<256x128xi1>
    %jit3A_1148 = arith.constant 0.000000e+00 : f32
    %broadcast_in_dim3A_1149 = vector.broadcast %jit3A_1148 : f32 to vector<256x128xf32>
    %select_n3A_1150 = arith.select %and3A_1147, %dot_general3A_1046, %broadcast_in_dim3A_1149 : vector<256x128xi1>, vector<256x128xf32>
    %reduce_sum3A_1151 = arith.constant dense<0.000000e+00> : vector<128xf32>
    %reduce_sum3A_1152 = vector.multi_reduction <add>, %select_n3A_1150, %reduce_sum3A_1151 [0] : vector<256x128xf32> to vector<128xf32>
    %broadcast_in_dim3A_1153 = vector.shape_cast %reduce_sum3A_1152 : vector<128xf32> to vector<1x128xf32>
    %slice3A_1154 = vector.extract_strided_slice %select_n3A_217 {offsets = [8, 0], sizes = [1, 128], strides = [1, 1]} : vector<17x128xi32> to vector<1x128xi32>
    %eq3A_1155 = vector.broadcast %slice3A_1154 : vector<1x128xi32> to vector<128x128xi32>
    %eq3A_1156 = arith.cmpi eq, %iota3A, %eq3A_1155 : vector<128x128xi32>
    %convert_element_type3A_1157 = arith.extui %eq3A_1156 : vector<128x128xi1> to vector<128x128xi32>
    %convert_element_type3A_1158 = arith.sitofp %convert_element_type3A_1157 : vector<128x128xi32> to vector<128x128xf32>
    %dot_general3A_1159 = arith.constant dense<0.000000e+00> : vector<256x128xf32>
    %dot_general3A_1160 = tpu.matmul %reshape3A_22, %convert_element_type3A_1158, %dot_general3A_1159 {dimension_numbers = #tpu.dot_dimension_numbers<[1], [0], [0], [1], [0, 0, 1, 1], [], []>, transpose_lhs_hint = false} : vector<256x128xf32>, vector<128x128xf32>, vector<256x128xf32> -> vector<256x128xf32>
    %jit3A_1161 = arith.constant 128 : i32
    %eq3A_1162 = arith.constant 0 : i32
    %eq3A_1163 = arith.cmpi eq, %jit3A_1161, %eq3A_1162 : i32
    %jit3A_1164 = arith.constant 1 : i32
    %select_n3A_1165 = arith.select %eq3A_1163, %jit3A_1164, %jit3A_1161 : i32
    %rem3A_1166 = vector.broadcast %select_n3A_1165 : i32 to vector<256x128xi32>
    %rem3A_1167 = arith.remsi %iota3A_242, %rem3A_1166 : vector<256x128xi32>
    %ne3A_1168 = arith.constant 0 : i32
    %ne3A_1169 = vector.broadcast %ne3A_1168 : i32 to vector<256x128xi32>
    %ne3A_1170 = arith.cmpi ne, %rem3A_1167, %ne3A_1169 : vector<256x128xi32>
    %lt3A_1171 = arith.constant 0 : i32
    %lt3A_1172 = vector.broadcast %lt3A_1171 : i32 to vector<256x128xi32>
    %lt3A_1173 = arith.cmpi slt, %rem3A_1167, %lt3A_1172 : vector<256x128xi32>
    %lt3A_1174 = arith.constant 0 : i32
    %lt3A_1175 = arith.cmpi slt, %select_n3A_1165, %lt3A_1174 : i32
    %ne3A_1176 = vector.broadcast %lt3A_1175 : i1 to vector<256x128xi1>
    %ne3A_1177 = vector.broadcast %ne3A_1176 : vector<256x128xi1> to vector<256x128xi1>
    %ne3A_1178 = arith.xori %lt3A_1173, %ne3A_1177 : vector<256x128xi1>
    %and3A_1179 = arith.andi %ne3A_1178, %ne3A_1170 : vector<256x128xi1>
    %add3A_1180 = vector.broadcast %select_n3A_1165 : i32 to vector<256x128xi32>
    %add3A_1181 = arith.addi %rem3A_1167, %add3A_1180 : vector<256x128xi32>
    %select_n3A_1182 = arith.select %and3A_1179, %add3A_1181, %rem3A_1167 : vector<256x128xi1>, vector<256x128xi32>
    %slice3A_1183 = vector.extract_strided_slice %select_n3A_239 {offsets = [8, 0], sizes = [1, 128], strides = [1, 1]} : vector<17x128xi32> to vector<1x128xi32>
    %eq3A_1184 = vector.broadcast %slice3A_1183 : vector<1x128xi32> to vector<256x128xi32>
    %eq3A_1185 = arith.cmpi eq, %select_n3A_1182, %eq3A_1184 : vector<256x128xi32>
    %jit3A_1186 = arith.constant 128 : i32
    %div3A_1187 = vector.broadcast %jit3A_1186 : i32 to vector<256x128xi32>
    %div3A_1188 = arith.divsi %iota3A_242, %div3A_1187 : vector<256x128xi32>
    %sign3A_1189 = arith.constant 0 : i32
    %sign3A_1190 = vector.broadcast %sign3A_1189 : i32 to vector<256x128xi32>
    %sign3A_1191 = arith.cmpi sgt, %iota3A_242, %sign3A_1190 : vector<256x128xi32>
    %sign3A_1192 = arith.extui %sign3A_1191 : vector<256x128xi1> to vector<256x128xi32>
    %sign3A_1193 = arith.constant 0 : i32
    %sign3A_1194 = vector.broadcast %sign3A_1193 : i32 to vector<256x128xi32>
    %sign3A_1195 = arith.cmpi slt, %iota3A_242, %sign3A_1194 : vector<256x128xi32>
    %sign3A_1196 = arith.extui %sign3A_1195 : vector<256x128xi1> to vector<256x128xi32>
    %sign3A_1197 = arith.subi %sign3A_1192, %sign3A_1196 : vector<256x128xi32>
    %sign3A_1198 = arith.constant 0 : i32
    %sign3A_1199 = arith.cmpi sgt, %jit3A_1186, %sign3A_1198 : i32
    %sign3A_1200 = arith.extui %sign3A_1199 : i1 to i32
    %sign3A_1201 = arith.constant 0 : i32
    %sign3A_1202 = arith.cmpi slt, %jit3A_1186, %sign3A_1201 : i32
    %sign3A_1203 = arith.extui %sign3A_1202 : i1 to i32
    %sign3A_1204 = arith.subi %sign3A_1200, %sign3A_1203 : i32
    %ne3A_1205 = vector.broadcast %sign3A_1204 : i32 to vector<256x128xi32>
    %ne3A_1206 = arith.cmpi ne, %sign3A_1197, %ne3A_1205 : vector<256x128xi32>
    %rem3A_1207 = vector.broadcast %jit3A_1186 : i32 to vector<256x128xi32>
    %rem3A_1208 = arith.remsi %iota3A_242, %rem3A_1207 : vector<256x128xi32>
    %ne3A_1209 = arith.constant 0 : i32
    %ne3A_1210 = vector.broadcast %ne3A_1209 : i32 to vector<256x128xi32>
    %ne3A_1211 = arith.cmpi ne, %rem3A_1208, %ne3A_1210 : vector<256x128xi32>
    %and3A_1212 = arith.andi %ne3A_1206, %ne3A_1211 : vector<256x128xi1>
    %sub3A_1213 = arith.constant 1 : i32
    %sub3A_1214 = vector.broadcast %sub3A_1213 : i32 to vector<256x128xi32>
    %sub3A_1215 = arith.subi %div3A_1188, %sub3A_1214 : vector<256x128xi32>
    %select_n3A_1216 = arith.select %and3A_1212, %sub3A_1215, %div3A_1188 : vector<256x128xi1>, vector<256x128xi32>
    %eq3A_1217 = arith.constant 0 : i32
    %eq3A_1218 = vector.broadcast %eq3A_1217 : i32 to vector<256x128xi32>
    %eq3A_1219 = arith.cmpi eq, %select_n3A_1216, %eq3A_1218 : vector<256x128xi32>
    %jit3A_1220 = arith.constant 128 : i32
    %div3A_1221 = vector.broadcast %jit3A_1220 : i32 to vector<256x128xi32>
    %div3A_1222 = arith.divsi %iota3A_242, %div3A_1221 : vector<256x128xi32>
    %sign3A_1223 = arith.constant 0 : i32
    %sign3A_1224 = vector.broadcast %sign3A_1223 : i32 to vector<256x128xi32>
    %sign3A_1225 = arith.cmpi sgt, %iota3A_242, %sign3A_1224 : vector<256x128xi32>
    %sign3A_1226 = arith.extui %sign3A_1225 : vector<256x128xi1> to vector<256x128xi32>
    %sign3A_1227 = arith.constant 0 : i32
    %sign3A_1228 = vector.broadcast %sign3A_1227 : i32 to vector<256x128xi32>
    %sign3A_1229 = arith.cmpi slt, %iota3A_242, %sign3A_1228 : vector<256x128xi32>
    %sign3A_1230 = arith.extui %sign3A_1229 : vector<256x128xi1> to vector<256x128xi32>
    %sign3A_1231 = arith.subi %sign3A_1226, %sign3A_1230 : vector<256x128xi32>
    %sign3A_1232 = arith.constant 0 : i32
    %sign3A_1233 = arith.cmpi sgt, %jit3A_1220, %sign3A_1232 : i32
    %sign3A_1234 = arith.extui %sign3A_1233 : i1 to i32
    %sign3A_1235 = arith.constant 0 : i32
    %sign3A_1236 = arith.cmpi slt, %jit3A_1220, %sign3A_1235 : i32
    %sign3A_1237 = arith.extui %sign3A_1236 : i1 to i32
    %sign3A_1238 = arith.subi %sign3A_1234, %sign3A_1237 : i32
    %ne3A_1239 = vector.broadcast %sign3A_1238 : i32 to vector<256x128xi32>
    %ne3A_1240 = arith.cmpi ne, %sign3A_1231, %ne3A_1239 : vector<256x128xi32>
    %rem3A_1241 = vector.broadcast %jit3A_1220 : i32 to vector<256x128xi32>
    %rem3A_1242 = arith.remsi %iota3A_242, %rem3A_1241 : vector<256x128xi32>
    %ne3A_1243 = arith.constant 0 : i32
    %ne3A_1244 = vector.broadcast %ne3A_1243 : i32 to vector<256x128xi32>
    %ne3A_1245 = arith.cmpi ne, %rem3A_1242, %ne3A_1244 : vector<256x128xi32>
    %and3A_1246 = arith.andi %ne3A_1240, %ne3A_1245 : vector<256x128xi1>
    %sub3A_1247 = arith.constant 1 : i32
    %sub3A_1248 = vector.broadcast %sub3A_1247 : i32 to vector<256x128xi32>
    %sub3A_1249 = arith.subi %div3A_1222, %sub3A_1248 : vector<256x128xi32>
    %select_n3A_1250 = arith.select %and3A_1246, %sub3A_1249, %div3A_1222 : vector<256x128xi1>, vector<256x128xi32>
    %eq3A_1251 = arith.constant 1 : i32
    %eq3A_1252 = vector.broadcast %eq3A_1251 : i32 to vector<256x128xi32>
    %eq3A_1253 = arith.cmpi eq, %select_n3A_1250, %eq3A_1252 : vector<256x128xi32>
    %and3A_1254 = arith.andi %eq3A_1185, %eq3A_1219 : vector<256x128xi1>
    %jit3A_1255 = arith.constant 0.000000e+00 : f32
    %broadcast_in_dim3A_1256 = vector.broadcast %jit3A_1255 : f32 to vector<256x128xf32>
    %select_n3A_1257 = arith.select %and3A_1254, %dot_general3A_1160, %broadcast_in_dim3A_1256 : vector<256x128xi1>, vector<256x128xf32>
    %reduce_sum3A_1258 = arith.constant dense<0.000000e+00> : vector<128xf32>
    %reduce_sum3A_1259 = vector.multi_reduction <add>, %select_n3A_1257, %reduce_sum3A_1258 [0] : vector<256x128xf32> to vector<128xf32>
    %broadcast_in_dim3A_1260 = vector.shape_cast %reduce_sum3A_1259 : vector<128xf32> to vector<1x128xf32>
    %and3A_1261 = arith.andi %eq3A_1185, %eq3A_1253 : vector<256x128xi1>
    %jit3A_1262 = arith.constant 0.000000e+00 : f32
    %broadcast_in_dim3A_1263 = vector.broadcast %jit3A_1262 : f32 to vector<256x128xf32>
    %select_n3A_1264 = arith.select %and3A_1261, %dot_general3A_1160, %broadcast_in_dim3A_1263 : vector<256x128xi1>, vector<256x128xf32>
    %reduce_sum3A_1265 = arith.constant dense<0.000000e+00> : vector<128xf32>
    %reduce_sum3A_1266 = vector.multi_reduction <add>, %select_n3A_1264, %reduce_sum3A_1265 [0] : vector<256x128xf32> to vector<128xf32>
    %broadcast_in_dim3A_1267 = vector.shape_cast %reduce_sum3A_1266 : vector<128xf32> to vector<1x128xf32>
    %slice3A_1268 = vector.extract_strided_slice %select_n3A_217 {offsets = [9, 0], sizes = [1, 128], strides = [1, 1]} : vector<17x128xi32> to vector<1x128xi32>
    %eq3A_1269 = vector.broadcast %slice3A_1268 : vector<1x128xi32> to vector<128x128xi32>
    %eq3A_1270 = arith.cmpi eq, %iota3A, %eq3A_1269 : vector<128x128xi32>
    %convert_element_type3A_1271 = arith.extui %eq3A_1270 : vector<128x128xi1> to vector<128x128xi32>
    %convert_element_type3A_1272 = arith.sitofp %convert_element_type3A_1271 : vector<128x128xi32> to vector<128x128xf32>
    %dot_general3A_1273 = arith.constant dense<0.000000e+00> : vector<256x128xf32>
    %dot_general3A_1274 = tpu.matmul %reshape3A_22, %convert_element_type3A_1272, %dot_general3A_1273 {dimension_numbers = #tpu.dot_dimension_numbers<[1], [0], [0], [1], [0, 0, 1, 1], [], []>, transpose_lhs_hint = false} : vector<256x128xf32>, vector<128x128xf32>, vector<256x128xf32> -> vector<256x128xf32>
    %jit3A_1275 = arith.constant 128 : i32
    %eq3A_1276 = arith.constant 0 : i32
    %eq3A_1277 = arith.cmpi eq, %jit3A_1275, %eq3A_1276 : i32
    %jit3A_1278 = arith.constant 1 : i32
    %select_n3A_1279 = arith.select %eq3A_1277, %jit3A_1278, %jit3A_1275 : i32
    %rem3A_1280 = vector.broadcast %select_n3A_1279 : i32 to vector<256x128xi32>
    %rem3A_1281 = arith.remsi %iota3A_242, %rem3A_1280 : vector<256x128xi32>
    %ne3A_1282 = arith.constant 0 : i32
    %ne3A_1283 = vector.broadcast %ne3A_1282 : i32 to vector<256x128xi32>
    %ne3A_1284 = arith.cmpi ne, %rem3A_1281, %ne3A_1283 : vector<256x128xi32>
    %lt3A_1285 = arith.constant 0 : i32
    %lt3A_1286 = vector.broadcast %lt3A_1285 : i32 to vector<256x128xi32>
    %lt3A_1287 = arith.cmpi slt, %rem3A_1281, %lt3A_1286 : vector<256x128xi32>
    %lt3A_1288 = arith.constant 0 : i32
    %lt3A_1289 = arith.cmpi slt, %select_n3A_1279, %lt3A_1288 : i32
    %ne3A_1290 = vector.broadcast %lt3A_1289 : i1 to vector<256x128xi1>
    %ne3A_1291 = vector.broadcast %ne3A_1290 : vector<256x128xi1> to vector<256x128xi1>
    %ne3A_1292 = arith.xori %lt3A_1287, %ne3A_1291 : vector<256x128xi1>
    %and3A_1293 = arith.andi %ne3A_1292, %ne3A_1284 : vector<256x128xi1>
    %add3A_1294 = vector.broadcast %select_n3A_1279 : i32 to vector<256x128xi32>
    %add3A_1295 = arith.addi %rem3A_1281, %add3A_1294 : vector<256x128xi32>
    %select_n3A_1296 = arith.select %and3A_1293, %add3A_1295, %rem3A_1281 : vector<256x128xi1>, vector<256x128xi32>
    %slice3A_1297 = vector.extract_strided_slice %select_n3A_239 {offsets = [9, 0], sizes = [1, 128], strides = [1, 1]} : vector<17x128xi32> to vector<1x128xi32>
    %eq3A_1298 = vector.broadcast %slice3A_1297 : vector<1x128xi32> to vector<256x128xi32>
    %eq3A_1299 = arith.cmpi eq, %select_n3A_1296, %eq3A_1298 : vector<256x128xi32>
    %jit3A_1300 = arith.constant 128 : i32
    %div3A_1301 = vector.broadcast %jit3A_1300 : i32 to vector<256x128xi32>
    %div3A_1302 = arith.divsi %iota3A_242, %div3A_1301 : vector<256x128xi32>
    %sign3A_1303 = arith.constant 0 : i32
    %sign3A_1304 = vector.broadcast %sign3A_1303 : i32 to vector<256x128xi32>
    %sign3A_1305 = arith.cmpi sgt, %iota3A_242, %sign3A_1304 : vector<256x128xi32>
    %sign3A_1306 = arith.extui %sign3A_1305 : vector<256x128xi1> to vector<256x128xi32>
    %sign3A_1307 = arith.constant 0 : i32
    %sign3A_1308 = vector.broadcast %sign3A_1307 : i32 to vector<256x128xi32>
    %sign3A_1309 = arith.cmpi slt, %iota3A_242, %sign3A_1308 : vector<256x128xi32>
    %sign3A_1310 = arith.extui %sign3A_1309 : vector<256x128xi1> to vector<256x128xi32>
    %sign3A_1311 = arith.subi %sign3A_1306, %sign3A_1310 : vector<256x128xi32>
    %sign3A_1312 = arith.constant 0 : i32
    %sign3A_1313 = arith.cmpi sgt, %jit3A_1300, %sign3A_1312 : i32
    %sign3A_1314 = arith.extui %sign3A_1313 : i1 to i32
    %sign3A_1315 = arith.constant 0 : i32
    %sign3A_1316 = arith.cmpi slt, %jit3A_1300, %sign3A_1315 : i32
    %sign3A_1317 = arith.extui %sign3A_1316 : i1 to i32
    %sign3A_1318 = arith.subi %sign3A_1314, %sign3A_1317 : i32
    %ne3A_1319 = vector.broadcast %sign3A_1318 : i32 to vector<256x128xi32>
    %ne3A_1320 = arith.cmpi ne, %sign3A_1311, %ne3A_1319 : vector<256x128xi32>
    %rem3A_1321 = vector.broadcast %jit3A_1300 : i32 to vector<256x128xi32>
    %rem3A_1322 = arith.remsi %iota3A_242, %rem3A_1321 : vector<256x128xi32>
    %ne3A_1323 = arith.constant 0 : i32
    %ne3A_1324 = vector.broadcast %ne3A_1323 : i32 to vector<256x128xi32>
    %ne3A_1325 = arith.cmpi ne, %rem3A_1322, %ne3A_1324 : vector<256x128xi32>
    %and3A_1326 = arith.andi %ne3A_1320, %ne3A_1325 : vector<256x128xi1>
    %sub3A_1327 = arith.constant 1 : i32
    %sub3A_1328 = vector.broadcast %sub3A_1327 : i32 to vector<256x128xi32>
    %sub3A_1329 = arith.subi %div3A_1302, %sub3A_1328 : vector<256x128xi32>
    %select_n3A_1330 = arith.select %and3A_1326, %sub3A_1329, %div3A_1302 : vector<256x128xi1>, vector<256x128xi32>
    %eq3A_1331 = arith.constant 0 : i32
    %eq3A_1332 = vector.broadcast %eq3A_1331 : i32 to vector<256x128xi32>
    %eq3A_1333 = arith.cmpi eq, %select_n3A_1330, %eq3A_1332 : vector<256x128xi32>
    %jit3A_1334 = arith.constant 128 : i32
    %div3A_1335 = vector.broadcast %jit3A_1334 : i32 to vector<256x128xi32>
    %div3A_1336 = arith.divsi %iota3A_242, %div3A_1335 : vector<256x128xi32>
    %sign3A_1337 = arith.constant 0 : i32
    %sign3A_1338 = vector.broadcast %sign3A_1337 : i32 to vector<256x128xi32>
    %sign3A_1339 = arith.cmpi sgt, %iota3A_242, %sign3A_1338 : vector<256x128xi32>
    %sign3A_1340 = arith.extui %sign3A_1339 : vector<256x128xi1> to vector<256x128xi32>
    %sign3A_1341 = arith.constant 0 : i32
    %sign3A_1342 = vector.broadcast %sign3A_1341 : i32 to vector<256x128xi32>
    %sign3A_1343 = arith.cmpi slt, %iota3A_242, %sign3A_1342 : vector<256x128xi32>
    %sign3A_1344 = arith.extui %sign3A_1343 : vector<256x128xi1> to vector<256x128xi32>
    %sign3A_1345 = arith.subi %sign3A_1340, %sign3A_1344 : vector<256x128xi32>
    %sign3A_1346 = arith.constant 0 : i32
    %sign3A_1347 = arith.cmpi sgt, %jit3A_1334, %sign3A_1346 : i32
    %sign3A_1348 = arith.extui %sign3A_1347 : i1 to i32
    %sign3A_1349 = arith.constant 0 : i32
    %sign3A_1350 = arith.cmpi slt, %jit3A_1334, %sign3A_1349 : i32
    %sign3A_1351 = arith.extui %sign3A_1350 : i1 to i32
    %sign3A_1352 = arith.subi %sign3A_1348, %sign3A_1351 : i32
    %ne3A_1353 = vector.broadcast %sign3A_1352 : i32 to vector<256x128xi32>
    %ne3A_1354 = arith.cmpi ne, %sign3A_1345, %ne3A_1353 : vector<256x128xi32>
    %rem3A_1355 = vector.broadcast %jit3A_1334 : i32 to vector<256x128xi32>
    %rem3A_1356 = arith.remsi %iota3A_242, %rem3A_1355 : vector<256x128xi32>
    %ne3A_1357 = arith.constant 0 : i32
    %ne3A_1358 = vector.broadcast %ne3A_1357 : i32 to vector<256x128xi32>
    %ne3A_1359 = arith.cmpi ne, %rem3A_1356, %ne3A_1358 : vector<256x128xi32>
    %and3A_1360 = arith.andi %ne3A_1354, %ne3A_1359 : vector<256x128xi1>
    %sub3A_1361 = arith.constant 1 : i32
    %sub3A_1362 = vector.broadcast %sub3A_1361 : i32 to vector<256x128xi32>
    %sub3A_1363 = arith.subi %div3A_1336, %sub3A_1362 : vector<256x128xi32>
    %select_n3A_1364 = arith.select %and3A_1360, %sub3A_1363, %div3A_1336 : vector<256x128xi1>, vector<256x128xi32>
    %eq3A_1365 = arith.constant 1 : i32
    %eq3A_1366 = vector.broadcast %eq3A_1365 : i32 to vector<256x128xi32>
    %eq3A_1367 = arith.cmpi eq, %select_n3A_1364, %eq3A_1366 : vector<256x128xi32>
    %and3A_1368 = arith.andi %eq3A_1299, %eq3A_1333 : vector<256x128xi1>
    %jit3A_1369 = arith.constant 0.000000e+00 : f32
    %broadcast_in_dim3A_1370 = vector.broadcast %jit3A_1369 : f32 to vector<256x128xf32>
    %select_n3A_1371 = arith.select %and3A_1368, %dot_general3A_1274, %broadcast_in_dim3A_1370 : vector<256x128xi1>, vector<256x128xf32>
    %reduce_sum3A_1372 = arith.constant dense<0.000000e+00> : vector<128xf32>
    %reduce_sum3A_1373 = vector.multi_reduction <add>, %select_n3A_1371, %reduce_sum3A_1372 [0] : vector<256x128xf32> to vector<128xf32>
    %broadcast_in_dim3A_1374 = vector.shape_cast %reduce_sum3A_1373 : vector<128xf32> to vector<1x128xf32>
    %and3A_1375 = arith.andi %eq3A_1299, %eq3A_1367 : vector<256x128xi1>
    %jit3A_1376 = arith.constant 0.000000e+00 : f32
    %broadcast_in_dim3A_1377 = vector.broadcast %jit3A_1376 : f32 to vector<256x128xf32>
    %select_n3A_1378 = arith.select %and3A_1375, %dot_general3A_1274, %broadcast_in_dim3A_1377 : vector<256x128xi1>, vector<256x128xf32>
    %reduce_sum3A_1379 = arith.constant dense<0.000000e+00> : vector<128xf32>
    %reduce_sum3A_1380 = vector.multi_reduction <add>, %select_n3A_1378, %reduce_sum3A_1379 [0] : vector<256x128xf32> to vector<128xf32>
    %broadcast_in_dim3A_1381 = vector.shape_cast %reduce_sum3A_1380 : vector<128xf32> to vector<1x128xf32>
    %slice3A_1382 = vector.extract_strided_slice %select_n3A_217 {offsets = [10, 0], sizes = [1, 128], strides = [1, 1]} : vector<17x128xi32> to vector<1x128xi32>
    %eq3A_1383 = vector.broadcast %slice3A_1382 : vector<1x128xi32> to vector<128x128xi32>
    %eq3A_1384 = arith.cmpi eq, %iota3A, %eq3A_1383 : vector<128x128xi32>
    %convert_element_type3A_1385 = arith.extui %eq3A_1384 : vector<128x128xi1> to vector<128x128xi32>
    %convert_element_type3A_1386 = arith.sitofp %convert_element_type3A_1385 : vector<128x128xi32> to vector<128x128xf32>
    %dot_general3A_1387 = arith.constant dense<0.000000e+00> : vector<256x128xf32>
    %dot_general3A_1388 = tpu.matmul %reshape3A_22, %convert_element_type3A_1386, %dot_general3A_1387 {dimension_numbers = #tpu.dot_dimension_numbers<[1], [0], [0], [1], [0, 0, 1, 1], [], []>, transpose_lhs_hint = false} : vector<256x128xf32>, vector<128x128xf32>, vector<256x128xf32> -> vector<256x128xf32>
    %jit3A_1389 = arith.constant 128 : i32
    %eq3A_1390 = arith.constant 0 : i32
    %eq3A_1391 = arith.cmpi eq, %jit3A_1389, %eq3A_1390 : i32
    %jit3A_1392 = arith.constant 1 : i32
    %select_n3A_1393 = arith.select %eq3A_1391, %jit3A_1392, %jit3A_1389 : i32
    %rem3A_1394 = vector.broadcast %select_n3A_1393 : i32 to vector<256x128xi32>
    %rem3A_1395 = arith.remsi %iota3A_242, %rem3A_1394 : vector<256x128xi32>
    %ne3A_1396 = arith.constant 0 : i32
    %ne3A_1397 = vector.broadcast %ne3A_1396 : i32 to vector<256x128xi32>
    %ne3A_1398 = arith.cmpi ne, %rem3A_1395, %ne3A_1397 : vector<256x128xi32>
    %lt3A_1399 = arith.constant 0 : i32
    %lt3A_1400 = vector.broadcast %lt3A_1399 : i32 to vector<256x128xi32>
    %lt3A_1401 = arith.cmpi slt, %rem3A_1395, %lt3A_1400 : vector<256x128xi32>
    %lt3A_1402 = arith.constant 0 : i32
    %lt3A_1403 = arith.cmpi slt, %select_n3A_1393, %lt3A_1402 : i32
    %ne3A_1404 = vector.broadcast %lt3A_1403 : i1 to vector<256x128xi1>
    %ne3A_1405 = vector.broadcast %ne3A_1404 : vector<256x128xi1> to vector<256x128xi1>
    %ne3A_1406 = arith.xori %lt3A_1401, %ne3A_1405 : vector<256x128xi1>
    %and3A_1407 = arith.andi %ne3A_1406, %ne3A_1398 : vector<256x128xi1>
    %add3A_1408 = vector.broadcast %select_n3A_1393 : i32 to vector<256x128xi32>
    %add3A_1409 = arith.addi %rem3A_1395, %add3A_1408 : vector<256x128xi32>
    %select_n3A_1410 = arith.select %and3A_1407, %add3A_1409, %rem3A_1395 : vector<256x128xi1>, vector<256x128xi32>
    %slice3A_1411 = vector.extract_strided_slice %select_n3A_239 {offsets = [10, 0], sizes = [1, 128], strides = [1, 1]} : vector<17x128xi32> to vector<1x128xi32>
    %eq3A_1412 = vector.broadcast %slice3A_1411 : vector<1x128xi32> to vector<256x128xi32>
    %eq3A_1413 = arith.cmpi eq, %select_n3A_1410, %eq3A_1412 : vector<256x128xi32>
    %jit3A_1414 = arith.constant 128 : i32
    %div3A_1415 = vector.broadcast %jit3A_1414 : i32 to vector<256x128xi32>
    %div3A_1416 = arith.divsi %iota3A_242, %div3A_1415 : vector<256x128xi32>
    %sign3A_1417 = arith.constant 0 : i32
    %sign3A_1418 = vector.broadcast %sign3A_1417 : i32 to vector<256x128xi32>
    %sign3A_1419 = arith.cmpi sgt, %iota3A_242, %sign3A_1418 : vector<256x128xi32>
    %sign3A_1420 = arith.extui %sign3A_1419 : vector<256x128xi1> to vector<256x128xi32>
    %sign3A_1421 = arith.constant 0 : i32
    %sign3A_1422 = vector.broadcast %sign3A_1421 : i32 to vector<256x128xi32>
    %sign3A_1423 = arith.cmpi slt, %iota3A_242, %sign3A_1422 : vector<256x128xi32>
    %sign3A_1424 = arith.extui %sign3A_1423 : vector<256x128xi1> to vector<256x128xi32>
    %sign3A_1425 = arith.subi %sign3A_1420, %sign3A_1424 : vector<256x128xi32>
    %sign3A_1426 = arith.constant 0 : i32
    %sign3A_1427 = arith.cmpi sgt, %jit3A_1414, %sign3A_1426 : i32
    %sign3A_1428 = arith.extui %sign3A_1427 : i1 to i32
    %sign3A_1429 = arith.constant 0 : i32
    %sign3A_1430 = arith.cmpi slt, %jit3A_1414, %sign3A_1429 : i32
    %sign3A_1431 = arith.extui %sign3A_1430 : i1 to i32
    %sign3A_1432 = arith.subi %sign3A_1428, %sign3A_1431 : i32
    %ne3A_1433 = vector.broadcast %sign3A_1432 : i32 to vector<256x128xi32>
    %ne3A_1434 = arith.cmpi ne, %sign3A_1425, %ne3A_1433 : vector<256x128xi32>
    %rem3A_1435 = vector.broadcast %jit3A_1414 : i32 to vector<256x128xi32>
    %rem3A_1436 = arith.remsi %iota3A_242, %rem3A_1435 : vector<256x128xi32>
    %ne3A_1437 = arith.constant 0 : i32
    %ne3A_1438 = vector.broadcast %ne3A_1437 : i32 to vector<256x128xi32>
    %ne3A_1439 = arith.cmpi ne, %rem3A_1436, %ne3A_1438 : vector<256x128xi32>
    %and3A_1440 = arith.andi %ne3A_1434, %ne3A_1439 : vector<256x128xi1>
    %sub3A_1441 = arith.constant 1 : i32
    %sub3A_1442 = vector.broadcast %sub3A_1441 : i32 to vector<256x128xi32>
    %sub3A_1443 = arith.subi %div3A_1416, %sub3A_1442 : vector<256x128xi32>
    %select_n3A_1444 = arith.select %and3A_1440, %sub3A_1443, %div3A_1416 : vector<256x128xi1>, vector<256x128xi32>
    %eq3A_1445 = arith.constant 0 : i32
    %eq3A_1446 = vector.broadcast %eq3A_1445 : i32 to vector<256x128xi32>
    %eq3A_1447 = arith.cmpi eq, %select_n3A_1444, %eq3A_1446 : vector<256x128xi32>
    %jit3A_1448 = arith.constant 128 : i32
    %div3A_1449 = vector.broadcast %jit3A_1448 : i32 to vector<256x128xi32>
    %div3A_1450 = arith.divsi %iota3A_242, %div3A_1449 : vector<256x128xi32>
    %sign3A_1451 = arith.constant 0 : i32
    %sign3A_1452 = vector.broadcast %sign3A_1451 : i32 to vector<256x128xi32>
    %sign3A_1453 = arith.cmpi sgt, %iota3A_242, %sign3A_1452 : vector<256x128xi32>
    %sign3A_1454 = arith.extui %sign3A_1453 : vector<256x128xi1> to vector<256x128xi32>
    %sign3A_1455 = arith.constant 0 : i32
    %sign3A_1456 = vector.broadcast %sign3A_1455 : i32 to vector<256x128xi32>
    %sign3A_1457 = arith.cmpi slt, %iota3A_242, %sign3A_1456 : vector<256x128xi32>
    %sign3A_1458 = arith.extui %sign3A_1457 : vector<256x128xi1> to vector<256x128xi32>
    %sign3A_1459 = arith.subi %sign3A_1454, %sign3A_1458 : vector<256x128xi32>
    %sign3A_1460 = arith.constant 0 : i32
    %sign3A_1461 = arith.cmpi sgt, %jit3A_1448, %sign3A_1460 : i32
    %sign3A_1462 = arith.extui %sign3A_1461 : i1 to i32
    %sign3A_1463 = arith.constant 0 : i32
    %sign3A_1464 = arith.cmpi slt, %jit3A_1448, %sign3A_1463 : i32
    %sign3A_1465 = arith.extui %sign3A_1464 : i1 to i32
    %sign3A_1466 = arith.subi %sign3A_1462, %sign3A_1465 : i32
    %ne3A_1467 = vector.broadcast %sign3A_1466 : i32 to vector<256x128xi32>
    %ne3A_1468 = arith.cmpi ne, %sign3A_1459, %ne3A_1467 : vector<256x128xi32>
    %rem3A_1469 = vector.broadcast %jit3A_1448 : i32 to vector<256x128xi32>
    %rem3A_1470 = arith.remsi %iota3A_242, %rem3A_1469 : vector<256x128xi32>
    %ne3A_1471 = arith.constant 0 : i32
    %ne3A_1472 = vector.broadcast %ne3A_1471 : i32 to vector<256x128xi32>
    %ne3A_1473 = arith.cmpi ne, %rem3A_1470, %ne3A_1472 : vector<256x128xi32>
    %and3A_1474 = arith.andi %ne3A_1468, %ne3A_1473 : vector<256x128xi1>
    %sub3A_1475 = arith.constant 1 : i32
    %sub3A_1476 = vector.broadcast %sub3A_1475 : i32 to vector<256x128xi32>
    %sub3A_1477 = arith.subi %div3A_1450, %sub3A_1476 : vector<256x128xi32>
    %select_n3A_1478 = arith.select %and3A_1474, %sub3A_1477, %div3A_1450 : vector<256x128xi1>, vector<256x128xi32>
    %eq3A_1479 = arith.constant 1 : i32
    %eq3A_1480 = vector.broadcast %eq3A_1479 : i32 to vector<256x128xi32>
    %eq3A_1481 = arith.cmpi eq, %select_n3A_1478, %eq3A_1480 : vector<256x128xi32>
    %and3A_1482 = arith.andi %eq3A_1413, %eq3A_1447 : vector<256x128xi1>
    %jit3A_1483 = arith.constant 0.000000e+00 : f32
    %broadcast_in_dim3A_1484 = vector.broadcast %jit3A_1483 : f32 to vector<256x128xf32>
    %select_n3A_1485 = arith.select %and3A_1482, %dot_general3A_1388, %broadcast_in_dim3A_1484 : vector<256x128xi1>, vector<256x128xf32>
    %reduce_sum3A_1486 = arith.constant dense<0.000000e+00> : vector<128xf32>
    %reduce_sum3A_1487 = vector.multi_reduction <add>, %select_n3A_1485, %reduce_sum3A_1486 [0] : vector<256x128xf32> to vector<128xf32>
    %broadcast_in_dim3A_1488 = vector.shape_cast %reduce_sum3A_1487 : vector<128xf32> to vector<1x128xf32>
    %and3A_1489 = arith.andi %eq3A_1413, %eq3A_1481 : vector<256x128xi1>
    %jit3A_1490 = arith.constant 0.000000e+00 : f32
    %broadcast_in_dim3A_1491 = vector.broadcast %jit3A_1490 : f32 to vector<256x128xf32>
    %select_n3A_1492 = arith.select %and3A_1489, %dot_general3A_1388, %broadcast_in_dim3A_1491 : vector<256x128xi1>, vector<256x128xf32>
    %reduce_sum3A_1493 = arith.constant dense<0.000000e+00> : vector<128xf32>
    %reduce_sum3A_1494 = vector.multi_reduction <add>, %select_n3A_1492, %reduce_sum3A_1493 [0] : vector<256x128xf32> to vector<128xf32>
    %broadcast_in_dim3A_1495 = vector.shape_cast %reduce_sum3A_1494 : vector<128xf32> to vector<1x128xf32>
    %slice3A_1496 = vector.extract_strided_slice %select_n3A_217 {offsets = [11, 0], sizes = [1, 128], strides = [1, 1]} : vector<17x128xi32> to vector<1x128xi32>
    %eq3A_1497 = vector.broadcast %slice3A_1496 : vector<1x128xi32> to vector<128x128xi32>
    %eq3A_1498 = arith.cmpi eq, %iota3A, %eq3A_1497 : vector<128x128xi32>
    %convert_element_type3A_1499 = arith.extui %eq3A_1498 : vector<128x128xi1> to vector<128x128xi32>
    %convert_element_type3A_1500 = arith.sitofp %convert_element_type3A_1499 : vector<128x128xi32> to vector<128x128xf32>
    %dot_general3A_1501 = arith.constant dense<0.000000e+00> : vector<256x128xf32>
    %dot_general3A_1502 = tpu.matmul %reshape3A_22, %convert_element_type3A_1500, %dot_general3A_1501 {dimension_numbers = #tpu.dot_dimension_numbers<[1], [0], [0], [1], [0, 0, 1, 1], [], []>, transpose_lhs_hint = false} : vector<256x128xf32>, vector<128x128xf32>, vector<256x128xf32> -> vector<256x128xf32>
    %jit3A_1503 = arith.constant 128 : i32
    %eq3A_1504 = arith.constant 0 : i32
    %eq3A_1505 = arith.cmpi eq, %jit3A_1503, %eq3A_1504 : i32
    %jit3A_1506 = arith.constant 1 : i32
    %select_n3A_1507 = arith.select %eq3A_1505, %jit3A_1506, %jit3A_1503 : i32
    %rem3A_1508 = vector.broadcast %select_n3A_1507 : i32 to vector<256x128xi32>
    %rem3A_1509 = arith.remsi %iota3A_242, %rem3A_1508 : vector<256x128xi32>
    %ne3A_1510 = arith.constant 0 : i32
    %ne3A_1511 = vector.broadcast %ne3A_1510 : i32 to vector<256x128xi32>
    %ne3A_1512 = arith.cmpi ne, %rem3A_1509, %ne3A_1511 : vector<256x128xi32>
    %lt3A_1513 = arith.constant 0 : i32
    %lt3A_1514 = vector.broadcast %lt3A_1513 : i32 to vector<256x128xi32>
    %lt3A_1515 = arith.cmpi slt, %rem3A_1509, %lt3A_1514 : vector<256x128xi32>
    %lt3A_1516 = arith.constant 0 : i32
    %lt3A_1517 = arith.cmpi slt, %select_n3A_1507, %lt3A_1516 : i32
    %ne3A_1518 = vector.broadcast %lt3A_1517 : i1 to vector<256x128xi1>
    %ne3A_1519 = vector.broadcast %ne3A_1518 : vector<256x128xi1> to vector<256x128xi1>
    %ne3A_1520 = arith.xori %lt3A_1515, %ne3A_1519 : vector<256x128xi1>
    %and3A_1521 = arith.andi %ne3A_1520, %ne3A_1512 : vector<256x128xi1>
    %add3A_1522 = vector.broadcast %select_n3A_1507 : i32 to vector<256x128xi32>
    %add3A_1523 = arith.addi %rem3A_1509, %add3A_1522 : vector<256x128xi32>
    %select_n3A_1524 = arith.select %and3A_1521, %add3A_1523, %rem3A_1509 : vector<256x128xi1>, vector<256x128xi32>
    %slice3A_1525 = vector.extract_strided_slice %select_n3A_239 {offsets = [11, 0], sizes = [1, 128], strides = [1, 1]} : vector<17x128xi32> to vector<1x128xi32>
    %eq3A_1526 = vector.broadcast %slice3A_1525 : vector<1x128xi32> to vector<256x128xi32>
    %eq3A_1527 = arith.cmpi eq, %select_n3A_1524, %eq3A_1526 : vector<256x128xi32>
    %jit3A_1528 = arith.constant 128 : i32
    %div3A_1529 = vector.broadcast %jit3A_1528 : i32 to vector<256x128xi32>
    %div3A_1530 = arith.divsi %iota3A_242, %div3A_1529 : vector<256x128xi32>
    %sign3A_1531 = arith.constant 0 : i32
    %sign3A_1532 = vector.broadcast %sign3A_1531 : i32 to vector<256x128xi32>
    %sign3A_1533 = arith.cmpi sgt, %iota3A_242, %sign3A_1532 : vector<256x128xi32>
    %sign3A_1534 = arith.extui %sign3A_1533 : vector<256x128xi1> to vector<256x128xi32>
    %sign3A_1535 = arith.constant 0 : i32
    %sign3A_1536 = vector.broadcast %sign3A_1535 : i32 to vector<256x128xi32>
    %sign3A_1537 = arith.cmpi slt, %iota3A_242, %sign3A_1536 : vector<256x128xi32>
    %sign3A_1538 = arith.extui %sign3A_1537 : vector<256x128xi1> to vector<256x128xi32>
    %sign3A_1539 = arith.subi %sign3A_1534, %sign3A_1538 : vector<256x128xi32>
    %sign3A_1540 = arith.constant 0 : i32
    %sign3A_1541 = arith.cmpi sgt, %jit3A_1528, %sign3A_1540 : i32
    %sign3A_1542 = arith.extui %sign3A_1541 : i1 to i32
    %sign3A_1543 = arith.constant 0 : i32
    %sign3A_1544 = arith.cmpi slt, %jit3A_1528, %sign3A_1543 : i32
    %sign3A_1545 = arith.extui %sign3A_1544 : i1 to i32
    %sign3A_1546 = arith.subi %sign3A_1542, %sign3A_1545 : i32
    %ne3A_1547 = vector.broadcast %sign3A_1546 : i32 to vector<256x128xi32>
    %ne3A_1548 = arith.cmpi ne, %sign3A_1539, %ne3A_1547 : vector<256x128xi32>
    %rem3A_1549 = vector.broadcast %jit3A_1528 : i32 to vector<256x128xi32>
    %rem3A_1550 = arith.remsi %iota3A_242, %rem3A_1549 : vector<256x128xi32>
    %ne3A_1551 = arith.constant 0 : i32
    %ne3A_1552 = vector.broadcast %ne3A_1551 : i32 to vector<256x128xi32>
    %ne3A_1553 = arith.cmpi ne, %rem3A_1550, %ne3A_1552 : vector<256x128xi32>
    %and3A_1554 = arith.andi %ne3A_1548, %ne3A_1553 : vector<256x128xi1>
    %sub3A_1555 = arith.constant 1 : i32
    %sub3A_1556 = vector.broadcast %sub3A_1555 : i32 to vector<256x128xi32>
    %sub3A_1557 = arith.subi %div3A_1530, %sub3A_1556 : vector<256x128xi32>
    %select_n3A_1558 = arith.select %and3A_1554, %sub3A_1557, %div3A_1530 : vector<256x128xi1>, vector<256x128xi32>
    %eq3A_1559 = arith.constant 0 : i32
    %eq3A_1560 = vector.broadcast %eq3A_1559 : i32 to vector<256x128xi32>
    %eq3A_1561 = arith.cmpi eq, %select_n3A_1558, %eq3A_1560 : vector<256x128xi32>
    %jit3A_1562 = arith.constant 128 : i32
    %div3A_1563 = vector.broadcast %jit3A_1562 : i32 to vector<256x128xi32>
    %div3A_1564 = arith.divsi %iota3A_242, %div3A_1563 : vector<256x128xi32>
    %sign3A_1565 = arith.constant 0 : i32
    %sign3A_1566 = vector.broadcast %sign3A_1565 : i32 to vector<256x128xi32>
    %sign3A_1567 = arith.cmpi sgt, %iota3A_242, %sign3A_1566 : vector<256x128xi32>
    %sign3A_1568 = arith.extui %sign3A_1567 : vector<256x128xi1> to vector<256x128xi32>
    %sign3A_1569 = arith.constant 0 : i32
    %sign3A_1570 = vector.broadcast %sign3A_1569 : i32 to vector<256x128xi32>
    %sign3A_1571 = arith.cmpi slt, %iota3A_242, %sign3A_1570 : vector<256x128xi32>
    %sign3A_1572 = arith.extui %sign3A_1571 : vector<256x128xi1> to vector<256x128xi32>
    %sign3A_1573 = arith.subi %sign3A_1568, %sign3A_1572 : vector<256x128xi32>
    %sign3A_1574 = arith.constant 0 : i32
    %sign3A_1575 = arith.cmpi sgt, %jit3A_1562, %sign3A_1574 : i32
    %sign3A_1576 = arith.extui %sign3A_1575 : i1 to i32
    %sign3A_1577 = arith.constant 0 : i32
    %sign3A_1578 = arith.cmpi slt, %jit3A_1562, %sign3A_1577 : i32
    %sign3A_1579 = arith.extui %sign3A_1578 : i1 to i32
    %sign3A_1580 = arith.subi %sign3A_1576, %sign3A_1579 : i32
    %ne3A_1581 = vector.broadcast %sign3A_1580 : i32 to vector<256x128xi32>
    %ne3A_1582 = arith.cmpi ne, %sign3A_1573, %ne3A_1581 : vector<256x128xi32>
    %rem3A_1583 = vector.broadcast %jit3A_1562 : i32 to vector<256x128xi32>
    %rem3A_1584 = arith.remsi %iota3A_242, %rem3A_1583 : vector<256x128xi32>
    %ne3A_1585 = arith.constant 0 : i32
    %ne3A_1586 = vector.broadcast %ne3A_1585 : i32 to vector<256x128xi32>
    %ne3A_1587 = arith.cmpi ne, %rem3A_1584, %ne3A_1586 : vector<256x128xi32>
    %and3A_1588 = arith.andi %ne3A_1582, %ne3A_1587 : vector<256x128xi1>
    %sub3A_1589 = arith.constant 1 : i32
    %sub3A_1590 = vector.broadcast %sub3A_1589 : i32 to vector<256x128xi32>
    %sub3A_1591 = arith.subi %div3A_1564, %sub3A_1590 : vector<256x128xi32>
    %select_n3A_1592 = arith.select %and3A_1588, %sub3A_1591, %div3A_1564 : vector<256x128xi1>, vector<256x128xi32>
    %eq3A_1593 = arith.constant 1 : i32
    %eq3A_1594 = vector.broadcast %eq3A_1593 : i32 to vector<256x128xi32>
    %eq3A_1595 = arith.cmpi eq, %select_n3A_1592, %eq3A_1594 : vector<256x128xi32>
    %and3A_1596 = arith.andi %eq3A_1527, %eq3A_1561 : vector<256x128xi1>
    %jit3A_1597 = arith.constant 0.000000e+00 : f32
    %broadcast_in_dim3A_1598 = vector.broadcast %jit3A_1597 : f32 to vector<256x128xf32>
    %select_n3A_1599 = arith.select %and3A_1596, %dot_general3A_1502, %broadcast_in_dim3A_1598 : vector<256x128xi1>, vector<256x128xf32>
    %reduce_sum3A_1600 = arith.constant dense<0.000000e+00> : vector<128xf32>
    %reduce_sum3A_1601 = vector.multi_reduction <add>, %select_n3A_1599, %reduce_sum3A_1600 [0] : vector<256x128xf32> to vector<128xf32>
    %broadcast_in_dim3A_1602 = vector.shape_cast %reduce_sum3A_1601 : vector<128xf32> to vector<1x128xf32>
    %and3A_1603 = arith.andi %eq3A_1527, %eq3A_1595 : vector<256x128xi1>
    %jit3A_1604 = arith.constant 0.000000e+00 : f32
    %broadcast_in_dim3A_1605 = vector.broadcast %jit3A_1604 : f32 to vector<256x128xf32>
    %select_n3A_1606 = arith.select %and3A_1603, %dot_general3A_1502, %broadcast_in_dim3A_1605 : vector<256x128xi1>, vector<256x128xf32>
    %reduce_sum3A_1607 = arith.constant dense<0.000000e+00> : vector<128xf32>
    %reduce_sum3A_1608 = vector.multi_reduction <add>, %select_n3A_1606, %reduce_sum3A_1607 [0] : vector<256x128xf32> to vector<128xf32>
    %broadcast_in_dim3A_1609 = vector.shape_cast %reduce_sum3A_1608 : vector<128xf32> to vector<1x128xf32>
    %slice3A_1610 = vector.extract_strided_slice %select_n3A_217 {offsets = [12, 0], sizes = [1, 128], strides = [1, 1]} : vector<17x128xi32> to vector<1x128xi32>
    %eq3A_1611 = vector.broadcast %slice3A_1610 : vector<1x128xi32> to vector<128x128xi32>
    %eq3A_1612 = arith.cmpi eq, %iota3A, %eq3A_1611 : vector<128x128xi32>
    %convert_element_type3A_1613 = arith.extui %eq3A_1612 : vector<128x128xi1> to vector<128x128xi32>
    %convert_element_type3A_1614 = arith.sitofp %convert_element_type3A_1613 : vector<128x128xi32> to vector<128x128xf32>
    %dot_general3A_1615 = arith.constant dense<0.000000e+00> : vector<256x128xf32>
    %dot_general3A_1616 = tpu.matmul %reshape3A_22, %convert_element_type3A_1614, %dot_general3A_1615 {dimension_numbers = #tpu.dot_dimension_numbers<[1], [0], [0], [1], [0, 0, 1, 1], [], []>, transpose_lhs_hint = false} : vector<256x128xf32>, vector<128x128xf32>, vector<256x128xf32> -> vector<256x128xf32>
    %jit3A_1617 = arith.constant 128 : i32
    %eq3A_1618 = arith.constant 0 : i32
    %eq3A_1619 = arith.cmpi eq, %jit3A_1617, %eq3A_1618 : i32
    %jit3A_1620 = arith.constant 1 : i32
    %select_n3A_1621 = arith.select %eq3A_1619, %jit3A_1620, %jit3A_1617 : i32
    %rem3A_1622 = vector.broadcast %select_n3A_1621 : i32 to vector<256x128xi32>
    %rem3A_1623 = arith.remsi %iota3A_242, %rem3A_1622 : vector<256x128xi32>
    %ne3A_1624 = arith.constant 0 : i32
    %ne3A_1625 = vector.broadcast %ne3A_1624 : i32 to vector<256x128xi32>
    %ne3A_1626 = arith.cmpi ne, %rem3A_1623, %ne3A_1625 : vector<256x128xi32>
    %lt3A_1627 = arith.constant 0 : i32
    %lt3A_1628 = vector.broadcast %lt3A_1627 : i32 to vector<256x128xi32>
    %lt3A_1629 = arith.cmpi slt, %rem3A_1623, %lt3A_1628 : vector<256x128xi32>
    %lt3A_1630 = arith.constant 0 : i32
    %lt3A_1631 = arith.cmpi slt, %select_n3A_1621, %lt3A_1630 : i32
    %ne3A_1632 = vector.broadcast %lt3A_1631 : i1 to vector<256x128xi1>
    %ne3A_1633 = vector.broadcast %ne3A_1632 : vector<256x128xi1> to vector<256x128xi1>
    %ne3A_1634 = arith.xori %lt3A_1629, %ne3A_1633 : vector<256x128xi1>
    %and3A_1635 = arith.andi %ne3A_1634, %ne3A_1626 : vector<256x128xi1>
    %add3A_1636 = vector.broadcast %select_n3A_1621 : i32 to vector<256x128xi32>
    %add3A_1637 = arith.addi %rem3A_1623, %add3A_1636 : vector<256x128xi32>
    %select_n3A_1638 = arith.select %and3A_1635, %add3A_1637, %rem3A_1623 : vector<256x128xi1>, vector<256x128xi32>
    %slice3A_1639 = vector.extract_strided_slice %select_n3A_239 {offsets = [12, 0], sizes = [1, 128], strides = [1, 1]} : vector<17x128xi32> to vector<1x128xi32>
    %eq3A_1640 = vector.broadcast %slice3A_1639 : vector<1x128xi32> to vector<256x128xi32>
    %eq3A_1641 = arith.cmpi eq, %select_n3A_1638, %eq3A_1640 : vector<256x128xi32>
    %jit3A_1642 = arith.constant 128 : i32
    %div3A_1643 = vector.broadcast %jit3A_1642 : i32 to vector<256x128xi32>
    %div3A_1644 = arith.divsi %iota3A_242, %div3A_1643 : vector<256x128xi32>
    %sign3A_1645 = arith.constant 0 : i32
    %sign3A_1646 = vector.broadcast %sign3A_1645 : i32 to vector<256x128xi32>
    %sign3A_1647 = arith.cmpi sgt, %iota3A_242, %sign3A_1646 : vector<256x128xi32>
    %sign3A_1648 = arith.extui %sign3A_1647 : vector<256x128xi1> to vector<256x128xi32>
    %sign3A_1649 = arith.constant 0 : i32
    %sign3A_1650 = vector.broadcast %sign3A_1649 : i32 to vector<256x128xi32>
    %sign3A_1651 = arith.cmpi slt, %iota3A_242, %sign3A_1650 : vector<256x128xi32>
    %sign3A_1652 = arith.extui %sign3A_1651 : vector<256x128xi1> to vector<256x128xi32>
    %sign3A_1653 = arith.subi %sign3A_1648, %sign3A_1652 : vector<256x128xi32>
    %sign3A_1654 = arith.constant 0 : i32
    %sign3A_1655 = arith.cmpi sgt, %jit3A_1642, %sign3A_1654 : i32
    %sign3A_1656 = arith.extui %sign3A_1655 : i1 to i32
    %sign3A_1657 = arith.constant 0 : i32
    %sign3A_1658 = arith.cmpi slt, %jit3A_1642, %sign3A_1657 : i32
    %sign3A_1659 = arith.extui %sign3A_1658 : i1 to i32
    %sign3A_1660 = arith.subi %sign3A_1656, %sign3A_1659 : i32
    %ne3A_1661 = vector.broadcast %sign3A_1660 : i32 to vector<256x128xi32>
    %ne3A_1662 = arith.cmpi ne, %sign3A_1653, %ne3A_1661 : vector<256x128xi32>
    %rem3A_1663 = vector.broadcast %jit3A_1642 : i32 to vector<256x128xi32>
    %rem3A_1664 = arith.remsi %iota3A_242, %rem3A_1663 : vector<256x128xi32>
    %ne3A_1665 = arith.constant 0 : i32
    %ne3A_1666 = vector.broadcast %ne3A_1665 : i32 to vector<256x128xi32>
    %ne3A_1667 = arith.cmpi ne, %rem3A_1664, %ne3A_1666 : vector<256x128xi32>
    %and3A_1668 = arith.andi %ne3A_1662, %ne3A_1667 : vector<256x128xi1>
    %sub3A_1669 = arith.constant 1 : i32
    %sub3A_1670 = vector.broadcast %sub3A_1669 : i32 to vector<256x128xi32>
    %sub3A_1671 = arith.subi %div3A_1644, %sub3A_1670 : vector<256x128xi32>
    %select_n3A_1672 = arith.select %and3A_1668, %sub3A_1671, %div3A_1644 : vector<256x128xi1>, vector<256x128xi32>
    %eq3A_1673 = arith.constant 0 : i32
    %eq3A_1674 = vector.broadcast %eq3A_1673 : i32 to vector<256x128xi32>
    %eq3A_1675 = arith.cmpi eq, %select_n3A_1672, %eq3A_1674 : vector<256x128xi32>
    %jit3A_1676 = arith.constant 128 : i32
    %div3A_1677 = vector.broadcast %jit3A_1676 : i32 to vector<256x128xi32>
    %div3A_1678 = arith.divsi %iota3A_242, %div3A_1677 : vector<256x128xi32>
    %sign3A_1679 = arith.constant 0 : i32
    %sign3A_1680 = vector.broadcast %sign3A_1679 : i32 to vector<256x128xi32>
    %sign3A_1681 = arith.cmpi sgt, %iota3A_242, %sign3A_1680 : vector<256x128xi32>
    %sign3A_1682 = arith.extui %sign3A_1681 : vector<256x128xi1> to vector<256x128xi32>
    %sign3A_1683 = arith.constant 0 : i32
    %sign3A_1684 = vector.broadcast %sign3A_1683 : i32 to vector<256x128xi32>
    %sign3A_1685 = arith.cmpi slt, %iota3A_242, %sign3A_1684 : vector<256x128xi32>
    %sign3A_1686 = arith.extui %sign3A_1685 : vector<256x128xi1> to vector<256x128xi32>
    %sign3A_1687 = arith.subi %sign3A_1682, %sign3A_1686 : vector<256x128xi32>
    %sign3A_1688 = arith.constant 0 : i32
    %sign3A_1689 = arith.cmpi sgt, %jit3A_1676, %sign3A_1688 : i32
    %sign3A_1690 = arith.extui %sign3A_1689 : i1 to i32
    %sign3A_1691 = arith.constant 0 : i32
    %sign3A_1692 = arith.cmpi slt, %jit3A_1676, %sign3A_1691 : i32
    %sign3A_1693 = arith.extui %sign3A_1692 : i1 to i32
    %sign3A_1694 = arith.subi %sign3A_1690, %sign3A_1693 : i32
    %ne3A_1695 = vector.broadcast %sign3A_1694 : i32 to vector<256x128xi32>
    %ne3A_1696 = arith.cmpi ne, %sign3A_1687, %ne3A_1695 : vector<256x128xi32>
    %rem3A_1697 = vector.broadcast %jit3A_1676 : i32 to vector<256x128xi32>
    %rem3A_1698 = arith.remsi %iota3A_242, %rem3A_1697 : vector<256x128xi32>
    %ne3A_1699 = arith.constant 0 : i32
    %ne3A_1700 = vector.broadcast %ne3A_1699 : i32 to vector<256x128xi32>
    %ne3A_1701 = arith.cmpi ne, %rem3A_1698, %ne3A_1700 : vector<256x128xi32>
    %and3A_1702 = arith.andi %ne3A_1696, %ne3A_1701 : vector<256x128xi1>
    %sub3A_1703 = arith.constant 1 : i32
    %sub3A_1704 = vector.broadcast %sub3A_1703 : i32 to vector<256x128xi32>
    %sub3A_1705 = arith.subi %div3A_1678, %sub3A_1704 : vector<256x128xi32>
    %select_n3A_1706 = arith.select %and3A_1702, %sub3A_1705, %div3A_1678 : vector<256x128xi1>, vector<256x128xi32>
    %eq3A_1707 = arith.constant 1 : i32
    %eq3A_1708 = vector.broadcast %eq3A_1707 : i32 to vector<256x128xi32>
    %eq3A_1709 = arith.cmpi eq, %select_n3A_1706, %eq3A_1708 : vector<256x128xi32>
    %and3A_1710 = arith.andi %eq3A_1641, %eq3A_1675 : vector<256x128xi1>
    %jit3A_1711 = arith.constant 0.000000e+00 : f32
    %broadcast_in_dim3A_1712 = vector.broadcast %jit3A_1711 : f32 to vector<256x128xf32>
    %select_n3A_1713 = arith.select %and3A_1710, %dot_general3A_1616, %broadcast_in_dim3A_1712 : vector<256x128xi1>, vector<256x128xf32>
    %reduce_sum3A_1714 = arith.constant dense<0.000000e+00> : vector<128xf32>
    %reduce_sum3A_1715 = vector.multi_reduction <add>, %select_n3A_1713, %reduce_sum3A_1714 [0] : vector<256x128xf32> to vector<128xf32>
    %broadcast_in_dim3A_1716 = vector.shape_cast %reduce_sum3A_1715 : vector<128xf32> to vector<1x128xf32>
    %and3A_1717 = arith.andi %eq3A_1641, %eq3A_1709 : vector<256x128xi1>
    %jit3A_1718 = arith.constant 0.000000e+00 : f32
    %broadcast_in_dim3A_1719 = vector.broadcast %jit3A_1718 : f32 to vector<256x128xf32>
    %select_n3A_1720 = arith.select %and3A_1717, %dot_general3A_1616, %broadcast_in_dim3A_1719 : vector<256x128xi1>, vector<256x128xf32>
    %reduce_sum3A_1721 = arith.constant dense<0.000000e+00> : vector<128xf32>
    %reduce_sum3A_1722 = vector.multi_reduction <add>, %select_n3A_1720, %reduce_sum3A_1721 [0] : vector<256x128xf32> to vector<128xf32>
    %broadcast_in_dim3A_1723 = vector.shape_cast %reduce_sum3A_1722 : vector<128xf32> to vector<1x128xf32>
    %slice3A_1724 = vector.extract_strided_slice %select_n3A_217 {offsets = [13, 0], sizes = [1, 128], strides = [1, 1]} : vector<17x128xi32> to vector<1x128xi32>
    %eq3A_1725 = vector.broadcast %slice3A_1724 : vector<1x128xi32> to vector<128x128xi32>
    %eq3A_1726 = arith.cmpi eq, %iota3A, %eq3A_1725 : vector<128x128xi32>
    %convert_element_type3A_1727 = arith.extui %eq3A_1726 : vector<128x128xi1> to vector<128x128xi32>
    %convert_element_type3A_1728 = arith.sitofp %convert_element_type3A_1727 : vector<128x128xi32> to vector<128x128xf32>
    %dot_general3A_1729 = arith.constant dense<0.000000e+00> : vector<256x128xf32>
    %dot_general3A_1730 = tpu.matmul %reshape3A_22, %convert_element_type3A_1728, %dot_general3A_1729 {dimension_numbers = #tpu.dot_dimension_numbers<[1], [0], [0], [1], [0, 0, 1, 1], [], []>, transpose_lhs_hint = false} : vector<256x128xf32>, vector<128x128xf32>, vector<256x128xf32> -> vector<256x128xf32>
    %jit3A_1731 = arith.constant 128 : i32
    %eq3A_1732 = arith.constant 0 : i32
    %eq3A_1733 = arith.cmpi eq, %jit3A_1731, %eq3A_1732 : i32
    %jit3A_1734 = arith.constant 1 : i32
    %select_n3A_1735 = arith.select %eq3A_1733, %jit3A_1734, %jit3A_1731 : i32
    %rem3A_1736 = vector.broadcast %select_n3A_1735 : i32 to vector<256x128xi32>
    %rem3A_1737 = arith.remsi %iota3A_242, %rem3A_1736 : vector<256x128xi32>
    %ne3A_1738 = arith.constant 0 : i32
    %ne3A_1739 = vector.broadcast %ne3A_1738 : i32 to vector<256x128xi32>
    %ne3A_1740 = arith.cmpi ne, %rem3A_1737, %ne3A_1739 : vector<256x128xi32>
    %lt3A_1741 = arith.constant 0 : i32
    %lt3A_1742 = vector.broadcast %lt3A_1741 : i32 to vector<256x128xi32>
    %lt3A_1743 = arith.cmpi slt, %rem3A_1737, %lt3A_1742 : vector<256x128xi32>
    %lt3A_1744 = arith.constant 0 : i32
    %lt3A_1745 = arith.cmpi slt, %select_n3A_1735, %lt3A_1744 : i32
    %ne3A_1746 = vector.broadcast %lt3A_1745 : i1 to vector<256x128xi1>
    %ne3A_1747 = vector.broadcast %ne3A_1746 : vector<256x128xi1> to vector<256x128xi1>
    %ne3A_1748 = arith.xori %lt3A_1743, %ne3A_1747 : vector<256x128xi1>
    %and3A_1749 = arith.andi %ne3A_1748, %ne3A_1740 : vector<256x128xi1>
    %add3A_1750 = vector.broadcast %select_n3A_1735 : i32 to vector<256x128xi32>
    %add3A_1751 = arith.addi %rem3A_1737, %add3A_1750 : vector<256x128xi32>
    %select_n3A_1752 = arith.select %and3A_1749, %add3A_1751, %rem3A_1737 : vector<256x128xi1>, vector<256x128xi32>
    %slice3A_1753 = vector.extract_strided_slice %select_n3A_239 {offsets = [13, 0], sizes = [1, 128], strides = [1, 1]} : vector<17x128xi32> to vector<1x128xi32>
    %eq3A_1754 = vector.broadcast %slice3A_1753 : vector<1x128xi32> to vector<256x128xi32>
    %eq3A_1755 = arith.cmpi eq, %select_n3A_1752, %eq3A_1754 : vector<256x128xi32>
    %jit3A_1756 = arith.constant 128 : i32
    %div3A_1757 = vector.broadcast %jit3A_1756 : i32 to vector<256x128xi32>
    %div3A_1758 = arith.divsi %iota3A_242, %div3A_1757 : vector<256x128xi32>
    %sign3A_1759 = arith.constant 0 : i32
    %sign3A_1760 = vector.broadcast %sign3A_1759 : i32 to vector<256x128xi32>
    %sign3A_1761 = arith.cmpi sgt, %iota3A_242, %sign3A_1760 : vector<256x128xi32>
    %sign3A_1762 = arith.extui %sign3A_1761 : vector<256x128xi1> to vector<256x128xi32>
    %sign3A_1763 = arith.constant 0 : i32
    %sign3A_1764 = vector.broadcast %sign3A_1763 : i32 to vector<256x128xi32>
    %sign3A_1765 = arith.cmpi slt, %iota3A_242, %sign3A_1764 : vector<256x128xi32>
    %sign3A_1766 = arith.extui %sign3A_1765 : vector<256x128xi1> to vector<256x128xi32>
    %sign3A_1767 = arith.subi %sign3A_1762, %sign3A_1766 : vector<256x128xi32>
    %sign3A_1768 = arith.constant 0 : i32
    %sign3A_1769 = arith.cmpi sgt, %jit3A_1756, %sign3A_1768 : i32
    %sign3A_1770 = arith.extui %sign3A_1769 : i1 to i32
    %sign3A_1771 = arith.constant 0 : i32
    %sign3A_1772 = arith.cmpi slt, %jit3A_1756, %sign3A_1771 : i32
    %sign3A_1773 = arith.extui %sign3A_1772 : i1 to i32
    %sign3A_1774 = arith.subi %sign3A_1770, %sign3A_1773 : i32
    %ne3A_1775 = vector.broadcast %sign3A_1774 : i32 to vector<256x128xi32>
    %ne3A_1776 = arith.cmpi ne, %sign3A_1767, %ne3A_1775 : vector<256x128xi32>
    %rem3A_1777 = vector.broadcast %jit3A_1756 : i32 to vector<256x128xi32>
    %rem3A_1778 = arith.remsi %iota3A_242, %rem3A_1777 : vector<256x128xi32>
    %ne3A_1779 = arith.constant 0 : i32
    %ne3A_1780 = vector.broadcast %ne3A_1779 : i32 to vector<256x128xi32>
    %ne3A_1781 = arith.cmpi ne, %rem3A_1778, %ne3A_1780 : vector<256x128xi32>
    %and3A_1782 = arith.andi %ne3A_1776, %ne3A_1781 : vector<256x128xi1>
    %sub3A_1783 = arith.constant 1 : i32
    %sub3A_1784 = vector.broadcast %sub3A_1783 : i32 to vector<256x128xi32>
    %sub3A_1785 = arith.subi %div3A_1758, %sub3A_1784 : vector<256x128xi32>
    %select_n3A_1786 = arith.select %and3A_1782, %sub3A_1785, %div3A_1758 : vector<256x128xi1>, vector<256x128xi32>
    %eq3A_1787 = arith.constant 0 : i32
    %eq3A_1788 = vector.broadcast %eq3A_1787 : i32 to vector<256x128xi32>
    %eq3A_1789 = arith.cmpi eq, %select_n3A_1786, %eq3A_1788 : vector<256x128xi32>
    %jit3A_1790 = arith.constant 128 : i32
    %div3A_1791 = vector.broadcast %jit3A_1790 : i32 to vector<256x128xi32>
    %div3A_1792 = arith.divsi %iota3A_242, %div3A_1791 : vector<256x128xi32>
    %sign3A_1793 = arith.constant 0 : i32
    %sign3A_1794 = vector.broadcast %sign3A_1793 : i32 to vector<256x128xi32>
    %sign3A_1795 = arith.cmpi sgt, %iota3A_242, %sign3A_1794 : vector<256x128xi32>
    %sign3A_1796 = arith.extui %sign3A_1795 : vector<256x128xi1> to vector<256x128xi32>
    %sign3A_1797 = arith.constant 0 : i32
    %sign3A_1798 = vector.broadcast %sign3A_1797 : i32 to vector<256x128xi32>
    %sign3A_1799 = arith.cmpi slt, %iota3A_242, %sign3A_1798 : vector<256x128xi32>
    %sign3A_1800 = arith.extui %sign3A_1799 : vector<256x128xi1> to vector<256x128xi32>
    %sign3A_1801 = arith.subi %sign3A_1796, %sign3A_1800 : vector<256x128xi32>
    %sign3A_1802 = arith.constant 0 : i32
    %sign3A_1803 = arith.cmpi sgt, %jit3A_1790, %sign3A_1802 : i32
    %sign3A_1804 = arith.extui %sign3A_1803 : i1 to i32
    %sign3A_1805 = arith.constant 0 : i32
    %sign3A_1806 = arith.cmpi slt, %jit3A_1790, %sign3A_1805 : i32
    %sign3A_1807 = arith.extui %sign3A_1806 : i1 to i32
    %sign3A_1808 = arith.subi %sign3A_1804, %sign3A_1807 : i32
    %ne3A_1809 = vector.broadcast %sign3A_1808 : i32 to vector<256x128xi32>
    %ne3A_1810 = arith.cmpi ne, %sign3A_1801, %ne3A_1809 : vector<256x128xi32>
    %rem3A_1811 = vector.broadcast %jit3A_1790 : i32 to vector<256x128xi32>
    %rem3A_1812 = arith.remsi %iota3A_242, %rem3A_1811 : vector<256x128xi32>
    %ne3A_1813 = arith.constant 0 : i32
    %ne3A_1814 = vector.broadcast %ne3A_1813 : i32 to vector<256x128xi32>
    %ne3A_1815 = arith.cmpi ne, %rem3A_1812, %ne3A_1814 : vector<256x128xi32>
    %and3A_1816 = arith.andi %ne3A_1810, %ne3A_1815 : vector<256x128xi1>
    %sub3A_1817 = arith.constant 1 : i32
    %sub3A_1818 = vector.broadcast %sub3A_1817 : i32 to vector<256x128xi32>
    %sub3A_1819 = arith.subi %div3A_1792, %sub3A_1818 : vector<256x128xi32>
    %select_n3A_1820 = arith.select %and3A_1816, %sub3A_1819, %div3A_1792 : vector<256x128xi1>, vector<256x128xi32>
    %eq3A_1821 = arith.constant 1 : i32
    %eq3A_1822 = vector.broadcast %eq3A_1821 : i32 to vector<256x128xi32>
    %eq3A_1823 = arith.cmpi eq, %select_n3A_1820, %eq3A_1822 : vector<256x128xi32>
    %and3A_1824 = arith.andi %eq3A_1755, %eq3A_1789 : vector<256x128xi1>
    %jit3A_1825 = arith.constant 0.000000e+00 : f32
    %broadcast_in_dim3A_1826 = vector.broadcast %jit3A_1825 : f32 to vector<256x128xf32>
    %select_n3A_1827 = arith.select %and3A_1824, %dot_general3A_1730, %broadcast_in_dim3A_1826 : vector<256x128xi1>, vector<256x128xf32>
    %reduce_sum3A_1828 = arith.constant dense<0.000000e+00> : vector<128xf32>
    %reduce_sum3A_1829 = vector.multi_reduction <add>, %select_n3A_1827, %reduce_sum3A_1828 [0] : vector<256x128xf32> to vector<128xf32>
    %broadcast_in_dim3A_1830 = vector.shape_cast %reduce_sum3A_1829 : vector<128xf32> to vector<1x128xf32>
    %and3A_1831 = arith.andi %eq3A_1755, %eq3A_1823 : vector<256x128xi1>
    %jit3A_1832 = arith.constant 0.000000e+00 : f32
    %broadcast_in_dim3A_1833 = vector.broadcast %jit3A_1832 : f32 to vector<256x128xf32>
    %select_n3A_1834 = arith.select %and3A_1831, %dot_general3A_1730, %broadcast_in_dim3A_1833 : vector<256x128xi1>, vector<256x128xf32>
    %reduce_sum3A_1835 = arith.constant dense<0.000000e+00> : vector<128xf32>
    %reduce_sum3A_1836 = vector.multi_reduction <add>, %select_n3A_1834, %reduce_sum3A_1835 [0] : vector<256x128xf32> to vector<128xf32>
    %broadcast_in_dim3A_1837 = vector.shape_cast %reduce_sum3A_1836 : vector<128xf32> to vector<1x128xf32>
    %slice3A_1838 = vector.extract_strided_slice %select_n3A_217 {offsets = [14, 0], sizes = [1, 128], strides = [1, 1]} : vector<17x128xi32> to vector<1x128xi32>
    %eq3A_1839 = vector.broadcast %slice3A_1838 : vector<1x128xi32> to vector<128x128xi32>
    %eq3A_1840 = arith.cmpi eq, %iota3A, %eq3A_1839 : vector<128x128xi32>
    %convert_element_type3A_1841 = arith.extui %eq3A_1840 : vector<128x128xi1> to vector<128x128xi32>
    %convert_element_type3A_1842 = arith.sitofp %convert_element_type3A_1841 : vector<128x128xi32> to vector<128x128xf32>
    %dot_general3A_1843 = arith.constant dense<0.000000e+00> : vector<256x128xf32>
    %dot_general3A_1844 = tpu.matmul %reshape3A_22, %convert_element_type3A_1842, %dot_general3A_1843 {dimension_numbers = #tpu.dot_dimension_numbers<[1], [0], [0], [1], [0, 0, 1, 1], [], []>, transpose_lhs_hint = false} : vector<256x128xf32>, vector<128x128xf32>, vector<256x128xf32> -> vector<256x128xf32>
    %jit3A_1845 = arith.constant 128 : i32
    %eq3A_1846 = arith.constant 0 : i32
    %eq3A_1847 = arith.cmpi eq, %jit3A_1845, %eq3A_1846 : i32
    %jit3A_1848 = arith.constant 1 : i32
    %select_n3A_1849 = arith.select %eq3A_1847, %jit3A_1848, %jit3A_1845 : i32
    %rem3A_1850 = vector.broadcast %select_n3A_1849 : i32 to vector<256x128xi32>
    %rem3A_1851 = arith.remsi %iota3A_242, %rem3A_1850 : vector<256x128xi32>
    %ne3A_1852 = arith.constant 0 : i32
    %ne3A_1853 = vector.broadcast %ne3A_1852 : i32 to vector<256x128xi32>
    %ne3A_1854 = arith.cmpi ne, %rem3A_1851, %ne3A_1853 : vector<256x128xi32>
    %lt3A_1855 = arith.constant 0 : i32
    %lt3A_1856 = vector.broadcast %lt3A_1855 : i32 to vector<256x128xi32>
    %lt3A_1857 = arith.cmpi slt, %rem3A_1851, %lt3A_1856 : vector<256x128xi32>
    %lt3A_1858 = arith.constant 0 : i32
    %lt3A_1859 = arith.cmpi slt, %select_n3A_1849, %lt3A_1858 : i32
    %ne3A_1860 = vector.broadcast %lt3A_1859 : i1 to vector<256x128xi1>
    %ne3A_1861 = vector.broadcast %ne3A_1860 : vector<256x128xi1> to vector<256x128xi1>
    %ne3A_1862 = arith.xori %lt3A_1857, %ne3A_1861 : vector<256x128xi1>
    %and3A_1863 = arith.andi %ne3A_1862, %ne3A_1854 : vector<256x128xi1>
    %add3A_1864 = vector.broadcast %select_n3A_1849 : i32 to vector<256x128xi32>
    %add3A_1865 = arith.addi %rem3A_1851, %add3A_1864 : vector<256x128xi32>
    %select_n3A_1866 = arith.select %and3A_1863, %add3A_1865, %rem3A_1851 : vector<256x128xi1>, vector<256x128xi32>
    %slice3A_1867 = vector.extract_strided_slice %select_n3A_239 {offsets = [14, 0], sizes = [1, 128], strides = [1, 1]} : vector<17x128xi32> to vector<1x128xi32>
    %eq3A_1868 = vector.broadcast %slice3A_1867 : vector<1x128xi32> to vector<256x128xi32>
    %eq3A_1869 = arith.cmpi eq, %select_n3A_1866, %eq3A_1868 : vector<256x128xi32>
    %jit3A_1870 = arith.constant 128 : i32
    %div3A_1871 = vector.broadcast %jit3A_1870 : i32 to vector<256x128xi32>
    %div3A_1872 = arith.divsi %iota3A_242, %div3A_1871 : vector<256x128xi32>
    %sign3A_1873 = arith.constant 0 : i32
    %sign3A_1874 = vector.broadcast %sign3A_1873 : i32 to vector<256x128xi32>
    %sign3A_1875 = arith.cmpi sgt, %iota3A_242, %sign3A_1874 : vector<256x128xi32>
    %sign3A_1876 = arith.extui %sign3A_1875 : vector<256x128xi1> to vector<256x128xi32>
    %sign3A_1877 = arith.constant 0 : i32
    %sign3A_1878 = vector.broadcast %sign3A_1877 : i32 to vector<256x128xi32>
    %sign3A_1879 = arith.cmpi slt, %iota3A_242, %sign3A_1878 : vector<256x128xi32>
    %sign3A_1880 = arith.extui %sign3A_1879 : vector<256x128xi1> to vector<256x128xi32>
    %sign3A_1881 = arith.subi %sign3A_1876, %sign3A_1880 : vector<256x128xi32>
    %sign3A_1882 = arith.constant 0 : i32
    %sign3A_1883 = arith.cmpi sgt, %jit3A_1870, %sign3A_1882 : i32
    %sign3A_1884 = arith.extui %sign3A_1883 : i1 to i32
    %sign3A_1885 = arith.constant 0 : i32
    %sign3A_1886 = arith.cmpi slt, %jit3A_1870, %sign3A_1885 : i32
    %sign3A_1887 = arith.extui %sign3A_1886 : i1 to i32
    %sign3A_1888 = arith.subi %sign3A_1884, %sign3A_1887 : i32
    %ne3A_1889 = vector.broadcast %sign3A_1888 : i32 to vector<256x128xi32>
    %ne3A_1890 = arith.cmpi ne, %sign3A_1881, %ne3A_1889 : vector<256x128xi32>
    %rem3A_1891 = vector.broadcast %jit3A_1870 : i32 to vector<256x128xi32>
    %rem3A_1892 = arith.remsi %iota3A_242, %rem3A_1891 : vector<256x128xi32>
    %ne3A_1893 = arith.constant 0 : i32
    %ne3A_1894 = vector.broadcast %ne3A_1893 : i32 to vector<256x128xi32>
    %ne3A_1895 = arith.cmpi ne, %rem3A_1892, %ne3A_1894 : vector<256x128xi32>
    %and3A_1896 = arith.andi %ne3A_1890, %ne3A_1895 : vector<256x128xi1>
    %sub3A_1897 = arith.constant 1 : i32
    %sub3A_1898 = vector.broadcast %sub3A_1897 : i32 to vector<256x128xi32>
    %sub3A_1899 = arith.subi %div3A_1872, %sub3A_1898 : vector<256x128xi32>
    %select_n3A_1900 = arith.select %and3A_1896, %sub3A_1899, %div3A_1872 : vector<256x128xi1>, vector<256x128xi32>
    %eq3A_1901 = arith.constant 0 : i32
    %eq3A_1902 = vector.broadcast %eq3A_1901 : i32 to vector<256x128xi32>
    %eq3A_1903 = arith.cmpi eq, %select_n3A_1900, %eq3A_1902 : vector<256x128xi32>
    %jit3A_1904 = arith.constant 128 : i32
    %div3A_1905 = vector.broadcast %jit3A_1904 : i32 to vector<256x128xi32>
    %div3A_1906 = arith.divsi %iota3A_242, %div3A_1905 : vector<256x128xi32>
    %sign3A_1907 = arith.constant 0 : i32
    %sign3A_1908 = vector.broadcast %sign3A_1907 : i32 to vector<256x128xi32>
    %sign3A_1909 = arith.cmpi sgt, %iota3A_242, %sign3A_1908 : vector<256x128xi32>
    %sign3A_1910 = arith.extui %sign3A_1909 : vector<256x128xi1> to vector<256x128xi32>
    %sign3A_1911 = arith.constant 0 : i32
    %sign3A_1912 = vector.broadcast %sign3A_1911 : i32 to vector<256x128xi32>
    %sign3A_1913 = arith.cmpi slt, %iota3A_242, %sign3A_1912 : vector<256x128xi32>
    %sign3A_1914 = arith.extui %sign3A_1913 : vector<256x128xi1> to vector<256x128xi32>
    %sign3A_1915 = arith.subi %sign3A_1910, %sign3A_1914 : vector<256x128xi32>
    %sign3A_1916 = arith.constant 0 : i32
    %sign3A_1917 = arith.cmpi sgt, %jit3A_1904, %sign3A_1916 : i32
    %sign3A_1918 = arith.extui %sign3A_1917 : i1 to i32
    %sign3A_1919 = arith.constant 0 : i32
    %sign3A_1920 = arith.cmpi slt, %jit3A_1904, %sign3A_1919 : i32
    %sign3A_1921 = arith.extui %sign3A_1920 : i1 to i32
    %sign3A_1922 = arith.subi %sign3A_1918, %sign3A_1921 : i32
    %ne3A_1923 = vector.broadcast %sign3A_1922 : i32 to vector<256x128xi32>
    %ne3A_1924 = arith.cmpi ne, %sign3A_1915, %ne3A_1923 : vector<256x128xi32>
    %rem3A_1925 = vector.broadcast %jit3A_1904 : i32 to vector<256x128xi32>
    %rem3A_1926 = arith.remsi %iota3A_242, %rem3A_1925 : vector<256x128xi32>
    %ne3A_1927 = arith.constant 0 : i32
    %ne3A_1928 = vector.broadcast %ne3A_1927 : i32 to vector<256x128xi32>
    %ne3A_1929 = arith.cmpi ne, %rem3A_1926, %ne3A_1928 : vector<256x128xi32>
    %and3A_1930 = arith.andi %ne3A_1924, %ne3A_1929 : vector<256x128xi1>
    %sub3A_1931 = arith.constant 1 : i32
    %sub3A_1932 = vector.broadcast %sub3A_1931 : i32 to vector<256x128xi32>
    %sub3A_1933 = arith.subi %div3A_1906, %sub3A_1932 : vector<256x128xi32>
    %select_n3A_1934 = arith.select %and3A_1930, %sub3A_1933, %div3A_1906 : vector<256x128xi1>, vector<256x128xi32>
    %eq3A_1935 = arith.constant 1 : i32
    %eq3A_1936 = vector.broadcast %eq3A_1935 : i32 to vector<256x128xi32>
    %eq3A_1937 = arith.cmpi eq, %select_n3A_1934, %eq3A_1936 : vector<256x128xi32>
    %and3A_1938 = arith.andi %eq3A_1869, %eq3A_1903 : vector<256x128xi1>
    %jit3A_1939 = arith.constant 0.000000e+00 : f32
    %broadcast_in_dim3A_1940 = vector.broadcast %jit3A_1939 : f32 to vector<256x128xf32>
    %select_n3A_1941 = arith.select %and3A_1938, %dot_general3A_1844, %broadcast_in_dim3A_1940 : vector<256x128xi1>, vector<256x128xf32>
    %reduce_sum3A_1942 = arith.constant dense<0.000000e+00> : vector<128xf32>
    %reduce_sum3A_1943 = vector.multi_reduction <add>, %select_n3A_1941, %reduce_sum3A_1942 [0] : vector<256x128xf32> to vector<128xf32>
    %broadcast_in_dim3A_1944 = vector.shape_cast %reduce_sum3A_1943 : vector<128xf32> to vector<1x128xf32>
    %and3A_1945 = arith.andi %eq3A_1869, %eq3A_1937 : vector<256x128xi1>
    %jit3A_1946 = arith.constant 0.000000e+00 : f32
    %broadcast_in_dim3A_1947 = vector.broadcast %jit3A_1946 : f32 to vector<256x128xf32>
    %select_n3A_1948 = arith.select %and3A_1945, %dot_general3A_1844, %broadcast_in_dim3A_1947 : vector<256x128xi1>, vector<256x128xf32>
    %reduce_sum3A_1949 = arith.constant dense<0.000000e+00> : vector<128xf32>
    %reduce_sum3A_1950 = vector.multi_reduction <add>, %select_n3A_1948, %reduce_sum3A_1949 [0] : vector<256x128xf32> to vector<128xf32>
    %broadcast_in_dim3A_1951 = vector.shape_cast %reduce_sum3A_1950 : vector<128xf32> to vector<1x128xf32>
    %slice3A_1952 = vector.extract_strided_slice %select_n3A_217 {offsets = [15, 0], sizes = [1, 128], strides = [1, 1]} : vector<17x128xi32> to vector<1x128xi32>
    %eq3A_1953 = vector.broadcast %slice3A_1952 : vector<1x128xi32> to vector<128x128xi32>
    %eq3A_1954 = arith.cmpi eq, %iota3A, %eq3A_1953 : vector<128x128xi32>
    %convert_element_type3A_1955 = arith.extui %eq3A_1954 : vector<128x128xi1> to vector<128x128xi32>
    %convert_element_type3A_1956 = arith.sitofp %convert_element_type3A_1955 : vector<128x128xi32> to vector<128x128xf32>
    %dot_general3A_1957 = arith.constant dense<0.000000e+00> : vector<256x128xf32>
    %dot_general3A_1958 = tpu.matmul %reshape3A_22, %convert_element_type3A_1956, %dot_general3A_1957 {dimension_numbers = #tpu.dot_dimension_numbers<[1], [0], [0], [1], [0, 0, 1, 1], [], []>, transpose_lhs_hint = false} : vector<256x128xf32>, vector<128x128xf32>, vector<256x128xf32> -> vector<256x128xf32>
    %jit3A_1959 = arith.constant 128 : i32
    %eq3A_1960 = arith.constant 0 : i32
    %eq3A_1961 = arith.cmpi eq, %jit3A_1959, %eq3A_1960 : i32
    %jit3A_1962 = arith.constant 1 : i32
    %select_n3A_1963 = arith.select %eq3A_1961, %jit3A_1962, %jit3A_1959 : i32
    %rem3A_1964 = vector.broadcast %select_n3A_1963 : i32 to vector<256x128xi32>
    %rem3A_1965 = arith.remsi %iota3A_242, %rem3A_1964 : vector<256x128xi32>
    %ne3A_1966 = arith.constant 0 : i32
    %ne3A_1967 = vector.broadcast %ne3A_1966 : i32 to vector<256x128xi32>
    %ne3A_1968 = arith.cmpi ne, %rem3A_1965, %ne3A_1967 : vector<256x128xi32>
    %lt3A_1969 = arith.constant 0 : i32
    %lt3A_1970 = vector.broadcast %lt3A_1969 : i32 to vector<256x128xi32>
    %lt3A_1971 = arith.cmpi slt, %rem3A_1965, %lt3A_1970 : vector<256x128xi32>
    %lt3A_1972 = arith.constant 0 : i32
    %lt3A_1973 = arith.cmpi slt, %select_n3A_1963, %lt3A_1972 : i32
    %ne3A_1974 = vector.broadcast %lt3A_1973 : i1 to vector<256x128xi1>
    %ne3A_1975 = vector.broadcast %ne3A_1974 : vector<256x128xi1> to vector<256x128xi1>
    %ne3A_1976 = arith.xori %lt3A_1971, %ne3A_1975 : vector<256x128xi1>
    %and3A_1977 = arith.andi %ne3A_1976, %ne3A_1968 : vector<256x128xi1>
    %add3A_1978 = vector.broadcast %select_n3A_1963 : i32 to vector<256x128xi32>
    %add3A_1979 = arith.addi %rem3A_1965, %add3A_1978 : vector<256x128xi32>
    %select_n3A_1980 = arith.select %and3A_1977, %add3A_1979, %rem3A_1965 : vector<256x128xi1>, vector<256x128xi32>
    %slice3A_1981 = vector.extract_strided_slice %select_n3A_239 {offsets = [15, 0], sizes = [1, 128], strides = [1, 1]} : vector<17x128xi32> to vector<1x128xi32>
    %eq3A_1982 = vector.broadcast %slice3A_1981 : vector<1x128xi32> to vector<256x128xi32>
    %eq3A_1983 = arith.cmpi eq, %select_n3A_1980, %eq3A_1982 : vector<256x128xi32>
    %jit3A_1984 = arith.constant 128 : i32
    %div3A_1985 = vector.broadcast %jit3A_1984 : i32 to vector<256x128xi32>
    %div3A_1986 = arith.divsi %iota3A_242, %div3A_1985 : vector<256x128xi32>
    %sign3A_1987 = arith.constant 0 : i32
    %sign3A_1988 = vector.broadcast %sign3A_1987 : i32 to vector<256x128xi32>
    %sign3A_1989 = arith.cmpi sgt, %iota3A_242, %sign3A_1988 : vector<256x128xi32>
    %sign3A_1990 = arith.extui %sign3A_1989 : vector<256x128xi1> to vector<256x128xi32>
    %sign3A_1991 = arith.constant 0 : i32
    %sign3A_1992 = vector.broadcast %sign3A_1991 : i32 to vector<256x128xi32>
    %sign3A_1993 = arith.cmpi slt, %iota3A_242, %sign3A_1992 : vector<256x128xi32>
    %sign3A_1994 = arith.extui %sign3A_1993 : vector<256x128xi1> to vector<256x128xi32>
    %sign3A_1995 = arith.subi %sign3A_1990, %sign3A_1994 : vector<256x128xi32>
    %sign3A_1996 = arith.constant 0 : i32
    %sign3A_1997 = arith.cmpi sgt, %jit3A_1984, %sign3A_1996 : i32
    %sign3A_1998 = arith.extui %sign3A_1997 : i1 to i32
    %sign3A_1999 = arith.constant 0 : i32
    %sign3A_2000 = arith.cmpi slt, %jit3A_1984, %sign3A_1999 : i32
    %sign3A_2001 = arith.extui %sign3A_2000 : i1 to i32
    %sign3A_2002 = arith.subi %sign3A_1998, %sign3A_2001 : i32
    %ne3A_2003 = vector.broadcast %sign3A_2002 : i32 to vector<256x128xi32>
    %ne3A_2004 = arith.cmpi ne, %sign3A_1995, %ne3A_2003 : vector<256x128xi32>
    %rem3A_2005 = vector.broadcast %jit3A_1984 : i32 to vector<256x128xi32>
    %rem3A_2006 = arith.remsi %iota3A_242, %rem3A_2005 : vector<256x128xi32>
    %ne3A_2007 = arith.constant 0 : i32
    %ne3A_2008 = vector.broadcast %ne3A_2007 : i32 to vector<256x128xi32>
    %ne3A_2009 = arith.cmpi ne, %rem3A_2006, %ne3A_2008 : vector<256x128xi32>
    %and3A_2010 = arith.andi %ne3A_2004, %ne3A_2009 : vector<256x128xi1>
    %sub3A_2011 = arith.constant 1 : i32
    %sub3A_2012 = vector.broadcast %sub3A_2011 : i32 to vector<256x128xi32>
    %sub3A_2013 = arith.subi %div3A_1986, %sub3A_2012 : vector<256x128xi32>
    %select_n3A_2014 = arith.select %and3A_2010, %sub3A_2013, %div3A_1986 : vector<256x128xi1>, vector<256x128xi32>
    %eq3A_2015 = arith.constant 0 : i32
    %eq3A_2016 = vector.broadcast %eq3A_2015 : i32 to vector<256x128xi32>
    %eq3A_2017 = arith.cmpi eq, %select_n3A_2014, %eq3A_2016 : vector<256x128xi32>
    %jit3A_2018 = arith.constant 128 : i32
    %div3A_2019 = vector.broadcast %jit3A_2018 : i32 to vector<256x128xi32>
    %div3A_2020 = arith.divsi %iota3A_242, %div3A_2019 : vector<256x128xi32>
    %sign3A_2021 = arith.constant 0 : i32
    %sign3A_2022 = vector.broadcast %sign3A_2021 : i32 to vector<256x128xi32>
    %sign3A_2023 = arith.cmpi sgt, %iota3A_242, %sign3A_2022 : vector<256x128xi32>
    %sign3A_2024 = arith.extui %sign3A_2023 : vector<256x128xi1> to vector<256x128xi32>
    %sign3A_2025 = arith.constant 0 : i32
    %sign3A_2026 = vector.broadcast %sign3A_2025 : i32 to vector<256x128xi32>
    %sign3A_2027 = arith.cmpi slt, %iota3A_242, %sign3A_2026 : vector<256x128xi32>
    %sign3A_2028 = arith.extui %sign3A_2027 : vector<256x128xi1> to vector<256x128xi32>
    %sign3A_2029 = arith.subi %sign3A_2024, %sign3A_2028 : vector<256x128xi32>
    %sign3A_2030 = arith.constant 0 : i32
    %sign3A_2031 = arith.cmpi sgt, %jit3A_2018, %sign3A_2030 : i32
    %sign3A_2032 = arith.extui %sign3A_2031 : i1 to i32
    %sign3A_2033 = arith.constant 0 : i32
    %sign3A_2034 = arith.cmpi slt, %jit3A_2018, %sign3A_2033 : i32
    %sign3A_2035 = arith.extui %sign3A_2034 : i1 to i32
    %sign3A_2036 = arith.subi %sign3A_2032, %sign3A_2035 : i32
    %ne3A_2037 = vector.broadcast %sign3A_2036 : i32 to vector<256x128xi32>
    %ne3A_2038 = arith.cmpi ne, %sign3A_2029, %ne3A_2037 : vector<256x128xi32>
    %rem3A_2039 = vector.broadcast %jit3A_2018 : i32 to vector<256x128xi32>
    %rem3A_2040 = arith.remsi %iota3A_242, %rem3A_2039 : vector<256x128xi32>
    %ne3A_2041 = arith.constant 0 : i32
    %ne3A_2042 = vector.broadcast %ne3A_2041 : i32 to vector<256x128xi32>
    %ne3A_2043 = arith.cmpi ne, %rem3A_2040, %ne3A_2042 : vector<256x128xi32>
    %and3A_2044 = arith.andi %ne3A_2038, %ne3A_2043 : vector<256x128xi1>
    %sub3A_2045 = arith.constant 1 : i32
    %sub3A_2046 = vector.broadcast %sub3A_2045 : i32 to vector<256x128xi32>
    %sub3A_2047 = arith.subi %div3A_2020, %sub3A_2046 : vector<256x128xi32>
    %select_n3A_2048 = arith.select %and3A_2044, %sub3A_2047, %div3A_2020 : vector<256x128xi1>, vector<256x128xi32>
    %eq3A_2049 = arith.constant 1 : i32
    %eq3A_2050 = vector.broadcast %eq3A_2049 : i32 to vector<256x128xi32>
    %eq3A_2051 = arith.cmpi eq, %select_n3A_2048, %eq3A_2050 : vector<256x128xi32>
    %and3A_2052 = arith.andi %eq3A_1983, %eq3A_2017 : vector<256x128xi1>
    %jit3A_2053 = arith.constant 0.000000e+00 : f32
    %broadcast_in_dim3A_2054 = vector.broadcast %jit3A_2053 : f32 to vector<256x128xf32>
    %select_n3A_2055 = arith.select %and3A_2052, %dot_general3A_1958, %broadcast_in_dim3A_2054 : vector<256x128xi1>, vector<256x128xf32>
    %reduce_sum3A_2056 = arith.constant dense<0.000000e+00> : vector<128xf32>
    %reduce_sum3A_2057 = vector.multi_reduction <add>, %select_n3A_2055, %reduce_sum3A_2056 [0] : vector<256x128xf32> to vector<128xf32>
    %broadcast_in_dim3A_2058 = vector.shape_cast %reduce_sum3A_2057 : vector<128xf32> to vector<1x128xf32>
    %and3A_2059 = arith.andi %eq3A_1983, %eq3A_2051 : vector<256x128xi1>
    %jit3A_2060 = arith.constant 0.000000e+00 : f32
    %broadcast_in_dim3A_2061 = vector.broadcast %jit3A_2060 : f32 to vector<256x128xf32>
    %select_n3A_2062 = arith.select %and3A_2059, %dot_general3A_1958, %broadcast_in_dim3A_2061 : vector<256x128xi1>, vector<256x128xf32>
    %reduce_sum3A_2063 = arith.constant dense<0.000000e+00> : vector<128xf32>
    %reduce_sum3A_2064 = vector.multi_reduction <add>, %select_n3A_2062, %reduce_sum3A_2063 [0] : vector<256x128xf32> to vector<128xf32>
    %broadcast_in_dim3A_2065 = vector.shape_cast %reduce_sum3A_2064 : vector<128xf32> to vector<1x128xf32>
    %slice3A_2066 = vector.extract_strided_slice %select_n3A_217 {offsets = [16, 0], sizes = [1, 128], strides = [1, 1]} : vector<17x128xi32> to vector<1x128xi32>
    %eq3A_2067 = vector.broadcast %slice3A_2066 : vector<1x128xi32> to vector<128x128xi32>
    %eq3A_2068 = arith.cmpi eq, %iota3A, %eq3A_2067 : vector<128x128xi32>
    %convert_element_type3A_2069 = arith.extui %eq3A_2068 : vector<128x128xi1> to vector<128x128xi32>
    %convert_element_type3A_2070 = arith.sitofp %convert_element_type3A_2069 : vector<128x128xi32> to vector<128x128xf32>
    %dot_general3A_2071 = arith.constant dense<0.000000e+00> : vector<256x128xf32>
    %dot_general3A_2072 = tpu.matmul %reshape3A_22, %convert_element_type3A_2070, %dot_general3A_2071 {dimension_numbers = #tpu.dot_dimension_numbers<[1], [0], [0], [1], [0, 0, 1, 1], [], []>, transpose_lhs_hint = false} : vector<256x128xf32>, vector<128x128xf32>, vector<256x128xf32> -> vector<256x128xf32>
    %jit3A_2073 = arith.constant 128 : i32
    %eq3A_2074 = arith.constant 0 : i32
    %eq3A_2075 = arith.cmpi eq, %jit3A_2073, %eq3A_2074 : i32
    %jit3A_2076 = arith.constant 1 : i32
    %select_n3A_2077 = arith.select %eq3A_2075, %jit3A_2076, %jit3A_2073 : i32
    %rem3A_2078 = vector.broadcast %select_n3A_2077 : i32 to vector<256x128xi32>
    %rem3A_2079 = arith.remsi %iota3A_242, %rem3A_2078 : vector<256x128xi32>
    %ne3A_2080 = arith.constant 0 : i32
    %ne3A_2081 = vector.broadcast %ne3A_2080 : i32 to vector<256x128xi32>
    %ne3A_2082 = arith.cmpi ne, %rem3A_2079, %ne3A_2081 : vector<256x128xi32>
    %lt3A_2083 = arith.constant 0 : i32
    %lt3A_2084 = vector.broadcast %lt3A_2083 : i32 to vector<256x128xi32>
    %lt3A_2085 = arith.cmpi slt, %rem3A_2079, %lt3A_2084 : vector<256x128xi32>
    %lt3A_2086 = arith.constant 0 : i32
    %lt3A_2087 = arith.cmpi slt, %select_n3A_2077, %lt3A_2086 : i32
    %ne3A_2088 = vector.broadcast %lt3A_2087 : i1 to vector<256x128xi1>
    %ne3A_2089 = vector.broadcast %ne3A_2088 : vector<256x128xi1> to vector<256x128xi1>
    %ne3A_2090 = arith.xori %lt3A_2085, %ne3A_2089 : vector<256x128xi1>
    %and3A_2091 = arith.andi %ne3A_2090, %ne3A_2082 : vector<256x128xi1>
    %add3A_2092 = vector.broadcast %select_n3A_2077 : i32 to vector<256x128xi32>
    %add3A_2093 = arith.addi %rem3A_2079, %add3A_2092 : vector<256x128xi32>
    %select_n3A_2094 = arith.select %and3A_2091, %add3A_2093, %rem3A_2079 : vector<256x128xi1>, vector<256x128xi32>
    %slice3A_2095 = vector.extract_strided_slice %select_n3A_239 {offsets = [16, 0], sizes = [1, 128], strides = [1, 1]} : vector<17x128xi32> to vector<1x128xi32>
    %eq3A_2096 = vector.broadcast %slice3A_2095 : vector<1x128xi32> to vector<256x128xi32>
    %eq3A_2097 = arith.cmpi eq, %select_n3A_2094, %eq3A_2096 : vector<256x128xi32>
    %jit3A_2098 = arith.constant 128 : i32
    %div3A_2099 = vector.broadcast %jit3A_2098 : i32 to vector<256x128xi32>
    %div3A_2100 = arith.divsi %iota3A_242, %div3A_2099 : vector<256x128xi32>
    %sign3A_2101 = arith.constant 0 : i32
    %sign3A_2102 = vector.broadcast %sign3A_2101 : i32 to vector<256x128xi32>
    %sign3A_2103 = arith.cmpi sgt, %iota3A_242, %sign3A_2102 : vector<256x128xi32>
    %sign3A_2104 = arith.extui %sign3A_2103 : vector<256x128xi1> to vector<256x128xi32>
    %sign3A_2105 = arith.constant 0 : i32
    %sign3A_2106 = vector.broadcast %sign3A_2105 : i32 to vector<256x128xi32>
    %sign3A_2107 = arith.cmpi slt, %iota3A_242, %sign3A_2106 : vector<256x128xi32>
    %sign3A_2108 = arith.extui %sign3A_2107 : vector<256x128xi1> to vector<256x128xi32>
    %sign3A_2109 = arith.subi %sign3A_2104, %sign3A_2108 : vector<256x128xi32>
    %sign3A_2110 = arith.constant 0 : i32
    %sign3A_2111 = arith.cmpi sgt, %jit3A_2098, %sign3A_2110 : i32
    %sign3A_2112 = arith.extui %sign3A_2111 : i1 to i32
    %sign3A_2113 = arith.constant 0 : i32
    %sign3A_2114 = arith.cmpi slt, %jit3A_2098, %sign3A_2113 : i32
    %sign3A_2115 = arith.extui %sign3A_2114 : i1 to i32
    %sign3A_2116 = arith.subi %sign3A_2112, %sign3A_2115 : i32
    %ne3A_2117 = vector.broadcast %sign3A_2116 : i32 to vector<256x128xi32>
    %ne3A_2118 = arith.cmpi ne, %sign3A_2109, %ne3A_2117 : vector<256x128xi32>
    %rem3A_2119 = vector.broadcast %jit3A_2098 : i32 to vector<256x128xi32>
    %rem3A_2120 = arith.remsi %iota3A_242, %rem3A_2119 : vector<256x128xi32>
    %ne3A_2121 = arith.constant 0 : i32
    %ne3A_2122 = vector.broadcast %ne3A_2121 : i32 to vector<256x128xi32>
    %ne3A_2123 = arith.cmpi ne, %rem3A_2120, %ne3A_2122 : vector<256x128xi32>
    %and3A_2124 = arith.andi %ne3A_2118, %ne3A_2123 : vector<256x128xi1>
    %sub3A_2125 = arith.constant 1 : i32
    %sub3A_2126 = vector.broadcast %sub3A_2125 : i32 to vector<256x128xi32>
    %sub3A_2127 = arith.subi %div3A_2100, %sub3A_2126 : vector<256x128xi32>
    %select_n3A_2128 = arith.select %and3A_2124, %sub3A_2127, %div3A_2100 : vector<256x128xi1>, vector<256x128xi32>
    %eq3A_2129 = arith.constant 0 : i32
    %eq3A_2130 = vector.broadcast %eq3A_2129 : i32 to vector<256x128xi32>
    %eq3A_2131 = arith.cmpi eq, %select_n3A_2128, %eq3A_2130 : vector<256x128xi32>
    %jit3A_2132 = arith.constant 128 : i32
    %div3A_2133 = vector.broadcast %jit3A_2132 : i32 to vector<256x128xi32>
    %div3A_2134 = arith.divsi %iota3A_242, %div3A_2133 : vector<256x128xi32>
    %sign3A_2135 = arith.constant 0 : i32
    %sign3A_2136 = vector.broadcast %sign3A_2135 : i32 to vector<256x128xi32>
    %sign3A_2137 = arith.cmpi sgt, %iota3A_242, %sign3A_2136 : vector<256x128xi32>
    %sign3A_2138 = arith.extui %sign3A_2137 : vector<256x128xi1> to vector<256x128xi32>
    %sign3A_2139 = arith.constant 0 : i32
    %sign3A_2140 = vector.broadcast %sign3A_2139 : i32 to vector<256x128xi32>
    %sign3A_2141 = arith.cmpi slt, %iota3A_242, %sign3A_2140 : vector<256x128xi32>
    %sign3A_2142 = arith.extui %sign3A_2141 : vector<256x128xi1> to vector<256x128xi32>
    %sign3A_2143 = arith.subi %sign3A_2138, %sign3A_2142 : vector<256x128xi32>
    %sign3A_2144 = arith.constant 0 : i32
    %sign3A_2145 = arith.cmpi sgt, %jit3A_2132, %sign3A_2144 : i32
    %sign3A_2146 = arith.extui %sign3A_2145 : i1 to i32
    %sign3A_2147 = arith.constant 0 : i32
    %sign3A_2148 = arith.cmpi slt, %jit3A_2132, %sign3A_2147 : i32
    %sign3A_2149 = arith.extui %sign3A_2148 : i1 to i32
    %sign3A_2150 = arith.subi %sign3A_2146, %sign3A_2149 : i32
    %ne3A_2151 = vector.broadcast %sign3A_2150 : i32 to vector<256x128xi32>
    %ne3A_2152 = arith.cmpi ne, %sign3A_2143, %ne3A_2151 : vector<256x128xi32>
    %rem3A_2153 = vector.broadcast %jit3A_2132 : i32 to vector<256x128xi32>
    %rem3A_2154 = arith.remsi %iota3A_242, %rem3A_2153 : vector<256x128xi32>
    %ne3A_2155 = arith.constant 0 : i32
    %ne3A_2156 = vector.broadcast %ne3A_2155 : i32 to vector<256x128xi32>
    %ne3A_2157 = arith.cmpi ne, %rem3A_2154, %ne3A_2156 : vector<256x128xi32>
    %and3A_2158 = arith.andi %ne3A_2152, %ne3A_2157 : vector<256x128xi1>
    %sub3A_2159 = arith.constant 1 : i32
    %sub3A_2160 = vector.broadcast %sub3A_2159 : i32 to vector<256x128xi32>
    %sub3A_2161 = arith.subi %div3A_2134, %sub3A_2160 : vector<256x128xi32>
    %select_n3A_2162 = arith.select %and3A_2158, %sub3A_2161, %div3A_2134 : vector<256x128xi1>, vector<256x128xi32>
    %eq3A_2163 = arith.constant 1 : i32
    %eq3A_2164 = vector.broadcast %eq3A_2163 : i32 to vector<256x128xi32>
    %eq3A_2165 = arith.cmpi eq, %select_n3A_2162, %eq3A_2164 : vector<256x128xi32>
    %and3A_2166 = arith.andi %eq3A_2097, %eq3A_2131 : vector<256x128xi1>
    %jit3A_2167 = arith.constant 0.000000e+00 : f32
    %broadcast_in_dim3A_2168 = vector.broadcast %jit3A_2167 : f32 to vector<256x128xf32>
    %select_n3A_2169 = arith.select %and3A_2166, %dot_general3A_2072, %broadcast_in_dim3A_2168 : vector<256x128xi1>, vector<256x128xf32>
    %reduce_sum3A_2170 = arith.constant dense<0.000000e+00> : vector<128xf32>
    %reduce_sum3A_2171 = vector.multi_reduction <add>, %select_n3A_2169, %reduce_sum3A_2170 [0] : vector<256x128xf32> to vector<128xf32>
    %broadcast_in_dim3A_2172 = vector.shape_cast %reduce_sum3A_2171 : vector<128xf32> to vector<1x128xf32>
    %and3A_2173 = arith.andi %eq3A_2097, %eq3A_2165 : vector<256x128xi1>
    %jit3A_2174 = arith.constant 0.000000e+00 : f32
    %broadcast_in_dim3A_2175 = vector.broadcast %jit3A_2174 : f32 to vector<256x128xf32>
    %select_n3A_2176 = arith.select %and3A_2173, %dot_general3A_2072, %broadcast_in_dim3A_2175 : vector<256x128xi1>, vector<256x128xf32>
    %reduce_sum3A_2177 = arith.constant dense<0.000000e+00> : vector<128xf32>
    %reduce_sum3A_2178 = vector.multi_reduction <add>, %select_n3A_2176, %reduce_sum3A_2177 [0] : vector<256x128xf32> to vector<128xf32>
    %broadcast_in_dim3A_2179 = vector.shape_cast %reduce_sum3A_2178 : vector<128xf32> to vector<1x128xf32>
    %concatenate3A_2180 = tpu.concatenate %broadcast_in_dim3A_348, %broadcast_in_dim3A_462, %broadcast_in_dim3A_576, %broadcast_in_dim3A_690, %broadcast_in_dim3A_804, %broadcast_in_dim3A_918, %broadcast_in_dim3A_1032, %broadcast_in_dim3A_1146, %broadcast_in_dim3A_1260, %broadcast_in_dim3A_1374, %broadcast_in_dim3A_1488, %broadcast_in_dim3A_1602, %broadcast_in_dim3A_1716, %broadcast_in_dim3A_1830, %broadcast_in_dim3A_1944, %broadcast_in_dim3A_2058, %broadcast_in_dim3A_2172 in 0 : vector<1x128xf32>, vector<1x128xf32>, vector<1x128xf32>, vector<1x128xf32>, vector<1x128xf32>, vector<1x128xf32>, vector<1x128xf32>, vector<1x128xf32>, vector<1x128xf32>, vector<1x128xf32>, vector<1x128xf32>, vector<1x128xf32>, vector<1x128xf32>, vector<1x128xf32>, vector<1x128xf32>, vector<1x128xf32>, vector<1x128xf32> -> vector<17x128xf32>
    %concatenate3A_2181 = tpu.concatenate %broadcast_in_dim3A_355, %broadcast_in_dim3A_469, %broadcast_in_dim3A_583, %broadcast_in_dim3A_697, %broadcast_in_dim3A_811, %broadcast_in_dim3A_925, %broadcast_in_dim3A_1039, %broadcast_in_dim3A_1153, %broadcast_in_dim3A_1267, %broadcast_in_dim3A_1381, %broadcast_in_dim3A_1495, %broadcast_in_dim3A_1609, %broadcast_in_dim3A_1723, %broadcast_in_dim3A_1837, %broadcast_in_dim3A_1951, %broadcast_in_dim3A_2065, %broadcast_in_dim3A_2179 in 0 : vector<1x128xf32>, vector<1x128xf32>, vector<1x128xf32>, vector<1x128xf32>, vector<1x128xf32>, vector<1x128xf32>, vector<1x128xf32>, vector<1x128xf32>, vector<1x128xf32>, vector<1x128xf32>, vector<1x128xf32>, vector<1x128xf32>, vector<1x128xf32>, vector<1x128xf32>, vector<1x128xf32>, vector<1x128xf32>, vector<1x128xf32> -> vector<17x128xf32>
    %add3A_2182 = arith.addf %convert_element_type3A_241, %concatenate3A_2180 : vector<17x128xf32>
    %add3A_2183 = arith.addf %convert_element_type3A_240, %concatenate3A_2181 : vector<17x128xf32>
    %gt3A = arith.constant 1.000000e-01 : f32
    %gt3A_2184 = vector.broadcast %gt3A : f32 to vector<17x128xf32>
    %gt3A_2185 = arith.cmpf ogt, %slice3A_185, %gt3A_2184 : vector<17x128xf32>
    %jit3A_2186 = arith.constant -1.000000e+00 : f32
    %broadcast_in_dim3A_2187 = vector.broadcast %jit3A_2186 : f32 to vector<17x128xf32>
    %select_n3A_2188 = arith.select %gt3A_2185, %slice3A_185, %broadcast_in_dim3A_2187 : vector<17x128xi1>, vector<17x128xf32>
    %jit3A_2189 = arith.constant -1.000000e+04 : f32
    %broadcast_in_dim3A_2190 = vector.broadcast %jit3A_2189 : f32 to vector<17x128xf32>
    %select_n3A_2191 = arith.select %gt3A_2185, %add3A_2182, %broadcast_in_dim3A_2190 : vector<17x128xi1>, vector<17x128xf32>
    %jit3A_2192 = arith.constant -1.000000e+04 : f32
    %broadcast_in_dim3A_2193 = vector.broadcast %jit3A_2192 : f32 to vector<17x128xf32>
    %select_n3A_2194 = arith.select %gt3A_2185, %add3A_2183, %broadcast_in_dim3A_2193 : vector<17x128xi1>, vector<17x128xf32>
    %broadcast_in_dim3A_2195 = vector.shape_cast %add3A_158 : vector<17x128xf32> to vector<17x128x1xf32>
    %broadcast_in_dim3A_2196 = vector.shape_cast %select_n3A_2191 : vector<17x128xf32> to vector<17x1x128xf32>
    %sub3A_2197 = vector.broadcast %broadcast_in_dim3A_2195 : vector<17x128x1xf32> to vector<17x128x128xf32>
    %sub3A_2198 = vector.broadcast %broadcast_in_dim3A_2196 : vector<17x1x128xf32> to vector<17x128x128xf32>
    %sub3A_2199 = arith.subf %sub3A_2197, %sub3A_2198 : vector<17x128x128xf32>
    %broadcast_in_dim3A_2200 = vector.shape_cast %add3A_162 : vector<17x128xf32> to vector<17x128x1xf32>
    %broadcast_in_dim3A_2201 = vector.shape_cast %select_n3A_2194 : vector<17x128xf32> to vector<17x1x128xf32>
    %sub3A_2202 = vector.broadcast %broadcast_in_dim3A_2200 : vector<17x128x1xf32> to vector<17x128x128xf32>
    %sub3A_2203 = vector.broadcast %broadcast_in_dim3A_2201 : vector<17x1x128xf32> to vector<17x128x128xf32>
    %sub3A_2204 = arith.subf %sub3A_2202, %sub3A_2203 : vector<17x128x128xf32>
    %mul3A_2205 = arith.mulf %sub3A_2199, %sub3A_2199 : vector<17x128x128xf32>
    %mul3A_2206 = arith.mulf %sub3A_2204, %sub3A_2204 : vector<17x128x128xf32>
    %add3A_2207 = arith.addf %mul3A_2205, %mul3A_2206 : vector<17x128x128xf32>
    %sqrt3A = math.sqrt %add3A_2207 : vector<17x128x128xf32>
    %iota3A_2208 = tpu.iota {dimensions = array<i32: 2>} : vector<1x1x128xi32>
    %lt3A_2209 = arith.constant 100 : i32
    %lt3A_2210 = vector.broadcast %lt3A_2209 : i32 to vector<1x1x128xi32>
    %lt3A_2211 = arith.cmpi slt, %iota3A_2208, %lt3A_2210 : vector<1x1x128xi32>
    %jit3A_2212 = arith.constant 0x7F800000 : f32
    %broadcast_in_dim3A_2213 = vector.shape_cast %lt3A_2211 : vector<1x1x128xi1> to vector<1x1x128xi1>
    %broadcast_in_dim3A_2214 = vector.broadcast %broadcast_in_dim3A_2213 : vector<1x1x128xi1> to vector<17x128x128xi1>
    %broadcast_in_dim3A_2215 = vector.broadcast %jit3A_2212 : f32 to vector<17x128x128xf32>
    %select_n3A_2216 = arith.select %broadcast_in_dim3A_2214, %sqrt3A, %broadcast_in_dim3A_2215 : vector<17x128x128xi1>, vector<17x128x128xf32>
    %reduce_min3A = arith.constant dense<0x7F800000> : vector<17x128xf32>
    %reduce_min3A_2217 = vector.multi_reduction <minimumf>, %select_n3A_2216, %reduce_min3A [2] : vector<17x128x128xf32> to vector<17x128xf32>
    %broadcast_in_dim3A_2218 = vector.shape_cast %reduce_min3A_2217 : vector<17x128xf32> to vector<17x128x1xf32>
    %eq3A_2219 = vector.broadcast %broadcast_in_dim3A_2218 : vector<17x128x1xf32> to vector<17x128x128xf32>
    %eq3A_2220 = arith.cmpf oeq, %select_n3A_2216, %eq3A_2219 : vector<17x128x128xf32>
    %jit3A_2221 = arith.constant 1073741824 : i32
    %broadcast_in_dim3A_2222 = vector.shape_cast %iota3A_2208 : vector<1x1x128xi32> to vector<1x1x128xi32>
    %broadcast_in_dim3A_2223 = vector.broadcast %broadcast_in_dim3A_2222 : vector<1x1x128xi32> to vector<17x128x128xi32>
    %broadcast_in_dim3A_2224 = vector.broadcast %jit3A_2221 : i32 to vector<17x128x128xi32>
    %select_n3A_2225 = arith.select %eq3A_2220, %broadcast_in_dim3A_2223, %broadcast_in_dim3A_2224 : vector<17x128x128xi1>, vector<17x128x128xi32>
    %reduce_min3A_2226 = arith.constant dense<2147483647> : vector<17x128xi32>
    %reduce_min3A_2227 = vector.multi_reduction <minsi>, %select_n3A_2225, %reduce_min3A_2226 [2] : vector<17x128x128xi32> to vector<17x128xi32>
    %broadcast_in_dim3A_2228 = vector.shape_cast %reduce_min3A_2227 : vector<17x128xi32> to vector<17x128x1xi32>
    %eq3A_2229 = vector.broadcast %iota3A_2208 : vector<1x1x128xi32> to vector<17x128x128xi32>
    %eq3A_2230 = vector.broadcast %broadcast_in_dim3A_2228 : vector<17x128x1xi32> to vector<17x128x128xi32>
    %eq3A_2231 = arith.cmpi eq, %eq3A_2229, %eq3A_2230 : vector<17x128x128xi32>
    %broadcast_in_dim3A_2232 = vector.shape_cast %select_n3A_2188 : vector<17x128xf32> to vector<17x1x128xf32>
    %jit3A_2233 = arith.constant 0.000000e+00 : f32
    %broadcast_in_dim3A_2234 = vector.shape_cast %broadcast_in_dim3A_2232 : vector<17x1x128xf32> to vector<17x1x128xf32>
    %broadcast_in_dim3A_2235 = vector.broadcast %broadcast_in_dim3A_2234 : vector<17x1x128xf32> to vector<17x128x128xf32>
    %broadcast_in_dim3A_2236 = vector.broadcast %jit3A_2233 : f32 to vector<17x128x128xf32>
    %select_n3A_2237 = arith.select %eq3A_2231, %broadcast_in_dim3A_2235, %broadcast_in_dim3A_2236 : vector<17x128x128xi1>, vector<17x128x128xf32>
    %reduce_sum3A_2238 = arith.constant dense<0.000000e+00> : vector<17x128xf32>
    %reduce_sum3A_2239 = vector.multi_reduction <add>, %select_n3A_2237, %reduce_sum3A_2238 [2] : vector<17x128x128xf32> to vector<17x128xf32>
    %broadcast_in_dim3A_2240 = vector.shape_cast %select_n3A_2191 : vector<17x128xf32> to vector<17x1x128xf32>
    %jit3A_2241 = arith.constant 0.000000e+00 : f32
    %broadcast_in_dim3A_2242 = vector.shape_cast %broadcast_in_dim3A_2240 : vector<17x1x128xf32> to vector<17x1x128xf32>
    %broadcast_in_dim3A_2243 = vector.broadcast %broadcast_in_dim3A_2242 : vector<17x1x128xf32> to vector<17x128x128xf32>
    %broadcast_in_dim3A_2244 = vector.broadcast %jit3A_2241 : f32 to vector<17x128x128xf32>
    %select_n3A_2245 = arith.select %eq3A_2231, %broadcast_in_dim3A_2243, %broadcast_in_dim3A_2244 : vector<17x128x128xi1>, vector<17x128x128xf32>
    %reduce_sum3A_2246 = arith.constant dense<0.000000e+00> : vector<17x128xf32>
    %reduce_sum3A_2247 = vector.multi_reduction <add>, %select_n3A_2245, %reduce_sum3A_2246 [2] : vector<17x128x128xf32> to vector<17x128xf32>
    %broadcast_in_dim3A_2248 = vector.shape_cast %select_n3A_2194 : vector<17x128xf32> to vector<17x1x128xf32>
    %jit3A_2249 = arith.constant 0.000000e+00 : f32
    %broadcast_in_dim3A_2250 = vector.shape_cast %broadcast_in_dim3A_2248 : vector<17x1x128xf32> to vector<17x1x128xf32>
    %broadcast_in_dim3A_2251 = vector.broadcast %broadcast_in_dim3A_2250 : vector<17x1x128xf32> to vector<17x128x128xf32>
    %broadcast_in_dim3A_2252 = vector.broadcast %jit3A_2249 : f32 to vector<17x128x128xf32>
    %select_n3A_2253 = arith.select %eq3A_2231, %broadcast_in_dim3A_2251, %broadcast_in_dim3A_2252 : vector<17x128x128xi1>, vector<17x128x128xf32>
    %reduce_sum3A_2254 = arith.constant dense<0.000000e+00> : vector<17x128xf32>
    %reduce_sum3A_2255 = vector.multi_reduction <add>, %select_n3A_2253, %reduce_sum3A_2254 [2] : vector<17x128x128xf32> to vector<17x128xf32>
    %lt3A_2256 = vector.broadcast %sub3A_172 : vector<1x128xf32> to vector<17x128xf32>
    %lt3A_2257 = arith.cmpf olt, %reduce_sum3A_2247, %lt3A_2256 : vector<17x128xf32>
    %gt3A_2258 = vector.broadcast %add3A_180 : vector<1x128xf32> to vector<17x128xf32>
    %gt3A_2259 = arith.cmpf ogt, %reduce_sum3A_2247, %gt3A_2258 : vector<17x128xf32>
    %or3A = arith.ori %lt3A_2257, %gt3A_2259 : vector<17x128xi1>
    %lt3A_2260 = vector.broadcast %sub3A_176 : vector<1x128xf32> to vector<17x128xf32>
    %lt3A_2261 = arith.cmpf olt, %reduce_sum3A_2255, %lt3A_2260 : vector<17x128xf32>
    %or3A_2262 = arith.ori %or3A, %lt3A_2261 : vector<17x128xi1>
    %gt3A_2263 = vector.broadcast %add3A_184 : vector<1x128xf32> to vector<17x128xf32>
    %gt3A_2264 = arith.cmpf ogt, %reduce_sum3A_2255, %gt3A_2263 : vector<17x128xf32>
    %or3A_2265 = arith.ori %or3A_2262, %gt3A_2264 : vector<17x128xi1>
    %lt3A_2266 = arith.constant 1.000000e-01 : f32
    %lt3A_2267 = vector.broadcast %lt3A_2266 : f32 to vector<17x128xf32>
    %lt3A_2268 = arith.cmpf olt, %reduce_sum3A_2239, %lt3A_2267 : vector<17x128xf32>
    %or3A_2269 = arith.ori %or3A_2265, %lt3A_2268 : vector<17x128xi1>
    %sub3A_2270 = arith.subf %add3A_184, %sub3A_176 : vector<1x128xf32>
    %sub3A_2271 = arith.subf %add3A_180, %sub3A_172 : vector<1x128xf32>
    %max3A = arith.maximumf %sub3A_2270, %sub3A_2271 : vector<1x128xf32>
    %mul3A_2272 = arith.constant 3.000000e-01 : f32
    %mul3A_2273 = vector.broadcast %mul3A_2272 : f32 to vector<1x128xf32>
    %mul3A_2274 = arith.mulf %max3A, %mul3A_2273 : vector<1x128xf32>
    %gt3A_2275 = vector.broadcast %mul3A_2274 : vector<1x128xf32> to vector<17x128xf32>
    %gt3A_2276 = arith.cmpf ogt, %reduce_min3A_2217, %gt3A_2275 : vector<17x128xf32>
    %or3A_2277 = arith.ori %or3A_2269, %gt3A_2276 : vector<17x128xi1>
    %select_n3A_2278 = arith.select %or3A_2277, %add3A_158, %reduce_sum3A_2247 : vector<17x128xi1>, vector<17x128xf32>
    %select_n3A_2279 = arith.select %or3A_2277, %add3A_162, %reduce_sum3A_2255 : vector<17x128xi1>, vector<17x128xf32>
    %slice3A_2280 = vector.extract_strided_slice %get3A_1 {offsets = [0, 0], sizes = [1, 128], strides = [1, 1]} : vector<18x128xf32> to vector<1x128xf32>
    %slice3A_2281 = vector.extract_strided_slice %select_n3A_2278 {offsets = [0, 0], sizes = [1, 128], strides = [1, 1]} : vector<17x128xf32> to vector<1x128xf32>
    %slice3A_2282 = vector.extract_strided_slice %select_n3A_2279 {offsets = [0, 0], sizes = [1, 128], strides = [1, 1]} : vector<17x128xf32> to vector<1x128xf32>
    %slice3A_2283 = vector.extract_strided_slice %select_n3A_2278 {offsets = [1, 0], sizes = [1, 128], strides = [1, 1]} : vector<17x128xf32> to vector<1x128xf32>
    %slice3A_2284 = vector.extract_strided_slice %select_n3A_2279 {offsets = [1, 0], sizes = [1, 128], strides = [1, 1]} : vector<17x128xf32> to vector<1x128xf32>
    %slice3A_2285 = vector.extract_strided_slice %select_n3A_2278 {offsets = [2, 0], sizes = [1, 128], strides = [1, 1]} : vector<17x128xf32> to vector<1x128xf32>
    %slice3A_2286 = vector.extract_strided_slice %select_n3A_2279 {offsets = [2, 0], sizes = [1, 128], strides = [1, 1]} : vector<17x128xf32> to vector<1x128xf32>
    %slice3A_2287 = vector.extract_strided_slice %select_n3A_2278 {offsets = [3, 0], sizes = [1, 128], strides = [1, 1]} : vector<17x128xf32> to vector<1x128xf32>
    %slice3A_2288 = vector.extract_strided_slice %select_n3A_2279 {offsets = [3, 0], sizes = [1, 128], strides = [1, 1]} : vector<17x128xf32> to vector<1x128xf32>
    %slice3A_2289 = vector.extract_strided_slice %select_n3A_2278 {offsets = [4, 0], sizes = [1, 128], strides = [1, 1]} : vector<17x128xf32> to vector<1x128xf32>
    %slice3A_2290 = vector.extract_strided_slice %select_n3A_2279 {offsets = [4, 0], sizes = [1, 128], strides = [1, 1]} : vector<17x128xf32> to vector<1x128xf32>
    %slice3A_2291 = vector.extract_strided_slice %select_n3A_2278 {offsets = [5, 0], sizes = [1, 128], strides = [1, 1]} : vector<17x128xf32> to vector<1x128xf32>
    %slice3A_2292 = vector.extract_strided_slice %select_n3A_2279 {offsets = [5, 0], sizes = [1, 128], strides = [1, 1]} : vector<17x128xf32> to vector<1x128xf32>
    %slice3A_2293 = vector.extract_strided_slice %select_n3A_2278 {offsets = [6, 0], sizes = [1, 128], strides = [1, 1]} : vector<17x128xf32> to vector<1x128xf32>
    %slice3A_2294 = vector.extract_strided_slice %select_n3A_2279 {offsets = [6, 0], sizes = [1, 128], strides = [1, 1]} : vector<17x128xf32> to vector<1x128xf32>
    %slice3A_2295 = vector.extract_strided_slice %select_n3A_2278 {offsets = [7, 0], sizes = [1, 128], strides = [1, 1]} : vector<17x128xf32> to vector<1x128xf32>
    %slice3A_2296 = vector.extract_strided_slice %select_n3A_2279 {offsets = [7, 0], sizes = [1, 128], strides = [1, 1]} : vector<17x128xf32> to vector<1x128xf32>
    %slice3A_2297 = vector.extract_strided_slice %select_n3A_2278 {offsets = [8, 0], sizes = [1, 128], strides = [1, 1]} : vector<17x128xf32> to vector<1x128xf32>
    %slice3A_2298 = vector.extract_strided_slice %select_n3A_2279 {offsets = [8, 0], sizes = [1, 128], strides = [1, 1]} : vector<17x128xf32> to vector<1x128xf32>
    %slice3A_2299 = vector.extract_strided_slice %select_n3A_2278 {offsets = [9, 0], sizes = [1, 128], strides = [1, 1]} : vector<17x128xf32> to vector<1x128xf32>
    %slice3A_2300 = vector.extract_strided_slice %select_n3A_2279 {offsets = [9, 0], sizes = [1, 128], strides = [1, 1]} : vector<17x128xf32> to vector<1x128xf32>
    %slice3A_2301 = vector.extract_strided_slice %select_n3A_2278 {offsets = [10, 0], sizes = [1, 128], strides = [1, 1]} : vector<17x128xf32> to vector<1x128xf32>
    %slice3A_2302 = vector.extract_strided_slice %select_n3A_2279 {offsets = [10, 0], sizes = [1, 128], strides = [1, 1]} : vector<17x128xf32> to vector<1x128xf32>
    %slice3A_2303 = vector.extract_strided_slice %select_n3A_2278 {offsets = [11, 0], sizes = [1, 128], strides = [1, 1]} : vector<17x128xf32> to vector<1x128xf32>
    %slice3A_2304 = vector.extract_strided_slice %select_n3A_2279 {offsets = [11, 0], sizes = [1, 128], strides = [1, 1]} : vector<17x128xf32> to vector<1x128xf32>
    %slice3A_2305 = vector.extract_strided_slice %select_n3A_2278 {offsets = [12, 0], sizes = [1, 128], strides = [1, 1]} : vector<17x128xf32> to vector<1x128xf32>
    %slice3A_2306 = vector.extract_strided_slice %select_n3A_2279 {offsets = [12, 0], sizes = [1, 128], strides = [1, 1]} : vector<17x128xf32> to vector<1x128xf32>
    %slice3A_2307 = vector.extract_strided_slice %select_n3A_2278 {offsets = [13, 0], sizes = [1, 128], strides = [1, 1]} : vector<17x128xf32> to vector<1x128xf32>
    %slice3A_2308 = vector.extract_strided_slice %select_n3A_2279 {offsets = [13, 0], sizes = [1, 128], strides = [1, 1]} : vector<17x128xf32> to vector<1x128xf32>
    %slice3A_2309 = vector.extract_strided_slice %select_n3A_2278 {offsets = [14, 0], sizes = [1, 128], strides = [1, 1]} : vector<17x128xf32> to vector<1x128xf32>
    %slice3A_2310 = vector.extract_strided_slice %select_n3A_2279 {offsets = [14, 0], sizes = [1, 128], strides = [1, 1]} : vector<17x128xf32> to vector<1x128xf32>
    %slice3A_2311 = vector.extract_strided_slice %select_n3A_2278 {offsets = [15, 0], sizes = [1, 128], strides = [1, 1]} : vector<17x128xf32> to vector<1x128xf32>
    %slice3A_2312 = vector.extract_strided_slice %select_n3A_2279 {offsets = [15, 0], sizes = [1, 128], strides = [1, 1]} : vector<17x128xf32> to vector<1x128xf32>
    %slice3A_2313 = vector.extract_strided_slice %select_n3A_2278 {offsets = [16, 0], sizes = [1, 128], strides = [1, 1]} : vector<17x128xf32> to vector<1x128xf32>
    %slice3A_2314 = vector.extract_strided_slice %select_n3A_2279 {offsets = [16, 0], sizes = [1, 128], strides = [1, 1]} : vector<17x128xf32> to vector<1x128xf32>
    %broadcast_in_dim3A_2315 = arith.constant 0.000000e+00 : f32
    %broadcast_in_dim3A_2316 = vector.broadcast %broadcast_in_dim3A_2315 : f32 to vector<1x128xf32>
    %concatenate3A_2317 = tpu.concatenate %sub3A_172, %sub3A_176, %add3A_180, %add3A_184, %slice3A_2280, %slice3A_2281, %slice3A_2282, %slice3A_2283, %slice3A_2284, %slice3A_2285, %slice3A_2286, %slice3A_2287, %slice3A_2288, %slice3A_2289, %slice3A_2290, %slice3A_2291, %slice3A_2292, %slice3A_2293, %slice3A_2294, %slice3A_2295, %slice3A_2296, %slice3A_2297, %slice3A_2298, %slice3A_2299, %slice3A_2300, %slice3A_2301, %slice3A_2302, %slice3A_2303, %slice3A_2304, %slice3A_2305, %slice3A_2306, %slice3A_2307, %slice3A_2308, %slice3A_2309, %slice3A_2310, %slice3A_2311, %slice3A_2312, %slice3A_2313, %slice3A_2314, %broadcast_in_dim3A_2316 in 0 : vector<1x128xf32>, vector<1x128xf32>, vector<1x128xf32>, vector<1x128xf32>, vector<1x128xf32>, vector<1x128xf32>, vector<1x128xf32>, vector<1x128xf32>, vector<1x128xf32>, vector<1x128xf32>, vector<1x128xf32>, vector<1x128xf32>, vector<1x128xf32>, vector<1x128xf32>, vector<1x128xf32>, vector<1x128xf32>, vector<1x128xf32>, vector<1x128xf32>, vector<1x128xf32>, vector<1x128xf32>, vector<1x128xf32>, vector<1x128xf32>, vector<1x128xf32>, vector<1x128xf32>, vector<1x128xf32>, vector<1x128xf32>, vector<1x128xf32>, vector<1x128xf32>, vector<1x128xf32>, vector<1x128xf32>, vector<1x128xf32>, vector<1x128xf32>, vector<1x128xf32>, vector<1x128xf32>, vector<1x128xf32>, vector<1x128xf32>, vector<1x128xf32>, vector<1x128xf32>, vector<1x128xf32>, vector<1x128xf32> -> vector<40x128xf32>
    %transpose3A_2318 = tpu.transpose %concatenate3A_2317, [1, 0] : vector<40x128xf32> -> vector<128x40xf32>
    %swap3A = arith.constant 0 : index
    %swap3A_2319 = arith.constant 0 : index
    %swap3A_2320 = vector.load %arg6[%swap3A, %swap3A_2319] : memref<128x40xf32, #tpu.memory_space<vmem>>, vector<128x40xf32>
    tpu.vector_store %arg6[%swap3A, %swap3A_2319], %transpose3A_2318 {strides = array<i32>} : memref<128x40xf32, #tpu.memory_space<vmem>>, vector<128x40xf32>,
    return
  }
}

</mosaic_0001>

<sc_bundles>
// kernel: kernel.5.cloned.1.call-start
scs
__scs_entry_jumppad:
0x0: {  	(pc) =	sbr.rel $0x88, $3  }
0x1: {  	(tag) =	ssettag $0x0;
	lr =	simm.s32 $0x1  }
0x2: {  	[smem:$0x3F9B] =	sst lr;
	_ =	strace $0xD0000000  }
0x3: {  	_ = 	snop  }
0x4: {  	_ = 	snop  }
0x5: {  	_ = 	snop  }
0x6: {  	_ = 	snop  }
0x7: {  	_ = 	snop  }
__scs_overlays_trampoline_lowered:
0x8: {  	[smem:$0x3FAA] =	sst s0  }
0x9: {  	[smem:$0x3FAB] =	sst s1  }
0xa: {  	[smem:$0x3FAC] =	sst s2  }
0xb: {  	[smem:$0x3FAD] =	sst s3  }
0xc: {  	[smem:$0x3FAE] =	sst s4  }
0xd: {  	[smem:$0x3FAF] =	sst s5  }
0xe: {  	[smem:$0x3FB0] =	sst s6  }
0xf: {  	[smem:$0x3FB1] =	sst s7  }
0x10: {  	[smem:$0x3FB2] =	sst s8  }
0x11: {  	[smem:$0x3FB3] =	sst s9;
	s0 =	simm.s32 @!p0 $0x0  }
0x12: {  	s1 =	sld [smem:$0x3F99];
	s0 =	simm.s32 @p0 $0x1  }
0x13: {  	[smem:$0x3FB4] =	sst s0;
	s0 =	simm.s32 @!p1 $0x0  }
0x14: {  	s2 =	sld [smem:$0x3F98];
	s0 =	simm.s32 @p1 $0x1  }
0x15: {  	[smem:$0x3FB5] =	sst s0;
	s0 =	simm.s32 @!p2 $0x0  }
0x16: {  	s3 =	sld [smem:$0x3FDB];
	s0 =	simm.s32 @p2 $0x1  }
0x17: {  	s4 =	simm.s32 $0x1BF5;
	[smem:$0x3FB7] =	sst s0  }
0x18: {  	s0 =	sld [smem:$0x3F9A];
	_ =	swait.ge [sflag:s4], $0x0  }
0x19: {  	s7 =	sld [smem:$0x3F9B]  }
0x1a: {  	s8 =	sadd.s32 $0xFFFFE003, lr  }
0x1b: {  	s9 =	sadd.s32 $0xFFFFFEF7, lr;
	s5 =	simm.s32 $0xFFFFFFFF;
	p2 =	slt.u32 s8, $0xFFFFF086  }
0x1c: {  	p1 =	slt.u32 s9, $0xF7A;
	s5 =	simm.s32 @!p2 $0x0  }
0x1d: {  	s5 =	simm.s32 @p1 $0x1;
	p0 =	seq.s32 s7, s2  }
0x1e: {  	s7 =	smul.u32 @!p0 $0xF7A, s2;
	p2 =	seq.s32 @!p0 s5, $0x0  }
0x1f: {  	s9 =	smul.u32 $0xF7A, s1;
	s8 =	simm.s32 @!p0 $0x1BF5;
	p2 =	por !p2, p0  }
0x20: {  	[sflag:s8] =	ssyncset.s32 @!p0 $0xFFFFF086;
	s6 =	sadd.s32 @!p0 s3, s7;
	s7 =	simm.s32 @!p0 $0x108  }
0x21: {  	s3 =	sadd.s32 s3, s9;
	s6 =	sadd.s32 @!p0 $0x88, s6;
	s7 =	simm.s32 @p2 $0x1082  }
0x22: {  	[simem:s7], [sflag:s8] =	dma.local @!p0 [hbm:s6], $0xF7A  }
0x23: {  	s9 =	sor.u32 $0xD0000000, s2;
	s6 =	simm.s32 $0x108;
	_ =	swait.ge @!p0 [sflag:s8], $0x0  }
0x24: {  	s3 =	sadd.s32 $0x88, s3;
	s6 =	simm.s32 @!p1 $0x1082;
	[sflag:s4] =	ssyncset.s32 $0xFFFFF086  }
0x25: {  	[simem:s6], [sflag:s4] =	dma.local [hbm:s3], $0xF7A  }
0x26: {  	[smem:$0x3F9B] =	sst s1;
	(tag) =	ssettag s2;
	_ =	strace s9  }
0x27: {  	s1 =	sld [smem:$0x3FAB]  }
0x28: {  	s2 =	sld [smem:$0x3FAC]  }
0x29: {  	s4 =	sld [smem:$0x3FAE]  }
0x2a: {  	p0 =	seq.s32 s5, $0x0;
	s5 =	sld [smem:$0x3FAF]  }
0x2b: {  	s6 =	sld [smem:$0x3FB0]  }
0x2c: {  	s7 =	sld [smem:$0x3FB1]  }
0x2d: {  	s3 =	simm.s32 $0x108;
	s8 =	sld [smem:$0x3FB2]  }
0x2e: {  	s3 =	simm.s32 @!p0 $0x1082;
	s9 =	sld [smem:$0x3FB3]  }
0x2f: {  	lr =	sadd.s32 s0, s3;
	s0 =	sld [smem:$0x3FAA]  }
0x30: {  	s3 =	sld [smem:$0x3FAD]  }
0x31: {  	[smem:$0x3FB6] =	sst s10  }
0x32: {  	s10 =	sld [smem:$0x3FB4];
	_ =	sdelay $0x3  }
0x33: {  	p0 =	seq.s32 s10, $0x1;
	s10 =	sld [smem:$0x3FB6];
	_ =	sdelay $0x3  }
0x34: {  	[smem:$0x3FB6] =	sst s10  }
0x35: {  	s10 =	sld [smem:$0x3FB5];
	_ =	sdelay $0x3  }
0x36: {  	p1 =	seq.s32 s10, $0x1;
	s10 =	sld [smem:$0x3FB6];
	_ =	sdelay $0x3  }
0x37: {  	[smem:$0x3FB6] =	sst s10  }
0x38: {  	s10 =	sld [smem:$0x3FB7]  }
0x39: {  	_ = 	snop;
	(pc) =	sbr.ind lr, $3  }
0x3a: {  	_ = 	snop  }
0x3b: {  	_ = 	snop  }
0x3c: {  	p2 =	seq.s32 s10, $0x1;
	s10 =	sld [smem:$0x3FB6]  }
0x3d: {  	_ =	shalt  }
0x3e: {  	_ =	shalt  }
0x3f: {  	_ =	shalt  }
0x40: {  	_ =	shalt  }
0x41: {  	_ =	shalt  }
0x42: {  	_ =	shalt  }
0x43: {  	_ =	shalt  }
0x44: {  	_ =	shalt  }
0x45: {  	_ =	shalt  }
0x46: {  	_ =	shalt  }
0x47: {  	_ =	shalt  }
0x48: {  	_ =	shalt  }
0x49: {  	_ =	shalt  }
0x4a: {  	_ =	shalt  }
0x4b: {  	_ =	shalt  }
0x4c: {  	_ =	shalt  }
0x4d: {  	_ =	shalt  }
0x4e: {  	_ =	shalt  }
0x4f: {  	_ =	shalt  }
0x50: {  	_ =	shalt  }
0x51: {  	_ =	shalt  }
0x52: {  	_ =	shalt  }
0x53: {  	_ =	shalt  }
0x54: {  	_ =	shalt  }
0x55: {  	_ =	shalt  }
0x56: {  	_ =	shalt  }
0x57: {  	_ =	shalt  }
0x58: {  	_ =	shalt  }
0x59: {  	_ =	shalt  }
0x5a: {  	_ =	shalt  }
0x5b: {  	_ =	shalt  }
0x5c: {  	_ =	shalt  }
0x5d: {  	_ =	shalt  }
0x5e: {  	_ =	shalt  }
0x5f: {  	_ =	shalt  }
0x60: {  	_ =	shalt  }
0x61: {  	_ =	shalt  }
0x62: {  	_ =	shalt  }
0x63: {  	_ =	shalt  }
0x64: {  	_ =	shalt  }
0x65: {  	_ =	shalt  }
0x66: {  	_ =	shalt  }
0x67: {  	_ =	shalt  }
0x68: {  	_ =	shalt  }
0x69: {  	_ =	shalt  }
0x6a: {  	_ =	shalt  }
0x6b: {  	_ =	shalt  }
0x6c: {  	_ =	shalt  }
0x6d: {  	_ =	shalt  }
0x6e: {  	_ =	shalt  }
0x6f: {  	_ =	shalt  }
0x70: {  	_ =	shalt  }
0x71: {  	_ =	shalt  }
0x72: {  	_ =	shalt  }
0x73: {  	_ =	shalt  }
0x74: {  	_ =	shalt  }
0x75: {  	_ =	shalt  }
0x76: {  	_ =	shalt  }
0x77: {  	_ =	shalt  }
0x78: {  	_ =	shalt  }
0x79: {  	_ =	shalt  }
0x7a: {  	_ =	shalt  }
0x7b: {  	_ =	shalt  }
0x7c: {  	_ =	shalt  }
0x7d: {  	_ =	shalt  }
0x7e: {  	_ =	shalt  }
0x7f: {  	_ =	shalt  }
0x80: {  	_ =	shalt  }
0x81: {  	_ =	shalt  }
0x82: {  	_ =	shalt  }
0x83: {  	_ =	shalt  }
0x84: {  	_ =	shalt  }
0x85: {  	_ =	shalt  }
0x86: {  	_ =	shalt  }
0x87: {  	_ =	shalt  }
.Lfunc_end0:
.L_simem_size_0:
called_computation_lowered:
.L_overlay_start_0:
0x88: {  	s2 =	sld [smem:$0x3FD9]  }
0x89: {  	s3 =	sld [smem:$0x3FFE];
	_ =	sdelay $0x1  }
0x8a: {  	s1 =	srdreg.scid  }
0x8b: {  	s0 =	sand.u32 $0x1, s1  }
0x8c: {  	s17 =	sshll.u32 s0, $0xA;
	s2 =	sadd.s32 s3, s2  }
0x8d: {  	s2 =	sadd.s32 s2, s17  }
0x8e: {  	[smem:$0x3FC2] =	sst s2  }
0x8f: {  	_ = 	snop  }
0x90: {  	s2 =	sld [smem:$0x3FD0];
	(tm) =	ssettm $0x1  }
0x91: {  	s18 =	sld [smem:$0x3FFB];
	_ =	sdelay $0x3  }
0x92: {  	_ =	strace s18  }
0x93: {  	s3 =	sld [smem:$0x3FFC];
	_ =	sdelay $0x3  }
0x94: {  	_ =	strace s3  }
0x95: {  	s3 =	sld [smem:$0x3FFD];
	_ =	sdelay $0x3  }
0x96: {  	_ =	strace s3  }
0x97: {  	_ =	strace $0x8FFFFFFF  }
0x98: {  	s19 =	sld [smem:$0x3FDB];
	_ =	sdelay $0x1  }
0x99: {  	s4 =	simm.s32 $_scs_section_size  }
0x9a: {  	s5 =	simm.s32 $_size__tile_overlayer_lowered;
	s6 =	simm.s32 $_tile_overlayer_lowered  }
0x9b: {  	s22 =	simm.s32 $0x1BFF;
	s21 =	sshll.u32 s6, $0x1;
	s3 =	sadd.s32 s4, s19  }
0x9c: {  	s7 =	simm.s32 $0x0;
	s20 =	sshll.u32 s5, $0x1;
	s5 =	sadd.s32 s21, s3  }
0x9d: {  	[timem:s7], [sflag:s22] =	dma.local [hbm:s5], s20  }
0x9e: {  	_ =	swait.ge [sflag:s22], s20  }
0x9f: {  	s4 =	ssub.s32 $0x0, s20;
	[sflag:s22] =	ssyncset.done $0x0  }
0xa0: {  	[sflag:s22] =	ssyncadd.s32 s4;
	_ =	sdelay $0x1  }
0xa1: {  	s23 =	simm.s32 $0x1B8B  }
0xa2: {  	_ =	swait.ge [sflag:s23], $0x1  }
0xa3: {  	[sflag:s23] =	ssyncset.done $0x0  }
0xa4: {  	s25 =	simm.s32 $0x1B8E;
	s24 =	sld [smem:$0x3FFE];
	[sflag:s23] =	ssyncadd.s32 $0xFFFFFFFF  }
0xa5: {  	s26 =	simm.s32 $execute0_lowered;
	[smem:$0x3FD2] =	sst s25  }
0xa6: {  	s5 =	sshll.u32 s26, $0x1;
	_ =	strace $0x80000046;
	[dreg:$0x1] =	wrdreg $0xFFFFFFFF  }
0xa7: {  	s28 =	simm.s32 $_size_execute0_lowered;
	s3 =	sadd.s32 s3, s5;
	[dreg:$0x0] =	wrdreg $0x0  }
0xa8: {  	s5 =	sshll.u32 s28, $0x1;
	[dreg:$0x2] =	wrdreg s3  }
0xa9: {  	[dreg:$0x3] =	wrdreg s5  }
0xaa: {  	[dreg:$0x4] =	wrdreg $0xC0  }
0xab: {  	_ =	task [dreg:s7], $0x5FFFF  }
0xac: {  	[dreg:$0x1] =	wrdreg $0xFFFFFFFF  }
0xad: {  	[dreg:$0x0] =	wrdreg $0x60  }
0xae: {  	[dreg:$0x2] =	wrdreg s24  }
0xaf: {  	[dreg:$0x3] =	wrdreg s2  }
0xb0: {  	[dreg:$0x4] =	wrdreg $0x9  }
0xb1: {  	_ =	task.clear_ibuf [dreg:s7], $0x5FFFF;
	_ =	strace $0x90000046  }
0xb2: {  	s29 =	simm.s32 $0x9;
	_ =	strace $0x80000048  }
0xb3: {  	_ =	swait.ge [sflag:s29], $0x1  }
0xb4: {  	[sflag:s29] =	ssyncadd.s32 $0xFFFFFFFF  }
0xb5: {  	_ =	strace $0x90000048  }
0xb6: {  	_ =	sfence  }
0xb7: {  	s30 =	sld [smem:$0x0];
	_ =	sdelay $0x2  }
0xb8: {  	s31 =	sshll.u32 s1, $0xD;
	s1 =	sshrl.u32 s1, $0x2  }
0xb9: {  	s3 =	sand.u32 $0x4000, s31;
	s1 =	sadd.s32 s1, s30  }
0xba: {  	s0 =	sor.u32 s3, s0;
	s1 =	sshll.u32 s1, $0x11  }
0xbb: {  	s0 =	sor.u32 s1, s0  }
0xbc: {  	s0 =	sadd.s32 $0x8F2B, s0  }
0xbd: {  	[sflag:s0] =	ssyncadd.remote.s32 $0x1  }
0xbe: {  	_ =	sfence.sel $0xFFFF  }
0xbf: {  	[dreg:$0x0] =	wrdreg $0xFFFFFFFF;
	(pc) =	sbr.abs _section_cstart, $3  }
0xc0: {  	[dreg:$0x1] =	wrdreg $0xFFFFFFFF  }
0xc1: {  	_ =	task.clear_ibuf [dreg:s7], $0x2FFFF;
	_ =	strace $0x9FFFFFFF  }
0xc2: {  	(tm) =	ssettm $0x7FFFFFFF  }
0xc3: {  	_ =	shalt  }
tec
execute0_lowered:
.L_overlay_start_1:
0x0: {  	(tag) =	ssettag $0x1  }
0x1: {  	s1 =	stileid.u32  }
0x2: {  	p0 =	sgt.u32 s1, $0x8  }
.Ltmp0:
0x3: {  	_ = 	snop;
	(pc) =	sbr.rel @p0 .LBB2_5-.Ltmp0, $4  }
0x4: {  	s3 =	rddreg [dreg:$0x0]  }
0x5: {  	s4 =	rddreg [dreg:$0x1];
	s2 =	simm.s32 $0x0  }
0x6: {  	[smem:$0x7FF] =	sst s2  }
0x7: {  	s0 =	rddreg [dreg:$0x2];
	_ =	strace $0x80000047  }
0x8: {  	v0 =	vimm.s32 $0xFEDCBA98;
	v1 =	vimm.s32 $0x76543210  }
0x9: {  	v2 =	vimm.s32 $0xBA98FEDC;
	v3 =	vimm.s32 $0x32107654;
	v4 =	vimm.s32 $0xDCFE98BA  }
0xa: {  	v5 =	vimm.s32 $0x54761032;
	v6 =	vimm.s32 $0xEFCDAB89;
	v7 =	vimm.s32 $0x67452301  }
0xb: {  	v0 =	vunpack.c.l.s4.s8 v0;
	v1 =	vunpack.c.l.s4.s8 v1;
	v2 =	vunpack.c.l.s4.s8 v2  }
0xc: {  	v3 =	vunpack.c.l.s4.s8 v3;
	v4 =	vunpack.c.l.s4.s8 v4;
	v5 =	vunpack.c.l.s4.s8 v5  }
0xd: {  	v6 =	vunpack.c.l.s4.s8 v6;
	v7 =	vunpack.c.l.s4.s8 v7;
	v0 =	vunpack.c.0.s8.s32 v0  }
0xe: {  	s5 =	srdreg.scid;
	s6 =	sshll.u32 s1, $0x1;
	s7 =	sadd.s32 $0x2000, s3;
	v2 =	vunpack.c.0.s8.s32 v2;
	v3 =	vunpack.c.0.s8.s32 v3;
	v4 =	vunpack.c.0.s8.s32 v4  }
0xf: {  	s12 =	simm.s32 $0x8080;
	s13 =	simm.s32 $0x8100;
	s5 =	sand.u32 $0x1, s5;
	v5 =	vunpack.c.0.s8.s32 v5;
	v6 =	vunpack.c.0.s8.s32 v6;
	v7 =	vunpack.c.0.s8.s32 v7  }
0x10: {  	s14 =	simm.s32 $0x0;
	s6 =	sor.u32 s5, s6;
	s10 =	ssub.s32 $0x2, s5;
	v1 =	vunpack.c.0.s8.s32 v1;
	v2 =	vcombine.low v3, v2  }
0x11: {  	s8 =	sshll.u32 s6, $0xB;
	s6 =	sshll.u32 s6, $0x4;
	s31 =	sshrl.u32 s10, $0x1;
	v0 =	vand.u32 $0xF, v0;
	v3 =	vcombine.low v5, v4;
	v4 =	vcombine.low v7, v6  }
0x12: {  	s9 =	sadd.s32 s8, s3;
	s11 =	sadd.s32 s6, s3;
	s4 =	sadd.s32 s4, s6;
	v0 =	vcombine.low v0, v1;
	v1 =	vand.u32 $0xF, v2;
	v2 =	vlaneseq.u32  }
0x13: {  	s7 =	sadd.s32 s7, s8;
	s3 =	sadd.s32 $0xB000, s9;
	s5 =	sadd.s32 $0x14000, s11;
	v3 =	vand.u32 $0xF, v3;
	v4 =	vand.u32 $0xF, v4;
	v5 =	vor.u32 $0x70, v2  }
0x14: {  	s9 =	ssub.s32 s10, s31;
	s6 =	sadd.s32 $0x14200, s11;
	s10 =	simm.s32 $0x4000;
	v6 =	vor.u32 $0x60, v2;
	v7 =	vor.u32 $0x50, v2;
	v8 =	vor.u32 $0x40, v2  }
0x15: {  	s11 =	simm.s32 $0x8000;
	s8 =	smax.u32 s9, $0x1;
	s9 =	simm.s32 $0x1;
	v9 =	vor.u32 $0x30, v2;
	v10 =	vor.u32 $0x20, v2;
	v11 =	vor.u32 $0x10, v2  }
.LBB2_2:
0x16: {  	s15 =	simm.s32 $0x0  }
0x17: {  	[tilespmem:s15], [sflag:$0x1] =	stream.linear.gather [hbm4b:s7+s15], $0x4000, $0x38;
	[tilespmem:$0x8180] =	vst v63  }
0x18: {  	_ =	swait.ge [sflag:s9], $0x4000  }
0x19: {  	[sflag:s9] =	ssyncset.done $0x0  }
0x1a: {  	[sflag:s9] =	ssyncadd.s32 $0xFFFFC000  }
0x1b: {  	[tilespmem:s10], [sflag:$0x1] =	stream.linear.gather [hbm4b:s3+s15], $0x4000, $0x38;
	[tilespmem:$0x8180] =	vst v63  }
0x1c: {  	_ =	swait.ge [sflag:s9], $0x4000  }
0x1d: {  	[sflag:s9] =	ssyncset.done $0x0  }
0x1e: {  	[sflag:s9] =	ssyncadd.s32 $0xFFFFC000  }
0x1f: {  	[tilespmem:s11], [sflag:$0x1] =	stream.linear.gather [hbm4b:s4+s15], $0x80, $0x38;
	[tilespmem:$0x8180] =	vst v63  }
0x20: {  	_ =	swait.ge [sflag:s9], $0x80  }
0x21: {  	[sflag:s9] =	ssyncset.done $0x0  }
0x22: {  	v12 =	vimm.f32 $0.0e+00;
	v13 =	vimm.s32 $0x0;
	[sflag:s9] =	ssyncadd.s32 $0xFFFFFF80  }
.LBB2_3:
0x23: {  	v14 =	vld [tilespmem:$0x8000]  }
0x24: {  	v15 =	vld [tilespmem:$0x8010]  }
0x25: {  	v16 =	vld [tilespmem:$0x8020]  }
0x26: {  	v17 =	vld [tilespmem:$0x8030]  }
0x27: {  	v18 =	vld [tilespmem:$0x8040]  }
0x28: {  	v19 =	vld [tilespmem:$0x8050]  }
0x29: {  	v20 =	vld [tilespmem:$0x8060];
	v21 =	vmax.f32 v14, v15  }
0x2a: {  	v22 =	vld [tilespmem:$0x8070];
	v21 =	vmax.f32 v21, v16  }
0x2b: {  	v21 =	vmax.f32 v21, v17  }
0x2c: {  	v21 =	vmax.f32 v21, v18  }
0x2d: {  	v21 =	vmax.f32 v21, v19  }
0x2e: {  	v21 =	vmax.f32 v21, v20  }
0x2f: {  	v21 =	vmax.f32 v21, v22  }
0x30: {  	v23 =	vperm.xlane v21, v0;
	_ =	sdelay $0x1  }
0x31: {  	v21 =	vmax.f32 v21, v23  }
0x32: {  	v23 =	vperm.xlane v21, v1;
	_ =	sdelay $0x1  }
0x33: {  	v21 =	vmax.f32 v21, v23  }
0x34: {  	v23 =	vperm.xlane v21, v3;
	_ =	sdelay $0x1  }
0x35: {  	v21 =	vmax.f32 v21, v23  }
0x36: {  	v23 =	vperm.xlane v21, v4;
	_ =	sdelay $0x1  }
0x37: {  	v21 =	vmax.f32 v21, v23  }
0x38: {  	vm0 =	veq.f32 v22, v21  }
0x39: {  	vm1 =	veq.f32 v20, v21;
	v46 =	vnsel vm0, $0x40000000, v5  }
0x3a: {  	vm4 =	veq.f32 v19, v21;
	v47 =	vsel vm1, v6, v46  }
0x3b: {  	vm5 =	veq.f32 v18, v21;
	v48 =	vsel vm4, v7, v47  }
0x3c: {  	vm6 =	veq.f32 v17, v21;
	v49 =	vsel vm5, v8, v48  }
0x3d: {  	vm7 =	veq.f32 v16, v21;
	v50 =	vsel vm6, v9, v49  }
0x3e: {  	vm8 =	veq.f32 v15, v21;
	v15 =	vsel vm7, v10, v50  }
0x3f: {  	vm9 =	veq.f32 v14, v21;
	v14 =	vsel vm8, v11, v15  }
0x40: {  	v14 =	vsel vm9, v2, v14  }
0x41: {  	v15 =	vperm.xlane v14, v0;
	_ =	sdelay $0x1  }
0x42: {  	vm10 =	vlt.s32 v14, v15  }
0x43: {  	v14 =	vsel vm10, v14, v15  }
0x44: {  	v15 =	vperm.xlane v14, v1;
	_ =	sdelay $0x1  }
0x45: {  	vm0 =	vlt.s32 v14, v15  }
0x46: {  	v14 =	vsel vm0, v14, v15  }
0x47: {  	v15 =	vperm.xlane v14, v3;
	_ =	sdelay $0x1  }
0x48: {  	vm0 =	vlt.s32 v14, v15  }
0x49: {  	v14 =	vsel vm0, v14, v15  }
0x4a: {  	v15 =	vperm.xlane v14, v4;
	_ =	sdelay $0x1  }
0x4b: {  	vm0 =	vlt.s32 v14, v15  }
0x4c: {  	v14 =	vsel vm0, v14, v15  }
0x4d: {  	(v2sf) =	vpush v14, $0x0;
	_ =	sdelay $0xe  }
0x4e: {  	s17 =	spop (v2sf)  }
0x4f: {  	s16 =	sshll.u32 s17, $0x7  }
0x50: {  	v15 =	vld [tilespmem:s16+$0x4000];
	_ =	sdelay $0x4  }
0x51: {  	vm11 =	veq.f32 v15, v21  }
0x52: {  	v51 =	vnsel vm11, $0x40000000, v2  }
0x53: {  	v52 =	vperm.xlane v51, v0;
	_ =	sdelay $0x1  }
0x54: {  	vm0 =	vlt.s32 v51, v52  }
0x55: {  	v16 =	vsel vm0, v51, v52  }
0x56: {  	v17 =	vperm.xlane v16, v1;
	_ =	sdelay $0x1  }
0x57: {  	vm0 =	vlt.s32 v16, v17  }
0x58: {  	v16 =	vsel vm0, v16, v17  }
0x59: {  	v17 =	vperm.xlane v16, v3;
	_ =	sdelay $0x1  }
0x5a: {  	vm0 =	vlt.s32 v16, v17  }
0x5b: {  	v16 =	vsel vm0, v16, v17  }
0x5c: {  	v17 =	vperm.xlane v16, v4;
	_ =	sdelay $0x1  }
0x5d: {  	vm0 =	vlt.s32 v16, v17  }
0x5e: {  	v16 =	vsel vm0, v16, v17  }
0x5f: {  	(v2sf) =	vpush v16, $0x0;
	_ =	sdelay $0xe  }
0x60: {  	s18 =	spop (v2sf)  }
0x61: {  	s18 =	sshll.u32 s18, $0x4  }
0x62: {  	s19 =	sand.u32 $0xFFFFFF80, s18  }
0x63: {  	s18 =	sand.u32 $0x70, s18;
	s19 =	sadd.s32 s19, s16  }
0x64: {  	s18 =	sor.u32 s18, s19  }
0x65: {  	v53 =	vld [tilespmem:s18+$0x0];
	_ =	sdelay $0x4  }
0x66: {  	vm12 =	veq.f32 v53, v21  }
0x67: {  	v54 =	vnsel vm12, $0x40000000, v2  }
0x68: {  	v55 =	vperm.xlane v54, v0;
	_ =	sdelay $0x1  }
0x69: {  	vm0 =	vlt.s32 v54, v55  }
0x6a: {  	v18 =	vsel vm0, v54, v55  }
0x6b: {  	v19 =	vperm.xlane v18, v1;
	_ =	sdelay $0x1  }
0x6c: {  	vm0 =	vlt.s32 v18, v19  }
0x6d: {  	v18 =	vsel vm0, v18, v19  }
0x6e: {  	v19 =	vperm.xlane v18, v3;
	_ =	sdelay $0x1  }
0x6f: {  	vm0 =	vlt.s32 v18, v19  }
0x70: {  	v18 =	vsel vm0, v18, v19  }
0x71: {  	v19 =	vperm.xlane v18, v4;
	_ =	sdelay $0x1  }
0x72: {  	vm0 =	vlt.s32 v18, v19  }
0x73: {  	v18 =	vsel vm0, v18, v19  }
0x74: {  	vm0 =	veq.s32 v18, v2  }
0x75: {  	v17 =	vsel vm0, $0xBF800000, v53  }
0x76: {  	v56 =	vperm.xlane v17, v0;
	_ =	sdelay $0x1  }
0x77: {  	v19 =	vmax.f32 v17, v56  }
0x78: {  	v57 =	vperm.xlane v19, v1;
	_ =	sdelay $0x1  }
0x79: {  	v19 =	vmax.f32 v19, v57  }
0x7a: {  	v20 =	vperm.xlane v19, v3;
	_ =	sdelay $0x1  }
0x7b: {  	v19 =	vmax.f32 v19, v20  }
0x7c: {  	v20 =	vperm.xlane v19, v4;
	_ =	sdelay $0x1  }
0x7d: {  	vm13 =	veq.s32 v16, v2;
	v19 =	vmax.f32 v19, v20  }
0x7e: {  	v15 =	vsel vm13, v19, v15  }
0x7f: {  	s29 =	sand.u32 $0xF, s17;
	v19 =	vperm.xlane v15, v0  }
0x80: {  	s30 =	sshra.s32 s17, $0x1F;
	p1 =	slt.s32 s17, $0x1;
	p0 =	sne.s32 s29, $0x0  }
0x81: {  	p0 =	por !p1, !p0;
	s19 =	sshrl.u32 s30, $0x1C;
	v19 =	vmax.f32 v15, v19  }
0x82: {  	p0 =	por !p0, !p0;
	s17 =	sadd.s32 s19, s17;
	s19 =	simm.s32 $0x1;
	v58 =	vperm.xlane v19, v1  }
0x83: {  	s17 =	sshrl.u32 s17, $0x4;
	s19 =	simm.s32 @!p0 $0x0  }
0x84: {  	s17 =	ssub.s32 s17, s19;
	[tilespmem:s18+$0x0] =	vst v17;
	v59 =	vmax.f32 v19, v58  }
0x85: {  	s31 =	sshll.u32 s17, $0x4;
	[tilespmem:s16+$0x4000] =	vst v15;
	v15 =	vperm.xlane v59, v3  }
0x86: {  	v60 =	vld [tilespmem:s31+$0x8000]  }
0x87: {  	v15 =	vmax.f32 v59, v15  }
0x88: {  	v62 =	vperm.xlane v15, v4  }
0x89: {  	v61 =	vshll.u32 v14, $0x7;
	v16 =	vshll.u32 v16, $0x4;
	p0 =	seq.s32 s15, $0x63;
	s17 =	sand.u32 $0xF, s15;
	v63 =	vor.u32 s31, v2  }
0x8a: {  	p1 =	sne.s32 @!p0 s17, $0xF;
	vm14 =	veq.s32 v63, v14;
	v14 =	vmov s17;
	v15 =	vmax.f32 v15, v62  }
0x8b: {  	v16 =	vadd.s32 v16, v61;
	p0 =	por p0, !p1;
	vm15 =	veq.s32 v14, v2;
	v15 =	vsel vm14, v15, v60  }
0x8c: {  	v12 =	vsel vm15, v21, v12;
	v16 =	vadd.s32 v18, v16;
	s16 =	sand.u32 @p0 $0x70, s15;
	[tilespmem:s31+$0x8000] =	vst v15  }
0x8d: {  	v13 =	vsel vm15, v16, v13;
	s15 =	sadd.s32 $0x1, s15;
	[tilespmem:s16+$0x8080] =	vst @p0 v12  }
0x8e: {  	[tilespmem:s16+$0x8100] =	vst @p0 v13;
	p0 =	sne.s32 s15, $0x64  }
.Ltmp1:
0x8f: {  	_ = 	snop;
	(pc) =	sbr.rel @p0 .LBB2_3-.Ltmp1, $1  }
0x90: {  	_ =	sdelay $0x3  }
0x91: {  	[hbm4b:s5+s2] =	stream.linear.scatter [tilespmem:s12], [sflag:$0x1], $0x80, $0x38;
	[tilespmem:$0x8180] =	vst v63  }
0x92: {  	s14 =	sadd.s32 $0x1, s14;
	_ =	swait.ge [sflag:s9], $0x80  }
0x93: {  	p0 =	sne.s32 s14, s8;
	[sflag:s9] =	ssyncset.done $0x0  }
.Ltmp2:
0x94: {  	[sflag:s9] =	ssyncadd.s32 $0xFFFFFF80;
	(pc) =	sbr.rel @p0 .LBB2_2-.Ltmp2, $4  }
0x95: {  	[hbm4b:s6+s2] =	stream.linear.scatter [tilespmem:s13], [sflag:$0x1], $0x80, $0x38;
	[tilespmem:$0x8180] =	vst v63  }
0x96: {  	_ =	swait.ge [sflag:s9], $0x80  }
0x97: {  	[sflag:s9] =	ssyncset.done $0x0  }
0x98: {  	[sflag:s9] =	ssyncadd.s32 $0xFFFFFF80  }
.LBB2_5:
0x99: {  	_ =	sfence.sel $0x180000  }
0x9a: {  	[bflag:$0x0] =	sbarrier.arrive $0xFFFF  }
0x9b: {  	p0 =	sne.s32 s1, $0x0;
	_ =	strace $0x90000047  }
0x9c: {  	s0 =	sadd.s32 @!p0 $0x100000, s0;
	[bflag:$0x2] =	sbarrier.arrive $0xFFFF  }
0x9d: {  	[sflag:s0] =	ssyncadd.tile.s32 @!p0 $0x1;
	_ =	shalt  }
.Lfunc_end2:
_tile_overlayer_lowered:
.L_overlay_start_2:
0x9e: {  	(tag) =	ssettag $0x2  }
0x9f: {  	s0 =	rddreg [dreg:$0x0];
	s2 =	stileid.u32  }
0xa0: {  	s1 =	rddreg [dreg:$0x1];
	p0 =	sne.s32 s2, $0x0  }
0xa1: {  	s3 =	rddreg [dreg:$0x2];
	[bflag:$0x3] =	sbarrier.arrive $0xFFFF;
	s2 =	simm.s32 @!p0 $0x1C01  }
0xa2: {  	[timem:s3], [sflag:s2] =	dma.local @!p0 [hbm:s0], s1  }
0xa3: {  	s0 =	simm.s32 @!p0 $0x1  }
0xa4: {  	_ =	swait.ge @!p0 [sflag:s0], s1  }
0xa5: {  	s1 =	ssub.s32 @!p0 $0x0, s1;
	[sflag:s0] =	ssyncset.done @!p0 $0x0  }
0xa6: {  	[sflag:s0] =	ssyncadd.s32 @!p0 s1  }
0xa7: {  	[bflag:$0x3] =	sbarrier.arrive $0xFFFF  }
0xa8: {  	_ =	shalt  }

</sc_bundles>
